<compile_context>
chip_gen: v7x
topology: tpu7x:2x2x1
jax: 0.10.2.dev20260603
libtpu: 0.0.44.dev20260713+nightly
codegen_flags: <defaults>
</compile_context>

<pallas_src>
import functools

import jax
import jax.numpy as jnp
from jax import lax
from jax.experimental import pallas as pl
from jax.experimental.pallas import tpu as pltpu
from jax.experimental.pallas import tpu_sc as plsc

_N = 10000
_E = 5000
_NNZ = 320000
_D = 128

_NP = 10240
_EP = 5120

_NC = 2
_NS = 16
_NW = _NC * _NS

_CHUNK = 128
_NNZP = 327680
_MAJ = _NNZP // (8 * _CHUNK)
_MAJ_W = _MAJ // _NW
_MAJ_T = _MAJ // _NS
_SEG_MAJ = 2
_NSEG = _MAJ_W // _SEG_MAJ
_SEG_CH = _SEG_MAJ * 8
_NCH_REAL = _NNZ // _CHUNK
_INIT_ROWS = 1000

_mesh = plsc.VectorSubcoreMesh(core_axis_name="c", subcore_axis_name="s")


@functools.partial(
    pl.kernel,
    out_type=(
        jax.ShapeDtypeStruct((_NP,), jnp.float32),
        jax.ShapeDtypeStruct((_EP,), jnp.float32),
    ),
    mesh=_mesh,
    scratch_types=[
        pltpu.VMEM_SHARED((_NP,), jnp.float32),
        pltpu.VMEM((_MAJ_T, 8, _CHUNK), jnp.int32),
        pltpu.VMEM((_CHUNK,), jnp.float32),
        pltpu.SemaphoreType.DMA,
    ],
)
def _degrees(nidx_hbm, hidx_hbm, zeros_hbm, dv_out, de_out,
             acc_sh, idx_v, ones_v, sem):
    c = lax.axis_index("c")
    s = lax.axis_index("s")

    @pl.when(s == 0)
    def _():
        pltpu.sync_copy(zeros_hbm, acc_sh)

    for i in range(_CHUNK // 16):
        ones_v[pl.ds(16 * i, 16)] = jnp.full((16,), 1.0, jnp.float32)

    @pl.when(c == 0)
    def _():
        pltpu.sync_copy(nidx_hbm.at[pl.ds(s * _MAJ_T, _MAJ_T)], idx_v)

    @pl.when(c == 1)
    def _():
        pltpu.sync_copy(hidx_hbm.at[pl.ds(s * _MAJ_T, _MAJ_T)], idx_v)

    plsc.subcore_barrier()

    def real(a, b):
        return (s * _MAJ_T + a) * 8 + b < _NCH_REAL

    def fire(a, b):
        @pl.when(real(a, b))
        def _():
            pltpu.async_copy(ones_v, acc_sh.at[idx_v.at[a, b]], sem,
                             add=True)

    def drain(a, b):
        @pl.when(real(a, b))
        def _():
            pltpu.make_async_copy(ones_v, acc_sh.at[idx_v.at[a, b]],
                                  sem).wait()

    for b in range(8):
        fire(0, b)

    def body(a, carry):
        for b in range(8):
            fire(a, b)
        for b in range(8):
            drain(a - 1, b)
        return carry

    lax.fori_loop(1, _MAJ_T, body, 0)
    for b in range(8):
        drain(_MAJ_T - 1, b)

    plsc.subcore_barrier()

    @pl.when((c == 0) & (s == 0))
    def _():
        pltpu.sync_copy(acc_sh, dv_out)

    @pl.when((c == 1) & (s == 0))
    def _():
        pltpu.sync_copy(acc_sh.at[pl.ds(0, _EP)], de_out)


def _make_agg(acc_rows):
    n_init = acc_rows // _INIT_ROWS

    @functools.partial(
        pl.kernel,
        out_type=jax.ShapeDtypeStruct((_NC, acc_rows, _D), jnp.float32),
        mesh=_mesh,
        scratch_types=[
            pltpu.VMEM_SHARED((acc_rows, _D), jnp.float32),
            pltpu.VMEM((_SEG_MAJ, 8, _CHUNK), jnp.int32),
            pltpu.VMEM((_SEG_MAJ, 8, _CHUNK), jnp.int32),
            pltpu.VMEM((_CHUNK, _D), jnp.float32),
            pltpu.VMEM((_CHUNK, _D), jnp.float32),
            pltpu.SemaphoreType.DMA,
            pltpu.SemaphoreType.DMA,
        ],
    )
    def _agg(tbl_hbm, gidx_hbm, sidx_hbm, zeros_hbm, out_hbm,
             acc_sh, gidx_v, sidx_v, rows0_v, rows1_v, gsem0, gsem1):
        c = lax.axis_index("c")
        s = lax.axis_index("s")
        wid = s * _NC + c

        @pl.when(s < n_init)
        def _():
            pltpu.sync_copy(
                zeros_hbm.at[pl.ds(s * _INIT_ROWS, _INIT_ROWS)],
                acc_sh.at[pl.ds(s * _INIT_ROWS, _INIT_ROWS)])

        plsc.subcore_barrier()

        bufs = (rows0_v, rows1_v)
        gsems = (gsem0, gsem1)

        def start_g(q, k):
            pltpu.async_copy(tbl_hbm.at[gidx_v.at[q // 8, q % 8]],
                             bufs[k], gsems[k])

        def wait_g(q, k):
            pltpu.make_async_copy(tbl_hbm.at[gidx_v.at[q // 8, q % 8]],
                                  bufs[k], gsems[k]).wait()

        def scat(q, k, base_ch):
            @pl.when(base_ch + q < _NCH_REAL)
            def _():
                pltpu.sync_copy(bufs[k], acc_sh.at[sidx_v.at[q // 8, q % 8]],
                                add=True)

        def seg_body(seg, carry):
            base = wid * _MAJ_W + seg * _SEG_MAJ
            base_ch = base * 8
            pltpu.sync_copy(gidx_hbm.at[pl.ds(base, _SEG_MAJ)], gidx_v)
            pltpu.sync_copy(sidx_hbm.at[pl.ds(base, _SEG_MAJ)], sidx_v)
            start_g(0, 0)

            def body(p, carry2):
                q = 2 * p
                start_g(q + 1, 1)
                wait_g(q, 0)
                scat(q, 0, base_ch)

                @pl.when(q + 2 < _SEG_CH)
                def _():
                    start_g(q + 2, 0)

                wait_g(q + 1, 1)
                scat(q + 1, 1, base_ch)
                return carry2

            lax.fori_loop(0, _SEG_CH // 2, body, 0)
            return carry

        lax.fori_loop(0, _NSEG, seg_body, 0)
        plsc.subcore_barrier()

        @pl.when(s < n_init)
        def _():
            pltpu.sync_copy(
                acc_sh.at[pl.ds(s * _INIT_ROWS, _INIT_ROWS)],
                out_hbm.at[c, pl.ds(s * _INIT_ROWS, _INIT_ROWS)])

    return _agg


_agg_edges = _make_agg(_E)
_agg_nodes = _make_agg(_N)


def _proj_body(x_ref, w_ref, b_ref, dv_ref, out_ref):
    h = lax.dot_general(x_ref[...], w_ref[...], (((1,), (1,)), ((), ())),
                        preferred_element_type=jnp.float32)
    dv = dv_ref[...]
    scale = jnp.where(dv > 0, lax.rsqrt(dv), 0.0)
    out_ref[...] = (h + b_ref[...]) * scale


def _edge_body(p_ref, de_ref, out_ref):
    de = de_ref[...]
    inv = jnp.where(de > 0, 1.0 / de, 0.0)
    out_ref[...] = (p_ref[0] + p_ref[1]) * inv


def _node_body(p_ref, dv_ref, out_ref):
    dv = dv_ref[...]
    scale = jnp.where(dv > 0, lax.rsqrt(dv), 0.0)
    out_ref[...] = jnp.maximum((p_ref[0] + p_ref[1]) * scale, 0.0)


def kernel(X, node_idx, hedge_idx, W, b):
    npad = _NNZP - _NNZ
    span = jnp.arange(npad, dtype=jnp.int32)
    nidx3 = jnp.concatenate(
        [node_idx.astype(jnp.int32), span % _N]).reshape(_MAJ, 8, _CHUNK)
    hidx3 = jnp.concatenate(
        [hedge_idx.astype(jnp.int32), span % _E]).reshape(_MAJ, 8, _CHUNK)
    zeros1 = jnp.zeros((_NP,), jnp.float32)
    zeros2 = jnp.zeros((_N, _D), jnp.float32)

    dvp, dep = _degrees(nidx3, hidx3, zeros1)
    dv = dvp[:_N]
    de = dep[:_E]

    hs = pl.pallas_call(
        _proj_body,
        out_shape=jax.ShapeDtypeStruct((_N, _D), jnp.float32),
    )(X, W, b.reshape(1, _D), dv.reshape(_N, 1))

    yep = _agg_edges(hs, nidx3, hidx3, zeros2)

    ye = pl.pallas_call(
        _edge_body,
        out_shape=jax.ShapeDtypeStruct((_E, _D), jnp.float32),
    )(yep, de.reshape(_E, 1))

    zp = _agg_nodes(ye, hidx3, nidx3, zeros2)

    z = pl.pallas_call(
        _node_body,
        out_shape=jax.ShapeDtypeStruct((_N, _D), jnp.float32),
    )(zp, dv.reshape(_N, 1))
    return z

# --- scband reference (transcript-rebuilt; emitter-appended) ---
"""Pipeline reference for scband-hgnnconv-17901423690226 (READ-ONLY COPY).

The authoritative reference and input builder live on the scoring server;
editing this copy changes nothing except your own understanding.
"""

import jax, jax.numpy as jnp
import numpy as np

N_NODES = 10000
N_HEDGES = 5000
NNZ = 320000
D_IN = 128
D_OUT = 128


def setup_inputs(seed: int = 0) -> dict:
    key = jax.random.key(seed)
    k1, k2, k3, k4, k5 = jax.random.split(key, 5)
    X = jax.random.normal(k1, (N_NODES, D_IN), dtype=jnp.float32)
    node_idx = jax.random.randint(k2, (NNZ,), 0, N_NODES)
    hedge_idx = jax.random.randint(k3, (NNZ,), 0, N_HEDGES)
    W = jax.random.normal(k4, (D_OUT, D_IN), dtype=jnp.float32) * (1.0 / np.sqrt(D_IN))
    b = jax.random.normal(k5, (D_OUT,), dtype=jnp.float32) * 0.01
    return {"X": X, "node_idx": node_idx, "hedge_idx": hedge_idx, "W": W, "b": b}


def reference(X, node_idx, hedge_idx, W, b):
    # theta: linear projection
    H = X @ W.T + b
    # hypergraph degrees from incidence pairs (unit hyperedge weights)
    ones = jnp.ones(node_idx.shape[0], dtype=H.dtype)
    dv = jax.ops.segment_sum(ones, node_idx, num_segments=N_NODES)
    de = jax.ops.segment_sum(ones, hedge_idx, num_segments=N_HEDGES)
    dv_isqrt = jnp.where(dv > 0, 1.0 / jnp.sqrt(dv), 0.0)
    de_inv = jnp.where(de > 0, 1.0 / de, 0.0)
    # smoothing_with_HGNN: D_v^{-1/2} H W_e D_e^{-1} H^T D_v^{-1/2} X
    Hs = H * dv_isqrt[:, None]
    msg = jnp.take(Hs, node_idx, axis=0)
    Ye = jax.ops.segment_sum(msg, hedge_idx, num_segments=N_HEDGES)
    Ye = Ye * de_inv[:, None]
    back = jnp.take(Ye, hedge_idx, axis=0)
    Z = jax.ops.segment_sum(back, node_idx, num_segments=N_NODES)
    Z = Z * dv_isqrt[:, None]
    # not is_last: ReLU (dropout is identity in eval mode)
    return jax.nn.relu(Z)

if __name__ == "__main__":
    import jax
    _d = setup_inputs()
    print(jax.jit(kernel)(*tuple(_d.values())))

</pallas_src>

<mosaic_0001>
#map = affine_map<(d0, d1) -> (0, 0, 0)>
#map1 = affine_map<(d0, d1) -> (0)>
module attributes {stable_mosaic.version = 14 : i64} {
  func.func @_degrees(%arg0: i32, %arg1: i32, %arg2: memref<320x8x128xi32, #tpu.memory_space<hbm>>, %arg3: memref<320x8x128xi32, #tpu.memory_space<hbm>>, %arg4: memref<10240xf32, #tpu.memory_space<hbm>>, %arg5: memref<10240xf32, #tpu.memory_space<hbm>>, %arg6: memref<5120xf32, #tpu.memory_space<hbm>>, %arg7: memref<10240xf32, #tpu.memory_space<vmem_shared>>, %arg8: memref<20x8x128xi32, #tpu.memory_space<vmem>>, %arg9: memref<128xf32, #tpu.memory_space<vmem>>, %arg10: memref<!tpu.dma_semaphore, #tpu.memory_space<semaphore_mem>>) attributes {dimension_semantics = [#tpu.dimension_semantics<core_parallel>, #tpu.dimension_semantics<subcore_parallel>], iteration_bounds = array<i64: 2, 16>, scalar_prefetch = 0 : i64, scratch_operands = 4 : i64, tpu.core_type = #tpu.core_type<sc_vector_subcore>, window_params = [{transform_indices = #map}, {transform_indices = #map}, {transform_indices = #map1}, {transform_indices = #map1}, {transform_indices = #map1}]} {
    %eq3A = arith.constant 0 : i32
    %eq3A_0 = arith.cmpi eq, %arg1, %eq3A : i32
    %convert_element_type3A = arith.extui %eq3A_0 : i1 to i32
    %cond3A = arith.constant 0 : i32
    %cond3A_1 = arith.cmpi ne, %convert_element_type3A, %cond3A : i32
    scf.if %cond3A_1 {
      "tpu.region"() ({
        %run_scoped3A = tpu.sem_alloc : memref<!tpu.dma_semaphore, #tpu.memory_space<semaphore_mem>>
        tpu.enqueue_dma source(%arg4 : memref<10240xf32, #tpu.memory_space<hbm>>) target(%arg7 : memref<10240xf32, #tpu.memory_space<vmem_shared>>) target_semaphore(%run_scoped3A : memref<!tpu.dma_semaphore, #tpu.memory_space<semaphore_mem>>)
        tpu.wait_dma2 semaphore(%run_scoped3A : memref<!tpu.dma_semaphore, #tpu.memory_space<semaphore_mem>>) src(%arg4 : memref<10240xf32, #tpu.memory_space<hbm>>) dst(%arg7 : memref<10240xf32, #tpu.memory_space<vmem_shared>>)
        tpu.yield
      }) : () -> ()
    } else {
    }
    %broadcast_in_dim3A = arith.constant 1.000000e+00 : f32
    %broadcast_in_dim3A_2 = vector.broadcast %broadcast_in_dim3A : f32 to vector<16xf32>
    %swap3A = arith.constant 0 : index
    %swap3A_3 = tpu.vector_load %arg9[%swap3A] {strides = array<i32>} : memref<128xf32, #tpu.memory_space<vmem>>, vector<16xf32>,
    %swap3A_4 = vector.shape_cast %swap3A_3 : vector<16xf32> to vector<16xf32>
    %swap3A_5 = vector.shape_cast %broadcast_in_dim3A_2 : vector<16xf32> to vector<16xf32>
    tpu.vector_store %arg9[%swap3A], %swap3A_5 {strides = array<i32>} : memref<128xf32, #tpu.memory_space<vmem>>, vector<16xf32>,
    %broadcast_in_dim3A_6 = arith.constant 1.000000e+00 : f32
    %broadcast_in_dim3A_7 = vector.broadcast %broadcast_in_dim3A_6 : f32 to vector<16xf32>
    %swap3A_8 = arith.constant 16 : index
    %swap3A_9 = tpu.vector_load %arg9[%swap3A_8] {strides = array<i32>} : memref<128xf32, #tpu.memory_space<vmem>>, vector<16xf32>,
    %swap3A_10 = vector.shape_cast %swap3A_9 : vector<16xf32> to vector<16xf32>
    %swap3A_11 = vector.shape_cast %broadcast_in_dim3A_7 : vector<16xf32> to vector<16xf32>
    tpu.vector_store %arg9[%swap3A_8], %swap3A_11 {strides = array<i32>} : memref<128xf32, #tpu.memory_space<vmem>>, vector<16xf32>,
    %broadcast_in_dim3A_12 = arith.constant 1.000000e+00 : f32
    %broadcast_in_dim3A_13 = vector.broadcast %broadcast_in_dim3A_12 : f32 to vector<16xf32>
    %swap3A_14 = arith.constant 32 : index
    %swap3A_15 = tpu.vector_load %arg9[%swap3A_14] {strides = array<i32>} : memref<128xf32, #tpu.memory_space<vmem>>, vector<16xf32>,
    %swap3A_16 = vector.shape_cast %swap3A_15 : vector<16xf32> to vector<16xf32>
    %swap3A_17 = vector.shape_cast %broadcast_in_dim3A_13 : vector<16xf32> to vector<16xf32>
    tpu.vector_store %arg9[%swap3A_14], %swap3A_17 {strides = array<i32>} : memref<128xf32, #tpu.memory_space<vmem>>, vector<16xf32>,
    %broadcast_in_dim3A_18 = arith.constant 1.000000e+00 : f32
    %broadcast_in_dim3A_19 = vector.broadcast %broadcast_in_dim3A_18 : f32 to vector<16xf32>
    %swap3A_20 = arith.constant 48 : index
    %swap3A_21 = tpu.vector_load %arg9[%swap3A_20] {strides = array<i32>} : memref<128xf32, #tpu.memory_space<vmem>>, vector<16xf32>,
    %swap3A_22 = vector.shape_cast %swap3A_21 : vector<16xf32> to vector<16xf32>
    %swap3A_23 = vector.shape_cast %broadcast_in_dim3A_19 : vector<16xf32> to vector<16xf32>
    tpu.vector_store %arg9[%swap3A_20], %swap3A_23 {strides = array<i32>} : memref<128xf32, #tpu.memory_space<vmem>>, vector<16xf32>,
    %broadcast_in_dim3A_24 = arith.constant 1.000000e+00 : f32
    %broadcast_in_dim3A_25 = vector.broadcast %broadcast_in_dim3A_24 : f32 to vector<16xf32>
    %swap3A_26 = arith.constant 64 : index
    %swap3A_27 = tpu.vector_load %arg9[%swap3A_26] {strides = array<i32>} : memref<128xf32, #tpu.memory_space<vmem>>, vector<16xf32>,
    %swap3A_28 = vector.shape_cast %swap3A_27 : vector<16xf32> to vector<16xf32>
    %swap3A_29 = vector.shape_cast %broadcast_in_dim3A_25 : vector<16xf32> to vector<16xf32>
    tpu.vector_store %arg9[%swap3A_26], %swap3A_29 {strides = array<i32>} : memref<128xf32, #tpu.memory_space<vmem>>, vector<16xf32>,
    %broadcast_in_dim3A_30 = arith.constant 1.000000e+00 : f32
    %broadcast_in_dim3A_31 = vector.broadcast %broadcast_in_dim3A_30 : f32 to vector<16xf32>
    %swap3A_32 = arith.constant 80 : index
    %swap3A_33 = tpu.vector_load %arg9[%swap3A_32] {strides = array<i32>} : memref<128xf32, #tpu.memory_space<vmem>>, vector<16xf32>,
    %swap3A_34 = vector.shape_cast %swap3A_33 : vector<16xf32> to vector<16xf32>
    %swap3A_35 = vector.shape_cast %broadcast_in_dim3A_31 : vector<16xf32> to vector<16xf32>
    tpu.vector_store %arg9[%swap3A_32], %swap3A_35 {strides = array<i32>} : memref<128xf32, #tpu.memory_space<vmem>>, vector<16xf32>,
    %broadcast_in_dim3A_36 = arith.constant 1.000000e+00 : f32
    %broadcast_in_dim3A_37 = vector.broadcast %broadcast_in_dim3A_36 : f32 to vector<16xf32>
    %swap3A_38 = arith.constant 96 : index
    %swap3A_39 = tpu.vector_load %arg9[%swap3A_38] {strides = array<i32>} : memref<128xf32, #tpu.memory_space<vmem>>, vector<16xf32>,
    %swap3A_40 = vector.shape_cast %swap3A_39 : vector<16xf32> to vector<16xf32>
    %swap3A_41 = vector.shape_cast %broadcast_in_dim3A_37 : vector<16xf32> to vector<16xf32>
    tpu.vector_store %arg9[%swap3A_38], %swap3A_41 {strides = array<i32>} : memref<128xf32, #tpu.memory_space<vmem>>, vector<16xf32>,
    %broadcast_in_dim3A_42 = arith.constant 1.000000e+00 : f32
    %broadcast_in_dim3A_43 = vector.broadcast %broadcast_in_dim3A_42 : f32 to vector<16xf32>
    %swap3A_44 = arith.constant 112 : index
    %swap3A_45 = tpu.vector_load %arg9[%swap3A_44] {strides = array<i32>} : memref<128xf32, #tpu.memory_space<vmem>>, vector<16xf32>,
    %swap3A_46 = vector.shape_cast %swap3A_45 : vector<16xf32> to vector<16xf32>
    %swap3A_47 = vector.shape_cast %broadcast_in_dim3A_43 : vector<16xf32> to vector<16xf32>
    tpu.vector_store %arg9[%swap3A_44], %swap3A_47 {strides = array<i32>} : memref<128xf32, #tpu.memory_space<vmem>>, vector<16xf32>,
    %eq3A_48 = arith.constant 0 : i32
    %eq3A_49 = arith.cmpi eq, %arg0, %eq3A_48 : i32
    %convert_element_type3A_50 = arith.extui %eq3A_49 : i1 to i32
    %cond3A_51 = arith.constant 0 : i32
    %cond3A_52 = arith.cmpi ne, %convert_element_type3A_50, %cond3A_51 : i32
    scf.if %cond3A_52 {
      %mul3A_284 = arith.constant 20 : i32
      %mul3A_285 = arith.muli %arg1, %mul3A_284 : i32
      "tpu.region"() ({
        %run_scoped3A = tpu.sem_alloc : memref<!tpu.dma_semaphore, #tpu.memory_space<semaphore_mem>>
        %dma_start3A = arith.constant 0 : i32
        %dma_start3A_286 = arith.constant 0 : i32
        %dma_start3A_287 = tpu.memref_slice %arg2[%mul3A_285, %dma_start3A, %dma_start3A_286] : memref<320x8x128xi32, #tpu.memory_space<hbm>> -> memref<20x8x128xi32, #tpu.memory_space<hbm>>
        %dma_start3A_288 = arith.constant 0 : i32
        %dma_start3A_289 = arith.constant 0 : i32
        %dma_start3A_290 = tpu.memref_slice %arg2[%mul3A_285, %dma_start3A_288, %dma_start3A_289] : memref<320x8x128xi32, #tpu.memory_space<hbm>> -> memref<20x8x128xi32, #tpu.memory_space<hbm>>
        tpu.enqueue_dma source(%dma_start3A_290 : memref<20x8x128xi32, #tpu.memory_space<hbm>>) target(%arg8 : memref<20x8x128xi32, #tpu.memory_space<vmem>>) target_semaphore(%run_scoped3A : memref<!tpu.dma_semaphore, #tpu.memory_space<semaphore_mem>>)
        %dma_wait3A = arith.constant 0 : i32
        %dma_wait3A_291 = arith.constant 0 : i32
        %dma_wait3A_292 = tpu.memref_slice %arg2[%mul3A_285, %dma_wait3A, %dma_wait3A_291] : memref<320x8x128xi32, #tpu.memory_space<hbm>> -> memref<20x8x128xi32, #tpu.memory_space<hbm>>
        %dma_wait3A_293 = arith.constant 0 : i32
        %dma_wait3A_294 = arith.constant 0 : i32
        %dma_wait3A_295 = tpu.memref_slice %arg2[%mul3A_285, %dma_wait3A_293, %dma_wait3A_294] : memref<320x8x128xi32, #tpu.memory_space<hbm>> -> memref<20x8x128xi32, #tpu.memory_space<hbm>>
        tpu.wait_dma2 semaphore(%run_scoped3A : memref<!tpu.dma_semaphore, #tpu.memory_space<semaphore_mem>>) src(%dma_wait3A_295 : memref<20x8x128xi32, #tpu.memory_space<hbm>>) dst(%arg8 : memref<20x8x128xi32, #tpu.memory_space<vmem>>)
        tpu.yield
      }) : () -> ()
    } else {
    }
    %eq3A_53 = arith.constant 1 : i32
    %eq3A_54 = arith.cmpi eq, %arg0, %eq3A_53 : i32
    %convert_element_type3A_55 = arith.extui %eq3A_54 : i1 to i32
    %cond3A_56 = arith.constant 0 : i32
    %cond3A_57 = arith.cmpi ne, %convert_element_type3A_55, %cond3A_56 : i32
    scf.if %cond3A_57 {
      %mul3A_284 = arith.constant 20 : i32
      %mul3A_285 = arith.muli %arg1, %mul3A_284 : i32
      "tpu.region"() ({
        %run_scoped3A = tpu.sem_alloc : memref<!tpu.dma_semaphore, #tpu.memory_space<semaphore_mem>>
        %dma_start3A = arith.constant 0 : i32
        %dma_start3A_286 = arith.constant 0 : i32
        %dma_start3A_287 = tpu.memref_slice %arg3[%mul3A_285, %dma_start3A, %dma_start3A_286] : memref<320x8x128xi32, #tpu.memory_space<hbm>> -> memref<20x8x128xi32, #tpu.memory_space<hbm>>
        %dma_start3A_288 = arith.constant 0 : i32
        %dma_start3A_289 = arith.constant 0 : i32
        %dma_start3A_290 = tpu.memref_slice %arg3[%mul3A_285, %dma_start3A_288, %dma_start3A_289] : memref<320x8x128xi32, #tpu.memory_space<hbm>> -> memref<20x8x128xi32, #tpu.memory_space<hbm>>
        tpu.enqueue_dma source(%dma_start3A_290 : memref<20x8x128xi32, #tpu.memory_space<hbm>>) target(%arg8 : memref<20x8x128xi32, #tpu.memory_space<vmem>>) target_semaphore(%run_scoped3A : memref<!tpu.dma_semaphore, #tpu.memory_space<semaphore_mem>>)
        %dma_wait3A = arith.constant 0 : i32
        %dma_wait3A_291 = arith.constant 0 : i32
        %dma_wait3A_292 = tpu.memref_slice %arg3[%mul3A_285, %dma_wait3A, %dma_wait3A_291] : memref<320x8x128xi32, #tpu.memory_space<hbm>> -> memref<20x8x128xi32, #tpu.memory_space<hbm>>
        %dma_wait3A_293 = arith.constant 0 : i32
        %dma_wait3A_294 = arith.constant 0 : i32
        %dma_wait3A_295 = tpu.memref_slice %arg3[%mul3A_285, %dma_wait3A_293, %dma_wait3A_294] : memref<320x8x128xi32, #tpu.memory_space<hbm>> -> memref<20x8x128xi32, #tpu.memory_space<hbm>>
        tpu.wait_dma2 semaphore(%run_scoped3A : memref<!tpu.dma_semaphore, #tpu.memory_space<semaphore_mem>>) src(%dma_wait3A_295 : memref<20x8x128xi32, #tpu.memory_space<hbm>>) dst(%arg8 : memref<20x8x128xi32, #tpu.memory_space<vmem>>)
        tpu.yield
      }) : () -> ()
    } else {
    }
    %barrier3A = arith.constant 0 : index
    tpu.barrier barrier_id(%barrier3A)
    %mul3A = arith.constant 20 : i32
    %mul3A_58 = arith.muli %arg1, %mul3A : i32
    %add3A = arith.constant 0 : i32
    %add3A_59 = arith.addi %mul3A_58, %add3A : i32
    %mul3A_60 = arith.constant 8 : i32
    %mul3A_61 = arith.muli %add3A_59, %mul3A_60 : i32
    %add3A_62 = arith.constant 0 : i32
    %add3A_63 = arith.addi %mul3A_61, %add3A_62 : i32
    %lt3A = arith.constant 2500 : i32
    %lt3A_64 = arith.cmpi slt, %add3A_63, %lt3A : i32
    %convert_element_type3A_65 = arith.extui %lt3A_64 : i1 to i32
    %cond3A_66 = arith.constant 0 : i32
    %cond3A_67 = arith.cmpi ne, %convert_element_type3A_65, %cond3A_66 : i32
    scf.if %cond3A_67 {
      %dma_start3A = arith.constant 0 : i32
      %dma_start3A_284 = arith.constant 0 : i32
      %dma_start3A_285 = arith.constant 0 : i32
      %dma_start3A_286 = tpu.memref_slice %arg8[%dma_start3A, %dma_start3A_284, %dma_start3A_285] : memref<20x8x128xi32, #tpu.memory_space<vmem>> -> memref<1x1x128xi32, #tpu.memory_space<vmem>>
      %dma_start3A_287 = tpu.memref_squeeze %dma_start3A_286 : memref<1x1x128xi32, #tpu.memory_space<vmem>> -> memref<128xi32, #tpu.memory_space<vmem>>
      %dma_start3A_288 = arith.constant 0 : i32
      %dma_start3A_289 = tpu.memref_slice %arg7[%dma_start3A_288] : memref<10240xf32, #tpu.memory_space<vmem_shared>> -> memref<10240xf32, #tpu.memory_space<vmem_shared>>
      tpu.enqueue_indirect_dma source(%arg9 : memref<128xf32, #tpu.memory_space<vmem>>) target(%dma_start3A_289 : memref<10240xf32, #tpu.memory_space<vmem_shared>>) offsets(%dma_start3A_287 : memref<128xi32, #tpu.memory_space<vmem>>) semaphore(%arg10 : memref<!tpu.dma_semaphore, #tpu.memory_space<semaphore_mem>>) {add = true}
    } else {
    }
    %mul3A_68 = arith.constant 20 : i32
    %mul3A_69 = arith.muli %arg1, %mul3A_68 : i32
    %add3A_70 = arith.constant 0 : i32
    %add3A_71 = arith.addi %mul3A_69, %add3A_70 : i32
    %mul3A_72 = arith.constant 8 : i32
    %mul3A_73 = arith.muli %add3A_71, %mul3A_72 : i32
    %add3A_74 = arith.constant 1 : i32
    %add3A_75 = arith.addi %mul3A_73, %add3A_74 : i32
    %lt3A_76 = arith.constant 2500 : i32
    %lt3A_77 = arith.cmpi slt, %add3A_75, %lt3A_76 : i32
    %convert_element_type3A_78 = arith.extui %lt3A_77 : i1 to i32
    %cond3A_79 = arith.constant 0 : i32
    %cond3A_80 = arith.cmpi ne, %convert_element_type3A_78, %cond3A_79 : i32
    scf.if %cond3A_80 {
      %dma_start3A = arith.constant 0 : i32
      %dma_start3A_284 = arith.constant 1 : i32
      %dma_start3A_285 = arith.constant 0 : i32
      %dma_start3A_286 = tpu.memref_slice %arg8[%dma_start3A, %dma_start3A_284, %dma_start3A_285] : memref<20x8x128xi32, #tpu.memory_space<vmem>> -> memref<1x1x128xi32, #tpu.memory_space<vmem>>
      %dma_start3A_287 = tpu.memref_squeeze %dma_start3A_286 : memref<1x1x128xi32, #tpu.memory_space<vmem>> -> memref<128xi32, #tpu.memory_space<vmem>>
      %dma_start3A_288 = arith.constant 0 : i32
      %dma_start3A_289 = tpu.memref_slice %arg7[%dma_start3A_288] : memref<10240xf32, #tpu.memory_space<vmem_shared>> -> memref<10240xf32, #tpu.memory_space<vmem_shared>>
      tpu.enqueue_indirect_dma source(%arg9 : memref<128xf32, #tpu.memory_space<vmem>>) target(%dma_start3A_289 : memref<10240xf32, #tpu.memory_space<vmem_shared>>) offsets(%dma_start3A_287 : memref<128xi32, #tpu.memory_space<vmem>>) semaphore(%arg10 : memref<!tpu.dma_semaphore, #tpu.memory_space<semaphore_mem>>) {add = true}
    } else {
    }
    %mul3A_81 = arith.constant 20 : i32
    %mul3A_82 = arith.muli %arg1, %mul3A_81 : i32
    %add3A_83 = arith.constant 0 : i32
    %add3A_84 = arith.addi %mul3A_82, %add3A_83 : i32
    %mul3A_85 = arith.constant 8 : i32
    %mul3A_86 = arith.muli %add3A_84, %mul3A_85 : i32
    %add3A_87 = arith.constant 2 : i32
    %add3A_88 = arith.addi %mul3A_86, %add3A_87 : i32
    %lt3A_89 = arith.constant 2500 : i32
    %lt3A_90 = arith.cmpi slt, %add3A_88, %lt3A_89 : i32
    %convert_element_type3A_91 = arith.extui %lt3A_90 : i1 to i32
    %cond3A_92 = arith.constant 0 : i32
    %cond3A_93 = arith.cmpi ne, %convert_element_type3A_91, %cond3A_92 : i32
    scf.if %cond3A_93 {
      %dma_start3A = arith.constant 0 : i32
      %dma_start3A_284 = arith.constant 2 : i32
      %dma_start3A_285 = arith.constant 0 : i32
      %dma_start3A_286 = tpu.memref_slice %arg8[%dma_start3A, %dma_start3A_284, %dma_start3A_285] : memref<20x8x128xi32, #tpu.memory_space<vmem>> -> memref<1x1x128xi32, #tpu.memory_space<vmem>>
      %dma_start3A_287 = tpu.memref_squeeze %dma_start3A_286 : memref<1x1x128xi32, #tpu.memory_space<vmem>> -> memref<128xi32, #tpu.memory_space<vmem>>
      %dma_start3A_288 = arith.constant 0 : i32
      %dma_start3A_289 = tpu.memref_slice %arg7[%dma_start3A_288] : memref<10240xf32, #tpu.memory_space<vmem_shared>> -> memref<10240xf32, #tpu.memory_space<vmem_shared>>
      tpu.enqueue_indirect_dma source(%arg9 : memref<128xf32, #tpu.memory_space<vmem>>) target(%dma_start3A_289 : memref<10240xf32, #tpu.memory_space<vmem_shared>>) offsets(%dma_start3A_287 : memref<128xi32, #tpu.memory_space<vmem>>) semaphore(%arg10 : memref<!tpu.dma_semaphore, #tpu.memory_space<semaphore_mem>>) {add = true}
    } else {
    }
    %mul3A_94 = arith.constant 20 : i32
    %mul3A_95 = arith.muli %arg1, %mul3A_94 : i32
    %add3A_96 = arith.constant 0 : i32
    %add3A_97 = arith.addi %mul3A_95, %add3A_96 : i32
    %mul3A_98 = arith.constant 8 : i32
    %mul3A_99 = arith.muli %add3A_97, %mul3A_98 : i32
    %add3A_100 = arith.constant 3 : i32
    %add3A_101 = arith.addi %mul3A_99, %add3A_100 : i32
    %lt3A_102 = arith.constant 2500 : i32
    %lt3A_103 = arith.cmpi slt, %add3A_101, %lt3A_102 : i32
    %convert_element_type3A_104 = arith.extui %lt3A_103 : i1 to i32
    %cond3A_105 = arith.constant 0 : i32
    %cond3A_106 = arith.cmpi ne, %convert_element_type3A_104, %cond3A_105 : i32
    scf.if %cond3A_106 {
      %dma_start3A = arith.constant 0 : i32
      %dma_start3A_284 = arith.constant 3 : i32
      %dma_start3A_285 = arith.constant 0 : i32
      %dma_start3A_286 = tpu.memref_slice %arg8[%dma_start3A, %dma_start3A_284, %dma_start3A_285] : memref<20x8x128xi32, #tpu.memory_space<vmem>> -> memref<1x1x128xi32, #tpu.memory_space<vmem>>
      %dma_start3A_287 = tpu.memref_squeeze %dma_start3A_286 : memref<1x1x128xi32, #tpu.memory_space<vmem>> -> memref<128xi32, #tpu.memory_space<vmem>>
      %dma_start3A_288 = arith.constant 0 : i32
      %dma_start3A_289 = tpu.memref_slice %arg7[%dma_start3A_288] : memref<10240xf32, #tpu.memory_space<vmem_shared>> -> memref<10240xf32, #tpu.memory_space<vmem_shared>>
      tpu.enqueue_indirect_dma source(%arg9 : memref<128xf32, #tpu.memory_space<vmem>>) target(%dma_start3A_289 : memref<10240xf32, #tpu.memory_space<vmem_shared>>) offsets(%dma_start3A_287 : memref<128xi32, #tpu.memory_space<vmem>>) semaphore(%arg10 : memref<!tpu.dma_semaphore, #tpu.memory_space<semaphore_mem>>) {add = true}
    } else {
    }
    %mul3A_107 = arith.constant 20 : i32
    %mul3A_108 = arith.muli %arg1, %mul3A_107 : i32
    %add3A_109 = arith.constant 0 : i32
    %add3A_110 = arith.addi %mul3A_108, %add3A_109 : i32
    %mul3A_111 = arith.constant 8 : i32
    %mul3A_112 = arith.muli %add3A_110, %mul3A_111 : i32
    %add3A_113 = arith.constant 4 : i32
    %add3A_114 = arith.addi %mul3A_112, %add3A_113 : i32
    %lt3A_115 = arith.constant 2500 : i32
    %lt3A_116 = arith.cmpi slt, %add3A_114, %lt3A_115 : i32
    %convert_element_type3A_117 = arith.extui %lt3A_116 : i1 to i32
    %cond3A_118 = arith.constant 0 : i32
    %cond3A_119 = arith.cmpi ne, %convert_element_type3A_117, %cond3A_118 : i32
    scf.if %cond3A_119 {
      %dma_start3A = arith.constant 0 : i32
      %dma_start3A_284 = arith.constant 4 : i32
      %dma_start3A_285 = arith.constant 0 : i32
      %dma_start3A_286 = tpu.memref_slice %arg8[%dma_start3A, %dma_start3A_284, %dma_start3A_285] : memref<20x8x128xi32, #tpu.memory_space<vmem>> -> memref<1x1x128xi32, #tpu.memory_space<vmem>>
      %dma_start3A_287 = tpu.memref_squeeze %dma_start3A_286 : memref<1x1x128xi32, #tpu.memory_space<vmem>> -> memref<128xi32, #tpu.memory_space<vmem>>
      %dma_start3A_288 = arith.constant 0 : i32
      %dma_start3A_289 = tpu.memref_slice %arg7[%dma_start3A_288] : memref<10240xf32, #tpu.memory_space<vmem_shared>> -> memref<10240xf32, #tpu.memory_space<vmem_shared>>
      tpu.enqueue_indirect_dma source(%arg9 : memref<128xf32, #tpu.memory_space<vmem>>) target(%dma_start3A_289 : memref<10240xf32, #tpu.memory_space<vmem_shared>>) offsets(%dma_start3A_287 : memref<128xi32, #tpu.memory_space<vmem>>) semaphore(%arg10 : memref<!tpu.dma_semaphore, #tpu.memory_space<semaphore_mem>>) {add = true}
    } else {
    }
    %mul3A_120 = arith.constant 20 : i32
    %mul3A_121 = arith.muli %arg1, %mul3A_120 : i32
    %add3A_122 = arith.constant 0 : i32
    %add3A_123 = arith.addi %mul3A_121, %add3A_122 : i32
    %mul3A_124 = arith.constant 8 : i32
    %mul3A_125 = arith.muli %add3A_123, %mul3A_124 : i32
    %add3A_126 = arith.constant 5 : i32
    %add3A_127 = arith.addi %mul3A_125, %add3A_126 : i32
    %lt3A_128 = arith.constant 2500 : i32
    %lt3A_129 = arith.cmpi slt, %add3A_127, %lt3A_128 : i32
    %convert_element_type3A_130 = arith.extui %lt3A_129 : i1 to i32
    %cond3A_131 = arith.constant 0 : i32
    %cond3A_132 = arith.cmpi ne, %convert_element_type3A_130, %cond3A_131 : i32
    scf.if %cond3A_132 {
      %dma_start3A = arith.constant 0 : i32
      %dma_start3A_284 = arith.constant 5 : i32
      %dma_start3A_285 = arith.constant 0 : i32
      %dma_start3A_286 = tpu.memref_slice %arg8[%dma_start3A, %dma_start3A_284, %dma_start3A_285] : memref<20x8x128xi32, #tpu.memory_space<vmem>> -> memref<1x1x128xi32, #tpu.memory_space<vmem>>
      %dma_start3A_287 = tpu.memref_squeeze %dma_start3A_286 : memref<1x1x128xi32, #tpu.memory_space<vmem>> -> memref<128xi32, #tpu.memory_space<vmem>>
      %dma_start3A_288 = arith.constant 0 : i32
      %dma_start3A_289 = tpu.memref_slice %arg7[%dma_start3A_288] : memref<10240xf32, #tpu.memory_space<vmem_shared>> -> memref<10240xf32, #tpu.memory_space<vmem_shared>>
      tpu.enqueue_indirect_dma source(%arg9 : memref<128xf32, #tpu.memory_space<vmem>>) target(%dma_start3A_289 : memref<10240xf32, #tpu.memory_space<vmem_shared>>) offsets(%dma_start3A_287 : memref<128xi32, #tpu.memory_space<vmem>>) semaphore(%arg10 : memref<!tpu.dma_semaphore, #tpu.memory_space<semaphore_mem>>) {add = true}
    } else {
    }
    %mul3A_133 = arith.constant 20 : i32
    %mul3A_134 = arith.muli %arg1, %mul3A_133 : i32
    %add3A_135 = arith.constant 0 : i32
    %add3A_136 = arith.addi %mul3A_134, %add3A_135 : i32
    %mul3A_137 = arith.constant 8 : i32
    %mul3A_138 = arith.muli %add3A_136, %mul3A_137 : i32
    %add3A_139 = arith.constant 6 : i32
    %add3A_140 = arith.addi %mul3A_138, %add3A_139 : i32
    %lt3A_141 = arith.constant 2500 : i32
    %lt3A_142 = arith.cmpi slt, %add3A_140, %lt3A_141 : i32
    %convert_element_type3A_143 = arith.extui %lt3A_142 : i1 to i32
    %cond3A_144 = arith.constant 0 : i32
    %cond3A_145 = arith.cmpi ne, %convert_element_type3A_143, %cond3A_144 : i32
    scf.if %cond3A_145 {
      %dma_start3A = arith.constant 0 : i32
      %dma_start3A_284 = arith.constant 6 : i32
      %dma_start3A_285 = arith.constant 0 : i32
      %dma_start3A_286 = tpu.memref_slice %arg8[%dma_start3A, %dma_start3A_284, %dma_start3A_285] : memref<20x8x128xi32, #tpu.memory_space<vmem>> -> memref<1x1x128xi32, #tpu.memory_space<vmem>>
      %dma_start3A_287 = tpu.memref_squeeze %dma_start3A_286 : memref<1x1x128xi32, #tpu.memory_space<vmem>> -> memref<128xi32, #tpu.memory_space<vmem>>
      %dma_start3A_288 = arith.constant 0 : i32
      %dma_start3A_289 = tpu.memref_slice %arg7[%dma_start3A_288] : memref<10240xf32, #tpu.memory_space<vmem_shared>> -> memref<10240xf32, #tpu.memory_space<vmem_shared>>
      tpu.enqueue_indirect_dma source(%arg9 : memref<128xf32, #tpu.memory_space<vmem>>) target(%dma_start3A_289 : memref<10240xf32, #tpu.memory_space<vmem_shared>>) offsets(%dma_start3A_287 : memref<128xi32, #tpu.memory_space<vmem>>) semaphore(%arg10 : memref<!tpu.dma_semaphore, #tpu.memory_space<semaphore_mem>>) {add = true}
    } else {
    }
    %mul3A_146 = arith.constant 20 : i32
    %mul3A_147 = arith.muli %arg1, %mul3A_146 : i32
    %add3A_148 = arith.constant 0 : i32
    %add3A_149 = arith.addi %mul3A_147, %add3A_148 : i32
    %mul3A_150 = arith.constant 8 : i32
    %mul3A_151 = arith.muli %add3A_149, %mul3A_150 : i32
    %add3A_152 = arith.constant 7 : i32
    %add3A_153 = arith.addi %mul3A_151, %add3A_152 : i32
    %lt3A_154 = arith.constant 2500 : i32
    %lt3A_155 = arith.cmpi slt, %add3A_153, %lt3A_154 : i32
    %convert_element_type3A_156 = arith.extui %lt3A_155 : i1 to i32
    %cond3A_157 = arith.constant 0 : i32
    %cond3A_158 = arith.cmpi ne, %convert_element_type3A_156, %cond3A_157 : i32
    scf.if %cond3A_158 {
      %dma_start3A = arith.constant 0 : i32
      %dma_start3A_284 = arith.constant 7 : i32
      %dma_start3A_285 = arith.constant 0 : i32
      %dma_start3A_286 = tpu.memref_slice %arg8[%dma_start3A, %dma_start3A_284, %dma_start3A_285] : memref<20x8x128xi32, #tpu.memory_space<vmem>> -> memref<1x1x128xi32, #tpu.memory_space<vmem>>
      %dma_start3A_287 = tpu.memref_squeeze %dma_start3A_286 : memref<1x1x128xi32, #tpu.memory_space<vmem>> -> memref<128xi32, #tpu.memory_space<vmem>>
      %dma_start3A_288 = arith.constant 0 : i32
      %dma_start3A_289 = tpu.memref_slice %arg7[%dma_start3A_288] : memref<10240xf32, #tpu.memory_space<vmem_shared>> -> memref<10240xf32, #tpu.memory_space<vmem_shared>>
      tpu.enqueue_indirect_dma source(%arg9 : memref<128xf32, #tpu.memory_space<vmem>>) target(%dma_start3A_289 : memref<10240xf32, #tpu.memory_space<vmem_shared>>) offsets(%dma_start3A_287 : memref<128xi32, #tpu.memory_space<vmem>>) semaphore(%arg10 : memref<!tpu.dma_semaphore, #tpu.memory_space<semaphore_mem>>) {add = true}
    } else {
    }
    %scan3A = arith.constant 0 : i32
    %scan3A_159 = arith.constant 1 : i32
    %scan3A_160 = arith.constant 19 : i32
    %scan3A_161 = arith.addi %scan3A_159, %scan3A_160 : i32
    %scan3A_162 = arith.constant 1 : i32
    scf.for %scan3A_284 = %scan3A_159 to %scan3A_161 step %scan3A_162  : i32 {
      %mul3A_285 = arith.constant 20 : i32
      %mul3A_286 = arith.muli %arg1, %mul3A_285 : i32
      %add3A_287 = arith.addi %mul3A_286, %scan3A_284 : i32
      %mul3A_288 = arith.constant 8 : i32
      %mul3A_289 = arith.muli %add3A_287, %mul3A_288 : i32
      %add3A_290 = arith.constant 0 : i32
      %add3A_291 = arith.addi %mul3A_289, %add3A_290 : i32
      %lt3A_292 = arith.constant 2500 : i32
      %lt3A_293 = arith.cmpi slt, %add3A_291, %lt3A_292 : i32
      %convert_element_type3A_294 = arith.extui %lt3A_293 : i1 to i32
      %cond3A_295 = arith.constant 0 : i32
      %cond3A_296 = arith.cmpi ne, %convert_element_type3A_294, %cond3A_295 : i32
      scf.if %cond3A_296 {
        %dma_start3A = arith.constant 0 : i32
        %dma_start3A_492 = arith.constant 0 : i32
        %dma_start3A_493 = tpu.memref_slice %arg8[%scan3A_284, %dma_start3A, %dma_start3A_492] : memref<20x8x128xi32, #tpu.memory_space<vmem>> -> memref<1x1x128xi32, #tpu.memory_space<vmem>>
        %dma_start3A_494 = tpu.memref_squeeze %dma_start3A_493 : memref<1x1x128xi32, #tpu.memory_space<vmem>> -> memref<128xi32, #tpu.memory_space<vmem>>
        %dma_start3A_495 = arith.constant 0 : i32
        %dma_start3A_496 = tpu.memref_slice %arg7[%dma_start3A_495] : memref<10240xf32, #tpu.memory_space<vmem_shared>> -> memref<10240xf32, #tpu.memory_space<vmem_shared>>
        tpu.enqueue_indirect_dma source(%arg9 : memref<128xf32, #tpu.memory_space<vmem>>) target(%dma_start3A_496 : memref<10240xf32, #tpu.memory_space<vmem_shared>>) offsets(%dma_start3A_494 : memref<128xi32, #tpu.memory_space<vmem>>) semaphore(%arg10 : memref<!tpu.dma_semaphore, #tpu.memory_space<semaphore_mem>>) {add = true}
      } else {
      }
      %mul3A_297 = arith.constant 20 : i32
      %mul3A_298 = arith.muli %arg1, %mul3A_297 : i32
      %add3A_299 = arith.addi %mul3A_298, %scan3A_284 : i32
      %mul3A_300 = arith.constant 8 : i32
      %mul3A_301 = arith.muli %add3A_299, %mul3A_300 : i32
      %add3A_302 = arith.constant 1 : i32
      %add3A_303 = arith.addi %mul3A_301, %add3A_302 : i32
      %lt3A_304 = arith.constant 2500 : i32
      %lt3A_305 = arith.cmpi slt, %add3A_303, %lt3A_304 : i32
      %convert_element_type3A_306 = arith.extui %lt3A_305 : i1 to i32
      %cond3A_307 = arith.constant 0 : i32
      %cond3A_308 = arith.cmpi ne, %convert_element_type3A_306, %cond3A_307 : i32
      scf.if %cond3A_308 {
        %dma_start3A = arith.constant 1 : i32
        %dma_start3A_492 = arith.constant 0 : i32
        %dma_start3A_493 = tpu.memref_slice %arg8[%scan3A_284, %dma_start3A, %dma_start3A_492] : memref<20x8x128xi32, #tpu.memory_space<vmem>> -> memref<1x1x128xi32, #tpu.memory_space<vmem>>
        %dma_start3A_494 = tpu.memref_squeeze %dma_start3A_493 : memref<1x1x128xi32, #tpu.memory_space<vmem>> -> memref<128xi32, #tpu.memory_space<vmem>>
        %dma_start3A_495 = arith.constant 0 : i32
        %dma_start3A_496 = tpu.memref_slice %arg7[%dma_start3A_495] : memref<10240xf32, #tpu.memory_space<vmem_shared>> -> memref<10240xf32, #tpu.memory_space<vmem_shared>>
        tpu.enqueue_indirect_dma source(%arg9 : memref<128xf32, #tpu.memory_space<vmem>>) target(%dma_start3A_496 : memref<10240xf32, #tpu.memory_space<vmem_shared>>) offsets(%dma_start3A_494 : memref<128xi32, #tpu.memory_space<vmem>>) semaphore(%arg10 : memref<!tpu.dma_semaphore, #tpu.memory_space<semaphore_mem>>) {add = true}
      } else {
      }
      %mul3A_309 = arith.constant 20 : i32
      %mul3A_310 = arith.muli %arg1, %mul3A_309 : i32
      %add3A_311 = arith.addi %mul3A_310, %scan3A_284 : i32
      %mul3A_312 = arith.constant 8 : i32
      %mul3A_313 = arith.muli %add3A_311, %mul3A_312 : i32
      %add3A_314 = arith.constant 2 : i32
      %add3A_315 = arith.addi %mul3A_313, %add3A_314 : i32
      %lt3A_316 = arith.constant 2500 : i32
      %lt3A_317 = arith.cmpi slt, %add3A_315, %lt3A_316 : i32
      %convert_element_type3A_318 = arith.extui %lt3A_317 : i1 to i32
      %cond3A_319 = arith.constant 0 : i32
      %cond3A_320 = arith.cmpi ne, %convert_element_type3A_318, %cond3A_319 : i32
      scf.if %cond3A_320 {
        %dma_start3A = arith.constant 2 : i32
        %dma_start3A_492 = arith.constant 0 : i32
        %dma_start3A_493 = tpu.memref_slice %arg8[%scan3A_284, %dma_start3A, %dma_start3A_492] : memref<20x8x128xi32, #tpu.memory_space<vmem>> -> memref<1x1x128xi32, #tpu.memory_space<vmem>>
        %dma_start3A_494 = tpu.memref_squeeze %dma_start3A_493 : memref<1x1x128xi32, #tpu.memory_space<vmem>> -> memref<128xi32, #tpu.memory_space<vmem>>
        %dma_start3A_495 = arith.constant 0 : i32
        %dma_start3A_496 = tpu.memref_slice %arg7[%dma_start3A_495] : memref<10240xf32, #tpu.memory_space<vmem_shared>> -> memref<10240xf32, #tpu.memory_space<vmem_shared>>
        tpu.enqueue_indirect_dma source(%arg9 : memref<128xf32, #tpu.memory_space<vmem>>) target(%dma_start3A_496 : memref<10240xf32, #tpu.memory_space<vmem_shared>>) offsets(%dma_start3A_494 : memref<128xi32, #tpu.memory_space<vmem>>) semaphore(%arg10 : memref<!tpu.dma_semaphore, #tpu.memory_space<semaphore_mem>>) {add = true}
      } else {
      }
      %mul3A_321 = arith.constant 20 : i32
      %mul3A_322 = arith.muli %arg1, %mul3A_321 : i32
      %add3A_323 = arith.addi %mul3A_322, %scan3A_284 : i32
      %mul3A_324 = arith.constant 8 : i32
      %mul3A_325 = arith.muli %add3A_323, %mul3A_324 : i32
      %add3A_326 = arith.constant 3 : i32
      %add3A_327 = arith.addi %mul3A_325, %add3A_326 : i32
      %lt3A_328 = arith.constant 2500 : i32
      %lt3A_329 = arith.cmpi slt, %add3A_327, %lt3A_328 : i32
      %convert_element_type3A_330 = arith.extui %lt3A_329 : i1 to i32
      %cond3A_331 = arith.constant 0 : i32
      %cond3A_332 = arith.cmpi ne, %convert_element_type3A_330, %cond3A_331 : i32
      scf.if %cond3A_332 {
        %dma_start3A = arith.constant 3 : i32
        %dma_start3A_492 = arith.constant 0 : i32
        %dma_start3A_493 = tpu.memref_slice %arg8[%scan3A_284, %dma_start3A, %dma_start3A_492] : memref<20x8x128xi32, #tpu.memory_space<vmem>> -> memref<1x1x128xi32, #tpu.memory_space<vmem>>
        %dma_start3A_494 = tpu.memref_squeeze %dma_start3A_493 : memref<1x1x128xi32, #tpu.memory_space<vmem>> -> memref<128xi32, #tpu.memory_space<vmem>>
        %dma_start3A_495 = arith.constant 0 : i32
        %dma_start3A_496 = tpu.memref_slice %arg7[%dma_start3A_495] : memref<10240xf32, #tpu.memory_space<vmem_shared>> -> memref<10240xf32, #tpu.memory_space<vmem_shared>>
        tpu.enqueue_indirect_dma source(%arg9 : memref<128xf32, #tpu.memory_space<vmem>>) target(%dma_start3A_496 : memref<10240xf32, #tpu.memory_space<vmem_shared>>) offsets(%dma_start3A_494 : memref<128xi32, #tpu.memory_space<vmem>>) semaphore(%arg10 : memref<!tpu.dma_semaphore, #tpu.memory_space<semaphore_mem>>) {add = true}
      } else {
      }
      %mul3A_333 = arith.constant 20 : i32
      %mul3A_334 = arith.muli %arg1, %mul3A_333 : i32
      %add3A_335 = arith.addi %mul3A_334, %scan3A_284 : i32
      %mul3A_336 = arith.constant 8 : i32
      %mul3A_337 = arith.muli %add3A_335, %mul3A_336 : i32
      %add3A_338 = arith.constant 4 : i32
      %add3A_339 = arith.addi %mul3A_337, %add3A_338 : i32
      %lt3A_340 = arith.constant 2500 : i32
      %lt3A_341 = arith.cmpi slt, %add3A_339, %lt3A_340 : i32
      %convert_element_type3A_342 = arith.extui %lt3A_341 : i1 to i32
      %cond3A_343 = arith.constant 0 : i32
      %cond3A_344 = arith.cmpi ne, %convert_element_type3A_342, %cond3A_343 : i32
      scf.if %cond3A_344 {
        %dma_start3A = arith.constant 4 : i32
        %dma_start3A_492 = arith.constant 0 : i32
        %dma_start3A_493 = tpu.memref_slice %arg8[%scan3A_284, %dma_start3A, %dma_start3A_492] : memref<20x8x128xi32, #tpu.memory_space<vmem>> -> memref<1x1x128xi32, #tpu.memory_space<vmem>>
        %dma_start3A_494 = tpu.memref_squeeze %dma_start3A_493 : memref<1x1x128xi32, #tpu.memory_space<vmem>> -> memref<128xi32, #tpu.memory_space<vmem>>
        %dma_start3A_495 = arith.constant 0 : i32
        %dma_start3A_496 = tpu.memref_slice %arg7[%dma_start3A_495] : memref<10240xf32, #tpu.memory_space<vmem_shared>> -> memref<10240xf32, #tpu.memory_space<vmem_shared>>
        tpu.enqueue_indirect_dma source(%arg9 : memref<128xf32, #tpu.memory_space<vmem>>) target(%dma_start3A_496 : memref<10240xf32, #tpu.memory_space<vmem_shared>>) offsets(%dma_start3A_494 : memref<128xi32, #tpu.memory_space<vmem>>) semaphore(%arg10 : memref<!tpu.dma_semaphore, #tpu.memory_space<semaphore_mem>>) {add = true}
      } else {
      }
      %mul3A_345 = arith.constant 20 : i32
      %mul3A_346 = arith.muli %arg1, %mul3A_345 : i32
      %add3A_347 = arith.addi %mul3A_346, %scan3A_284 : i32
      %mul3A_348 = arith.constant 8 : i32
      %mul3A_349 = arith.muli %add3A_347, %mul3A_348 : i32
      %add3A_350 = arith.constant 5 : i32
      %add3A_351 = arith.addi %mul3A_349, %add3A_350 : i32
      %lt3A_352 = arith.constant 2500 : i32
      %lt3A_353 = arith.cmpi slt, %add3A_351, %lt3A_352 : i32
      %convert_element_type3A_354 = arith.extui %lt3A_353 : i1 to i32
      %cond3A_355 = arith.constant 0 : i32
      %cond3A_356 = arith.cmpi ne, %convert_element_type3A_354, %cond3A_355 : i32
      scf.if %cond3A_356 {
        %dma_start3A = arith.constant 5 : i32
        %dma_start3A_492 = arith.constant 0 : i32
        %dma_start3A_493 = tpu.memref_slice %arg8[%scan3A_284, %dma_start3A, %dma_start3A_492] : memref<20x8x128xi32, #tpu.memory_space<vmem>> -> memref<1x1x128xi32, #tpu.memory_space<vmem>>
        %dma_start3A_494 = tpu.memref_squeeze %dma_start3A_493 : memref<1x1x128xi32, #tpu.memory_space<vmem>> -> memref<128xi32, #tpu.memory_space<vmem>>
        %dma_start3A_495 = arith.constant 0 : i32
        %dma_start3A_496 = tpu.memref_slice %arg7[%dma_start3A_495] : memref<10240xf32, #tpu.memory_space<vmem_shared>> -> memref<10240xf32, #tpu.memory_space<vmem_shared>>
        tpu.enqueue_indirect_dma source(%arg9 : memref<128xf32, #tpu.memory_space<vmem>>) target(%dma_start3A_496 : memref<10240xf32, #tpu.memory_space<vmem_shared>>) offsets(%dma_start3A_494 : memref<128xi32, #tpu.memory_space<vmem>>) semaphore(%arg10 : memref<!tpu.dma_semaphore, #tpu.memory_space<semaphore_mem>>) {add = true}
      } else {
      }
      %mul3A_357 = arith.constant 20 : i32
      %mul3A_358 = arith.muli %arg1, %mul3A_357 : i32
      %add3A_359 = arith.addi %mul3A_358, %scan3A_284 : i32
      %mul3A_360 = arith.constant 8 : i32
      %mul3A_361 = arith.muli %add3A_359, %mul3A_360 : i32
      %add3A_362 = arith.constant 6 : i32
      %add3A_363 = arith.addi %mul3A_361, %add3A_362 : i32
      %lt3A_364 = arith.constant 2500 : i32
      %lt3A_365 = arith.cmpi slt, %add3A_363, %lt3A_364 : i32
      %convert_element_type3A_366 = arith.extui %lt3A_365 : i1 to i32
      %cond3A_367 = arith.constant 0 : i32
      %cond3A_368 = arith.cmpi ne, %convert_element_type3A_366, %cond3A_367 : i32
      scf.if %cond3A_368 {
        %dma_start3A = arith.constant 6 : i32
        %dma_start3A_492 = arith.constant 0 : i32
        %dma_start3A_493 = tpu.memref_slice %arg8[%scan3A_284, %dma_start3A, %dma_start3A_492] : memref<20x8x128xi32, #tpu.memory_space<vmem>> -> memref<1x1x128xi32, #tpu.memory_space<vmem>>
        %dma_start3A_494 = tpu.memref_squeeze %dma_start3A_493 : memref<1x1x128xi32, #tpu.memory_space<vmem>> -> memref<128xi32, #tpu.memory_space<vmem>>
        %dma_start3A_495 = arith.constant 0 : i32
        %dma_start3A_496 = tpu.memref_slice %arg7[%dma_start3A_495] : memref<10240xf32, #tpu.memory_space<vmem_shared>> -> memref<10240xf32, #tpu.memory_space<vmem_shared>>
        tpu.enqueue_indirect_dma source(%arg9 : memref<128xf32, #tpu.memory_space<vmem>>) target(%dma_start3A_496 : memref<10240xf32, #tpu.memory_space<vmem_shared>>) offsets(%dma_start3A_494 : memref<128xi32, #tpu.memory_space<vmem>>) semaphore(%arg10 : memref<!tpu.dma_semaphore, #tpu.memory_space<semaphore_mem>>) {add = true}
      } else {
      }
      %mul3A_369 = arith.constant 20 : i32
      %mul3A_370 = arith.muli %arg1, %mul3A_369 : i32
      %add3A_371 = arith.addi %mul3A_370, %scan3A_284 : i32
      %mul3A_372 = arith.constant 8 : i32
      %mul3A_373 = arith.muli %add3A_371, %mul3A_372 : i32
      %add3A_374 = arith.constant 7 : i32
      %add3A_375 = arith.addi %mul3A_373, %add3A_374 : i32
      %lt3A_376 = arith.constant 2500 : i32
      %lt3A_377 = arith.cmpi slt, %add3A_375, %lt3A_376 : i32
      %convert_element_type3A_378 = arith.extui %lt3A_377 : i1 to i32
      %cond3A_379 = arith.constant 0 : i32
      %cond3A_380 = arith.cmpi ne, %convert_element_type3A_378, %cond3A_379 : i32
      scf.if %cond3A_380 {
        %dma_start3A = arith.constant 7 : i32
        %dma_start3A_492 = arith.constant 0 : i32
        %dma_start3A_493 = tpu.memref_slice %arg8[%scan3A_284, %dma_start3A, %dma_start3A_492] : memref<20x8x128xi32, #tpu.memory_space<vmem>> -> memref<1x1x128xi32, #tpu.memory_space<vmem>>
        %dma_start3A_494 = tpu.memref_squeeze %dma_start3A_493 : memref<1x1x128xi32, #tpu.memory_space<vmem>> -> memref<128xi32, #tpu.memory_space<vmem>>
        %dma_start3A_495 = arith.constant 0 : i32
        %dma_start3A_496 = tpu.memref_slice %arg7[%dma_start3A_495] : memref<10240xf32, #tpu.memory_space<vmem_shared>> -> memref<10240xf32, #tpu.memory_space<vmem_shared>>
        tpu.enqueue_indirect_dma source(%arg9 : memref<128xf32, #tpu.memory_space<vmem>>) target(%dma_start3A_496 : memref<10240xf32, #tpu.memory_space<vmem_shared>>) offsets(%dma_start3A_494 : memref<128xi32, #tpu.memory_space<vmem>>) semaphore(%arg10 : memref<!tpu.dma_semaphore, #tpu.memory_space<semaphore_mem>>) {add = true}
      } else {
      }
      %sub3A = arith.constant 1 : i32
      %sub3A_381 = arith.subi %scan3A_284, %sub3A : i32
      %mul3A_382 = arith.constant 20 : i32
      %mul3A_383 = arith.muli %arg1, %mul3A_382 : i32
      %add3A_384 = arith.addi %mul3A_383, %sub3A_381 : i32
      %mul3A_385 = arith.constant 8 : i32
      %mul3A_386 = arith.muli %add3A_384, %mul3A_385 : i32
      %add3A_387 = arith.constant 0 : i32
      %add3A_388 = arith.addi %mul3A_386, %add3A_387 : i32
      %lt3A_389 = arith.constant 2500 : i32
      %lt3A_390 = arith.cmpi slt, %add3A_388, %lt3A_389 : i32
      %convert_element_type3A_391 = arith.extui %lt3A_390 : i1 to i32
      %cond3A_392 = arith.constant 0 : i32
      %cond3A_393 = arith.cmpi ne, %convert_element_type3A_391, %cond3A_392 : i32
      scf.if %cond3A_393 {
        %dma_wait3A = arith.constant 0 : i32
        %dma_wait3A_492 = arith.constant 0 : i32
        %dma_wait3A_493 = tpu.memref_slice %arg8[%sub3A_381, %dma_wait3A, %dma_wait3A_492] : memref<20x8x128xi32, #tpu.memory_space<vmem>> -> memref<1x1x128xi32, #tpu.memory_space<vmem>>
        %dma_wait3A_494 = tpu.memref_squeeze %dma_wait3A_493 : memref<1x1x128xi32, #tpu.memory_space<vmem>> -> memref<128xi32, #tpu.memory_space<vmem>>
        %dma_wait3A_495 = arith.constant 0 : i32
        %dma_wait3A_496 = tpu.memref_slice %arg7[%dma_wait3A_495] : memref<10240xf32, #tpu.memory_space<vmem_shared>> -> memref<10240xf32, #tpu.memory_space<vmem_shared>>
        tpu.wait_indirect_dma semaphore(%arg10 : memref<!tpu.dma_semaphore, #tpu.memory_space<semaphore_mem>>) src(%arg9 : memref<128xf32, #tpu.memory_space<vmem>>) dst(%dma_wait3A_496 : memref<10240xf32, #tpu.memory_space<vmem_shared>>)
      } else {
      }
      %sub3A_394 = arith.constant 1 : i32
      %sub3A_395 = arith.subi %scan3A_284, %sub3A_394 : i32
      %mul3A_396 = arith.constant 20 : i32
      %mul3A_397 = arith.muli %arg1, %mul3A_396 : i32
      %add3A_398 = arith.addi %mul3A_397, %sub3A_395 : i32
      %mul3A_399 = arith.constant 8 : i32
      %mul3A_400 = arith.muli %add3A_398, %mul3A_399 : i32
      %add3A_401 = arith.constant 1 : i32
      %add3A_402 = arith.addi %mul3A_400, %add3A_401 : i32
      %lt3A_403 = arith.constant 2500 : i32
      %lt3A_404 = arith.cmpi slt, %add3A_402, %lt3A_403 : i32
      %convert_element_type3A_405 = arith.extui %lt3A_404 : i1 to i32
      %cond3A_406 = arith.constant 0 : i32
      %cond3A_407 = arith.cmpi ne, %convert_element_type3A_405, %cond3A_406 : i32
      scf.if %cond3A_407 {
        %dma_wait3A = arith.constant 1 : i32
        %dma_wait3A_492 = arith.constant 0 : i32
        %dma_wait3A_493 = tpu.memref_slice %arg8[%sub3A_395, %dma_wait3A, %dma_wait3A_492] : memref<20x8x128xi32, #tpu.memory_space<vmem>> -> memref<1x1x128xi32, #tpu.memory_space<vmem>>
        %dma_wait3A_494 = tpu.memref_squeeze %dma_wait3A_493 : memref<1x1x128xi32, #tpu.memory_space<vmem>> -> memref<128xi32, #tpu.memory_space<vmem>>
        %dma_wait3A_495 = arith.constant 0 : i32
        %dma_wait3A_496 = tpu.memref_slice %arg7[%dma_wait3A_495] : memref<10240xf32, #tpu.memory_space<vmem_shared>> -> memref<10240xf32, #tpu.memory_space<vmem_shared>>
        tpu.wait_indirect_dma semaphore(%arg10 : memref<!tpu.dma_semaphore, #tpu.memory_space<semaphore_mem>>) src(%arg9 : memref<128xf32, #tpu.memory_space<vmem>>) dst(%dma_wait3A_496 : memref<10240xf32, #tpu.memory_space<vmem_shared>>)
      } else {
      }
      %sub3A_408 = arith.constant 1 : i32
      %sub3A_409 = arith.subi %scan3A_284, %sub3A_408 : i32
      %mul3A_410 = arith.constant 20 : i32
      %mul3A_411 = arith.muli %arg1, %mul3A_410 : i32
      %add3A_412 = arith.addi %mul3A_411, %sub3A_409 : i32
      %mul3A_413 = arith.constant 8 : i32
      %mul3A_414 = arith.muli %add3A_412, %mul3A_413 : i32
      %add3A_415 = arith.constant 2 : i32
      %add3A_416 = arith.addi %mul3A_414, %add3A_415 : i32
      %lt3A_417 = arith.constant 2500 : i32
      %lt3A_418 = arith.cmpi slt, %add3A_416, %lt3A_417 : i32
      %convert_element_type3A_419 = arith.extui %lt3A_418 : i1 to i32
      %cond3A_420 = arith.constant 0 : i32
      %cond3A_421 = arith.cmpi ne, %convert_element_type3A_419, %cond3A_420 : i32
      scf.if %cond3A_421 {
        %dma_wait3A = arith.constant 2 : i32
        %dma_wait3A_492 = arith.constant 0 : i32
        %dma_wait3A_493 = tpu.memref_slice %arg8[%sub3A_409, %dma_wait3A, %dma_wait3A_492] : memref<20x8x128xi32, #tpu.memory_space<vmem>> -> memref<1x1x128xi32, #tpu.memory_space<vmem>>
        %dma_wait3A_494 = tpu.memref_squeeze %dma_wait3A_493 : memref<1x1x128xi32, #tpu.memory_space<vmem>> -> memref<128xi32, #tpu.memory_space<vmem>>
        %dma_wait3A_495 = arith.constant 0 : i32
        %dma_wait3A_496 = tpu.memref_slice %arg7[%dma_wait3A_495] : memref<10240xf32, #tpu.memory_space<vmem_shared>> -> memref<10240xf32, #tpu.memory_space<vmem_shared>>
        tpu.wait_indirect_dma semaphore(%arg10 : memref<!tpu.dma_semaphore, #tpu.memory_space<semaphore_mem>>) src(%arg9 : memref<128xf32, #tpu.memory_space<vmem>>) dst(%dma_wait3A_496 : memref<10240xf32, #tpu.memory_space<vmem_shared>>)
      } else {
      }
      %sub3A_422 = arith.constant 1 : i32
      %sub3A_423 = arith.subi %scan3A_284, %sub3A_422 : i32
      %mul3A_424 = arith.constant 20 : i32
      %mul3A_425 = arith.muli %arg1, %mul3A_424 : i32
      %add3A_426 = arith.addi %mul3A_425, %sub3A_423 : i32
      %mul3A_427 = arith.constant 8 : i32
      %mul3A_428 = arith.muli %add3A_426, %mul3A_427 : i32
      %add3A_429 = arith.constant 3 : i32
      %add3A_430 = arith.addi %mul3A_428, %add3A_429 : i32
      %lt3A_431 = arith.constant 2500 : i32
      %lt3A_432 = arith.cmpi slt, %add3A_430, %lt3A_431 : i32
      %convert_element_type3A_433 = arith.extui %lt3A_432 : i1 to i32
      %cond3A_434 = arith.constant 0 : i32
      %cond3A_435 = arith.cmpi ne, %convert_element_type3A_433, %cond3A_434 : i32
      scf.if %cond3A_435 {
        %dma_wait3A = arith.constant 3 : i32
        %dma_wait3A_492 = arith.constant 0 : i32
        %dma_wait3A_493 = tpu.memref_slice %arg8[%sub3A_423, %dma_wait3A, %dma_wait3A_492] : memref<20x8x128xi32, #tpu.memory_space<vmem>> -> memref<1x1x128xi32, #tpu.memory_space<vmem>>
        %dma_wait3A_494 = tpu.memref_squeeze %dma_wait3A_493 : memref<1x1x128xi32, #tpu.memory_space<vmem>> -> memref<128xi32, #tpu.memory_space<vmem>>
        %dma_wait3A_495 = arith.constant 0 : i32
        %dma_wait3A_496 = tpu.memref_slice %arg7[%dma_wait3A_495] : memref<10240xf32, #tpu.memory_space<vmem_shared>> -> memref<10240xf32, #tpu.memory_space<vmem_shared>>
        tpu.wait_indirect_dma semaphore(%arg10 : memref<!tpu.dma_semaphore, #tpu.memory_space<semaphore_mem>>) src(%arg9 : memref<128xf32, #tpu.memory_space<vmem>>) dst(%dma_wait3A_496 : memref<10240xf32, #tpu.memory_space<vmem_shared>>)
      } else {
      }
      %sub3A_436 = arith.constant 1 : i32
      %sub3A_437 = arith.subi %scan3A_284, %sub3A_436 : i32
      %mul3A_438 = arith.constant 20 : i32
      %mul3A_439 = arith.muli %arg1, %mul3A_438 : i32
      %add3A_440 = arith.addi %mul3A_439, %sub3A_437 : i32
      %mul3A_441 = arith.constant 8 : i32
      %mul3A_442 = arith.muli %add3A_440, %mul3A_441 : i32
      %add3A_443 = arith.constant 4 : i32
      %add3A_444 = arith.addi %mul3A_442, %add3A_443 : i32
      %lt3A_445 = arith.constant 2500 : i32
      %lt3A_446 = arith.cmpi slt, %add3A_444, %lt3A_445 : i32
      %convert_element_type3A_447 = arith.extui %lt3A_446 : i1 to i32
      %cond3A_448 = arith.constant 0 : i32
      %cond3A_449 = arith.cmpi ne, %convert_element_type3A_447, %cond3A_448 : i32
      scf.if %cond3A_449 {
        %dma_wait3A = arith.constant 4 : i32
        %dma_wait3A_492 = arith.constant 0 : i32
        %dma_wait3A_493 = tpu.memref_slice %arg8[%sub3A_437, %dma_wait3A, %dma_wait3A_492] : memref<20x8x128xi32, #tpu.memory_space<vmem>> -> memref<1x1x128xi32, #tpu.memory_space<vmem>>
        %dma_wait3A_494 = tpu.memref_squeeze %dma_wait3A_493 : memref<1x1x128xi32, #tpu.memory_space<vmem>> -> memref<128xi32, #tpu.memory_space<vmem>>
        %dma_wait3A_495 = arith.constant 0 : i32
        %dma_wait3A_496 = tpu.memref_slice %arg7[%dma_wait3A_495] : memref<10240xf32, #tpu.memory_space<vmem_shared>> -> memref<10240xf32, #tpu.memory_space<vmem_shared>>
        tpu.wait_indirect_dma semaphore(%arg10 : memref<!tpu.dma_semaphore, #tpu.memory_space<semaphore_mem>>) src(%arg9 : memref<128xf32, #tpu.memory_space<vmem>>) dst(%dma_wait3A_496 : memref<10240xf32, #tpu.memory_space<vmem_shared>>)
      } else {
      }
      %sub3A_450 = arith.constant 1 : i32
      %sub3A_451 = arith.subi %scan3A_284, %sub3A_450 : i32
      %mul3A_452 = arith.constant 20 : i32
      %mul3A_453 = arith.muli %arg1, %mul3A_452 : i32
      %add3A_454 = arith.addi %mul3A_453, %sub3A_451 : i32
      %mul3A_455 = arith.constant 8 : i32
      %mul3A_456 = arith.muli %add3A_454, %mul3A_455 : i32
      %add3A_457 = arith.constant 5 : i32
      %add3A_458 = arith.addi %mul3A_456, %add3A_457 : i32
      %lt3A_459 = arith.constant 2500 : i32
      %lt3A_460 = arith.cmpi slt, %add3A_458, %lt3A_459 : i32
      %convert_element_type3A_461 = arith.extui %lt3A_460 : i1 to i32
      %cond3A_462 = arith.constant 0 : i32
      %cond3A_463 = arith.cmpi ne, %convert_element_type3A_461, %cond3A_462 : i32
      scf.if %cond3A_463 {
        %dma_wait3A = arith.constant 5 : i32
        %dma_wait3A_492 = arith.constant 0 : i32
        %dma_wait3A_493 = tpu.memref_slice %arg8[%sub3A_451, %dma_wait3A, %dma_wait3A_492] : memref<20x8x128xi32, #tpu.memory_space<vmem>> -> memref<1x1x128xi32, #tpu.memory_space<vmem>>
        %dma_wait3A_494 = tpu.memref_squeeze %dma_wait3A_493 : memref<1x1x128xi32, #tpu.memory_space<vmem>> -> memref<128xi32, #tpu.memory_space<vmem>>
        %dma_wait3A_495 = arith.constant 0 : i32
        %dma_wait3A_496 = tpu.memref_slice %arg7[%dma_wait3A_495] : memref<10240xf32, #tpu.memory_space<vmem_shared>> -> memref<10240xf32, #tpu.memory_space<vmem_shared>>
        tpu.wait_indirect_dma semaphore(%arg10 : memref<!tpu.dma_semaphore, #tpu.memory_space<semaphore_mem>>) src(%arg9 : memref<128xf32, #tpu.memory_space<vmem>>) dst(%dma_wait3A_496 : memref<10240xf32, #tpu.memory_space<vmem_shared>>)
      } else {
      }
      %sub3A_464 = arith.constant 1 : i32
      %sub3A_465 = arith.subi %scan3A_284, %sub3A_464 : i32
      %mul3A_466 = arith.constant 20 : i32
      %mul3A_467 = arith.muli %arg1, %mul3A_466 : i32
      %add3A_468 = arith.addi %mul3A_467, %sub3A_465 : i32
      %mul3A_469 = arith.constant 8 : i32
      %mul3A_470 = arith.muli %add3A_468, %mul3A_469 : i32
      %add3A_471 = arith.constant 6 : i32
      %add3A_472 = arith.addi %mul3A_470, %add3A_471 : i32
      %lt3A_473 = arith.constant 2500 : i32
      %lt3A_474 = arith.cmpi slt, %add3A_472, %lt3A_473 : i32
      %convert_element_type3A_475 = arith.extui %lt3A_474 : i1 to i32
      %cond3A_476 = arith.constant 0 : i32
      %cond3A_477 = arith.cmpi ne, %convert_element_type3A_475, %cond3A_476 : i32
      scf.if %cond3A_477 {
        %dma_wait3A = arith.constant 6 : i32
        %dma_wait3A_492 = arith.constant 0 : i32
        %dma_wait3A_493 = tpu.memref_slice %arg8[%sub3A_465, %dma_wait3A, %dma_wait3A_492] : memref<20x8x128xi32, #tpu.memory_space<vmem>> -> memref<1x1x128xi32, #tpu.memory_space<vmem>>
        %dma_wait3A_494 = tpu.memref_squeeze %dma_wait3A_493 : memref<1x1x128xi32, #tpu.memory_space<vmem>> -> memref<128xi32, #tpu.memory_space<vmem>>
        %dma_wait3A_495 = arith.constant 0 : i32
        %dma_wait3A_496 = tpu.memref_slice %arg7[%dma_wait3A_495] : memref<10240xf32, #tpu.memory_space<vmem_shared>> -> memref<10240xf32, #tpu.memory_space<vmem_shared>>
        tpu.wait_indirect_dma semaphore(%arg10 : memref<!tpu.dma_semaphore, #tpu.memory_space<semaphore_mem>>) src(%arg9 : memref<128xf32, #tpu.memory_space<vmem>>) dst(%dma_wait3A_496 : memref<10240xf32, #tpu.memory_space<vmem_shared>>)
      } else {
      }
      %sub3A_478 = arith.constant 1 : i32
      %sub3A_479 = arith.subi %scan3A_284, %sub3A_478 : i32
      %mul3A_480 = arith.constant 20 : i32
      %mul3A_481 = arith.muli %arg1, %mul3A_480 : i32
      %add3A_482 = arith.addi %mul3A_481, %sub3A_479 : i32
      %mul3A_483 = arith.constant 8 : i32
      %mul3A_484 = arith.muli %add3A_482, %mul3A_483 : i32
      %add3A_485 = arith.constant 7 : i32
      %add3A_486 = arith.addi %mul3A_484, %add3A_485 : i32
      %lt3A_487 = arith.constant 2500 : i32
      %lt3A_488 = arith.cmpi slt, %add3A_486, %lt3A_487 : i32
      %convert_element_type3A_489 = arith.extui %lt3A_488 : i1 to i32
      %cond3A_490 = arith.constant 0 : i32
      %cond3A_491 = arith.cmpi ne, %convert_element_type3A_489, %cond3A_490 : i32
      scf.if %cond3A_491 {
        %dma_wait3A = arith.constant 7 : i32
        %dma_wait3A_492 = arith.constant 0 : i32
        %dma_wait3A_493 = tpu.memref_slice %arg8[%sub3A_479, %dma_wait3A, %dma_wait3A_492] : memref<20x8x128xi32, #tpu.memory_space<vmem>> -> memref<1x1x128xi32, #tpu.memory_space<vmem>>
        %dma_wait3A_494 = tpu.memref_squeeze %dma_wait3A_493 : memref<1x1x128xi32, #tpu.memory_space<vmem>> -> memref<128xi32, #tpu.memory_space<vmem>>
        %dma_wait3A_495 = arith.constant 0 : i32
        %dma_wait3A_496 = tpu.memref_slice %arg7[%dma_wait3A_495] : memref<10240xf32, #tpu.memory_space<vmem_shared>> -> memref<10240xf32, #tpu.memory_space<vmem_shared>>
        tpu.wait_indirect_dma semaphore(%arg10 : memref<!tpu.dma_semaphore, #tpu.memory_space<semaphore_mem>>) src(%arg9 : memref<128xf32, #tpu.memory_space<vmem>>) dst(%dma_wait3A_496 : memref<10240xf32, #tpu.memory_space<vmem_shared>>)
      } else {
      }
    }
    %scan3A_163 = arith.constant 19 : i32
    %mul3A_164 = arith.constant 20 : i32
    %mul3A_165 = arith.muli %arg1, %mul3A_164 : i32
    %add3A_166 = arith.constant 19 : i32
    %add3A_167 = arith.addi %mul3A_165, %add3A_166 : i32
    %mul3A_168 = arith.constant 8 : i32
    %mul3A_169 = arith.muli %add3A_167, %mul3A_168 : i32
    %add3A_170 = arith.constant 0 : i32
    %add3A_171 = arith.addi %mul3A_169, %add3A_170 : i32
    %lt3A_172 = arith.constant 2500 : i32
    %lt3A_173 = arith.cmpi slt, %add3A_171, %lt3A_172 : i32
    %convert_element_type3A_174 = arith.extui %lt3A_173 : i1 to i32
    %cond3A_175 = arith.constant 0 : i32
    %cond3A_176 = arith.cmpi ne, %convert_element_type3A_174, %cond3A_175 : i32
    scf.if %cond3A_176 {
      %dma_wait3A = arith.constant 19 : i32
      %dma_wait3A_284 = arith.constant 0 : i32
      %dma_wait3A_285 = arith.constant 0 : i32
      %dma_wait3A_286 = tpu.memref_slice %arg8[%dma_wait3A, %dma_wait3A_284, %dma_wait3A_285] : memref<20x8x128xi32, #tpu.memory_space<vmem>> -> memref<1x1x128xi32, #tpu.memory_space<vmem>>
      %dma_wait3A_287 = tpu.memref_squeeze %dma_wait3A_286 : memref<1x1x128xi32, #tpu.memory_space<vmem>> -> memref<128xi32, #tpu.memory_space<vmem>>
      %dma_wait3A_288 = arith.constant 0 : i32
      %dma_wait3A_289 = tpu.memref_slice %arg7[%dma_wait3A_288] : memref<10240xf32, #tpu.memory_space<vmem_shared>> -> memref<10240xf32, #tpu.memory_space<vmem_shared>>
      tpu.wait_indirect_dma semaphore(%arg10 : memref<!tpu.dma_semaphore, #tpu.memory_space<semaphore_mem>>) src(%arg9 : memref<128xf32, #tpu.memory_space<vmem>>) dst(%dma_wait3A_289 : memref<10240xf32, #tpu.memory_space<vmem_shared>>)
    } else {
    }
    %mul3A_177 = arith.constant 20 : i32
    %mul3A_178 = arith.muli %arg1, %mul3A_177 : i32
    %add3A_179 = arith.constant 19 : i32
    %add3A_180 = arith.addi %mul3A_178, %add3A_179 : i32
    %mul3A_181 = arith.constant 8 : i32
    %mul3A_182 = arith.muli %add3A_180, %mul3A_181 : i32
    %add3A_183 = arith.constant 1 : i32
    %add3A_184 = arith.addi %mul3A_182, %add3A_183 : i32
    %lt3A_185 = arith.constant 2500 : i32
    %lt3A_186 = arith.cmpi slt, %add3A_184, %lt3A_185 : i32
    %convert_element_type3A_187 = arith.extui %lt3A_186 : i1 to i32
    %cond3A_188 = arith.constant 0 : i32
    %cond3A_189 = arith.cmpi ne, %convert_element_type3A_187, %cond3A_188 : i32
    scf.if %cond3A_189 {
      %dma_wait3A = arith.constant 19 : i32
      %dma_wait3A_284 = arith.constant 1 : i32
      %dma_wait3A_285 = arith.constant 0 : i32
      %dma_wait3A_286 = tpu.memref_slice %arg8[%dma_wait3A, %dma_wait3A_284, %dma_wait3A_285] : memref<20x8x128xi32, #tpu.memory_space<vmem>> -> memref<1x1x128xi32, #tpu.memory_space<vmem>>
      %dma_wait3A_287 = tpu.memref_squeeze %dma_wait3A_286 : memref<1x1x128xi32, #tpu.memory_space<vmem>> -> memref<128xi32, #tpu.memory_space<vmem>>
      %dma_wait3A_288 = arith.constant 0 : i32
      %dma_wait3A_289 = tpu.memref_slice %arg7[%dma_wait3A_288] : memref<10240xf32, #tpu.memory_space<vmem_shared>> -> memref<10240xf32, #tpu.memory_space<vmem_shared>>
      tpu.wait_indirect_dma semaphore(%arg10 : memref<!tpu.dma_semaphore, #tpu.memory_space<semaphore_mem>>) src(%arg9 : memref<128xf32, #tpu.memory_space<vmem>>) dst(%dma_wait3A_289 : memref<10240xf32, #tpu.memory_space<vmem_shared>>)
    } else {
    }
    %mul3A_190 = arith.constant 20 : i32
    %mul3A_191 = arith.muli %arg1, %mul3A_190 : i32
    %add3A_192 = arith.constant 19 : i32
    %add3A_193 = arith.addi %mul3A_191, %add3A_192 : i32
    %mul3A_194 = arith.constant 8 : i32
    %mul3A_195 = arith.muli %add3A_193, %mul3A_194 : i32
    %add3A_196 = arith.constant 2 : i32
    %add3A_197 = arith.addi %mul3A_195, %add3A_196 : i32
    %lt3A_198 = arith.constant 2500 : i32
    %lt3A_199 = arith.cmpi slt, %add3A_197, %lt3A_198 : i32
    %convert_element_type3A_200 = arith.extui %lt3A_199 : i1 to i32
    %cond3A_201 = arith.constant 0 : i32
    %cond3A_202 = arith.cmpi ne, %convert_element_type3A_200, %cond3A_201 : i32
    scf.if %cond3A_202 {
      %dma_wait3A = arith.constant 19 : i32
      %dma_wait3A_284 = arith.constant 2 : i32
      %dma_wait3A_285 = arith.constant 0 : i32
      %dma_wait3A_286 = tpu.memref_slice %arg8[%dma_wait3A, %dma_wait3A_284, %dma_wait3A_285] : memref<20x8x128xi32, #tpu.memory_space<vmem>> -> memref<1x1x128xi32, #tpu.memory_space<vmem>>
      %dma_wait3A_287 = tpu.memref_squeeze %dma_wait3A_286 : memref<1x1x128xi32, #tpu.memory_space<vmem>> -> memref<128xi32, #tpu.memory_space<vmem>>
      %dma_wait3A_288 = arith.constant 0 : i32
      %dma_wait3A_289 = tpu.memref_slice %arg7[%dma_wait3A_288] : memref<10240xf32, #tpu.memory_space<vmem_shared>> -> memref<10240xf32, #tpu.memory_space<vmem_shared>>
      tpu.wait_indirect_dma semaphore(%arg10 : memref<!tpu.dma_semaphore, #tpu.memory_space<semaphore_mem>>) src(%arg9 : memref<128xf32, #tpu.memory_space<vmem>>) dst(%dma_wait3A_289 : memref<10240xf32, #tpu.memory_space<vmem_shared>>)
    } else {
    }
    %mul3A_203 = arith.constant 20 : i32
    %mul3A_204 = arith.muli %arg1, %mul3A_203 : i32
    %add3A_205 = arith.constant 19 : i32
    %add3A_206 = arith.addi %mul3A_204, %add3A_205 : i32
    %mul3A_207 = arith.constant 8 : i32
    %mul3A_208 = arith.muli %add3A_206, %mul3A_207 : i32
    %add3A_209 = arith.constant 3 : i32
    %add3A_210 = arith.addi %mul3A_208, %add3A_209 : i32
    %lt3A_211 = arith.constant 2500 : i32
    %lt3A_212 = arith.cmpi slt, %add3A_210, %lt3A_211 : i32
    %convert_element_type3A_213 = arith.extui %lt3A_212 : i1 to i32
    %cond3A_214 = arith.constant 0 : i32
    %cond3A_215 = arith.cmpi ne, %convert_element_type3A_213, %cond3A_214 : i32
    scf.if %cond3A_215 {
      %dma_wait3A = arith.constant 19 : i32
      %dma_wait3A_284 = arith.constant 3 : i32
      %dma_wait3A_285 = arith.constant 0 : i32
      %dma_wait3A_286 = tpu.memref_slice %arg8[%dma_wait3A, %dma_wait3A_284, %dma_wait3A_285] : memref<20x8x128xi32, #tpu.memory_space<vmem>> -> memref<1x1x128xi32, #tpu.memory_space<vmem>>
      %dma_wait3A_287 = tpu.memref_squeeze %dma_wait3A_286 : memref<1x1x128xi32, #tpu.memory_space<vmem>> -> memref<128xi32, #tpu.memory_space<vmem>>
      %dma_wait3A_288 = arith.constant 0 : i32
      %dma_wait3A_289 = tpu.memref_slice %arg7[%dma_wait3A_288] : memref<10240xf32, #tpu.memory_space<vmem_shared>> -> memref<10240xf32, #tpu.memory_space<vmem_shared>>
      tpu.wait_indirect_dma semaphore(%arg10 : memref<!tpu.dma_semaphore, #tpu.memory_space<semaphore_mem>>) src(%arg9 : memref<128xf32, #tpu.memory_space<vmem>>) dst(%dma_wait3A_289 : memref<10240xf32, #tpu.memory_space<vmem_shared>>)
    } else {
    }
    %mul3A_216 = arith.constant 20 : i32
    %mul3A_217 = arith.muli %arg1, %mul3A_216 : i32
    %add3A_218 = arith.constant 19 : i32
    %add3A_219 = arith.addi %mul3A_217, %add3A_218 : i32
    %mul3A_220 = arith.constant 8 : i32
    %mul3A_221 = arith.muli %add3A_219, %mul3A_220 : i32
    %add3A_222 = arith.constant 4 : i32
    %add3A_223 = arith.addi %mul3A_221, %add3A_222 : i32
    %lt3A_224 = arith.constant 2500 : i32
    %lt3A_225 = arith.cmpi slt, %add3A_223, %lt3A_224 : i32
    %convert_element_type3A_226 = arith.extui %lt3A_225 : i1 to i32
    %cond3A_227 = arith.constant 0 : i32
    %cond3A_228 = arith.cmpi ne, %convert_element_type3A_226, %cond3A_227 : i32
    scf.if %cond3A_228 {
      %dma_wait3A = arith.constant 19 : i32
      %dma_wait3A_284 = arith.constant 4 : i32
      %dma_wait3A_285 = arith.constant 0 : i32
      %dma_wait3A_286 = tpu.memref_slice %arg8[%dma_wait3A, %dma_wait3A_284, %dma_wait3A_285] : memref<20x8x128xi32, #tpu.memory_space<vmem>> -> memref<1x1x128xi32, #tpu.memory_space<vmem>>
      %dma_wait3A_287 = tpu.memref_squeeze %dma_wait3A_286 : memref<1x1x128xi32, #tpu.memory_space<vmem>> -> memref<128xi32, #tpu.memory_space<vmem>>
      %dma_wait3A_288 = arith.constant 0 : i32
      %dma_wait3A_289 = tpu.memref_slice %arg7[%dma_wait3A_288] : memref<10240xf32, #tpu.memory_space<vmem_shared>> -> memref<10240xf32, #tpu.memory_space<vmem_shared>>
      tpu.wait_indirect_dma semaphore(%arg10 : memref<!tpu.dma_semaphore, #tpu.memory_space<semaphore_mem>>) src(%arg9 : memref<128xf32, #tpu.memory_space<vmem>>) dst(%dma_wait3A_289 : memref<10240xf32, #tpu.memory_space<vmem_shared>>)
    } else {
    }
    %mul3A_229 = arith.constant 20 : i32
    %mul3A_230 = arith.muli %arg1, %mul3A_229 : i32
    %add3A_231 = arith.constant 19 : i32
    %add3A_232 = arith.addi %mul3A_230, %add3A_231 : i32
    %mul3A_233 = arith.constant 8 : i32
    %mul3A_234 = arith.muli %add3A_232, %mul3A_233 : i32
    %add3A_235 = arith.constant 5 : i32
    %add3A_236 = arith.addi %mul3A_234, %add3A_235 : i32
    %lt3A_237 = arith.constant 2500 : i32
    %lt3A_238 = arith.cmpi slt, %add3A_236, %lt3A_237 : i32
    %convert_element_type3A_239 = arith.extui %lt3A_238 : i1 to i32
    %cond3A_240 = arith.constant 0 : i32
    %cond3A_241 = arith.cmpi ne, %convert_element_type3A_239, %cond3A_240 : i32
    scf.if %cond3A_241 {
      %dma_wait3A = arith.constant 19 : i32
      %dma_wait3A_284 = arith.constant 5 : i32
      %dma_wait3A_285 = arith.constant 0 : i32
      %dma_wait3A_286 = tpu.memref_slice %arg8[%dma_wait3A, %dma_wait3A_284, %dma_wait3A_285] : memref<20x8x128xi32, #tpu.memory_space<vmem>> -> memref<1x1x128xi32, #tpu.memory_space<vmem>>
      %dma_wait3A_287 = tpu.memref_squeeze %dma_wait3A_286 : memref<1x1x128xi32, #tpu.memory_space<vmem>> -> memref<128xi32, #tpu.memory_space<vmem>>
      %dma_wait3A_288 = arith.constant 0 : i32
      %dma_wait3A_289 = tpu.memref_slice %arg7[%dma_wait3A_288] : memref<10240xf32, #tpu.memory_space<vmem_shared>> -> memref<10240xf32, #tpu.memory_space<vmem_shared>>
      tpu.wait_indirect_dma semaphore(%arg10 : memref<!tpu.dma_semaphore, #tpu.memory_space<semaphore_mem>>) src(%arg9 : memref<128xf32, #tpu.memory_space<vmem>>) dst(%dma_wait3A_289 : memref<10240xf32, #tpu.memory_space<vmem_shared>>)
    } else {
    }
    %mul3A_242 = arith.constant 20 : i32
    %mul3A_243 = arith.muli %arg1, %mul3A_242 : i32
    %add3A_244 = arith.constant 19 : i32
    %add3A_245 = arith.addi %mul3A_243, %add3A_244 : i32
    %mul3A_246 = arith.constant 8 : i32
    %mul3A_247 = arith.muli %add3A_245, %mul3A_246 : i32
    %add3A_248 = arith.constant 6 : i32
    %add3A_249 = arith.addi %mul3A_247, %add3A_248 : i32
    %lt3A_250 = arith.constant 2500 : i32
    %lt3A_251 = arith.cmpi slt, %add3A_249, %lt3A_250 : i32
    %convert_element_type3A_252 = arith.extui %lt3A_251 : i1 to i32
    %cond3A_253 = arith.constant 0 : i32
    %cond3A_254 = arith.cmpi ne, %convert_element_type3A_252, %cond3A_253 : i32
    scf.if %cond3A_254 {
      %dma_wait3A = arith.constant 19 : i32
      %dma_wait3A_284 = arith.constant 6 : i32
      %dma_wait3A_285 = arith.constant 0 : i32
      %dma_wait3A_286 = tpu.memref_slice %arg8[%dma_wait3A, %dma_wait3A_284, %dma_wait3A_285] : memref<20x8x128xi32, #tpu.memory_space<vmem>> -> memref<1x1x128xi32, #tpu.memory_space<vmem>>
      %dma_wait3A_287 = tpu.memref_squeeze %dma_wait3A_286 : memref<1x1x128xi32, #tpu.memory_space<vmem>> -> memref<128xi32, #tpu.memory_space<vmem>>
      %dma_wait3A_288 = arith.constant 0 : i32
      %dma_wait3A_289 = tpu.memref_slice %arg7[%dma_wait3A_288] : memref<10240xf32, #tpu.memory_space<vmem_shared>> -> memref<10240xf32, #tpu.memory_space<vmem_shared>>
      tpu.wait_indirect_dma semaphore(%arg10 : memref<!tpu.dma_semaphore, #tpu.memory_space<semaphore_mem>>) src(%arg9 : memref<128xf32, #tpu.memory_space<vmem>>) dst(%dma_wait3A_289 : memref<10240xf32, #tpu.memory_space<vmem_shared>>)
    } else {
    }
    %mul3A_255 = arith.constant 20 : i32
    %mul3A_256 = arith.muli %arg1, %mul3A_255 : i32
    %add3A_257 = arith.constant 19 : i32
    %add3A_258 = arith.addi %mul3A_256, %add3A_257 : i32
    %mul3A_259 = arith.constant 8 : i32
    %mul3A_260 = arith.muli %add3A_258, %mul3A_259 : i32
    %add3A_261 = arith.constant 7 : i32
    %add3A_262 = arith.addi %mul3A_260, %add3A_261 : i32
    %lt3A_263 = arith.constant 2500 : i32
    %lt3A_264 = arith.cmpi slt, %add3A_262, %lt3A_263 : i32
    %convert_element_type3A_265 = arith.extui %lt3A_264 : i1 to i32
    %cond3A_266 = arith.constant 0 : i32
    %cond3A_267 = arith.cmpi ne, %convert_element_type3A_265, %cond3A_266 : i32
    scf.if %cond3A_267 {
      %dma_wait3A = arith.constant 19 : i32
      %dma_wait3A_284 = arith.constant 7 : i32
      %dma_wait3A_285 = arith.constant 0 : i32
      %dma_wait3A_286 = tpu.memref_slice %arg8[%dma_wait3A, %dma_wait3A_284, %dma_wait3A_285] : memref<20x8x128xi32, #tpu.memory_space<vmem>> -> memref<1x1x128xi32, #tpu.memory_space<vmem>>
      %dma_wait3A_287 = tpu.memref_squeeze %dma_wait3A_286 : memref<1x1x128xi32, #tpu.memory_space<vmem>> -> memref<128xi32, #tpu.memory_space<vmem>>
      %dma_wait3A_288 = arith.constant 0 : i32
      %dma_wait3A_289 = tpu.memref_slice %arg7[%dma_wait3A_288] : memref<10240xf32, #tpu.memory_space<vmem_shared>> -> memref<10240xf32, #tpu.memory_space<vmem_shared>>
      tpu.wait_indirect_dma semaphore(%arg10 : memref<!tpu.dma_semaphore, #tpu.memory_space<semaphore_mem>>) src(%arg9 : memref<128xf32, #tpu.memory_space<vmem>>) dst(%dma_wait3A_289 : memref<10240xf32, #tpu.memory_space<vmem_shared>>)
    } else {
    }
    %barrier3A_268 = arith.constant 0 : index
    tpu.barrier barrier_id(%barrier3A_268)
    %eq3A_269 = arith.constant 0 : i32
    %eq3A_270 = arith.cmpi eq, %arg0, %eq3A_269 : i32
    %eq3A_271 = arith.constant 0 : i32
    %eq3A_272 = arith.cmpi eq, %arg1, %eq3A_271 : i32
    %and3A = arith.andi %eq3A_270, %eq3A_272 : i1
    %convert_element_type3A_273 = arith.extui %and3A : i1 to i32
    %cond3A_274 = arith.constant 0 : i32
    %cond3A_275 = arith.cmpi ne, %convert_element_type3A_273, %cond3A_274 : i32
    scf.if %cond3A_275 {
      "tpu.region"() ({
        %run_scoped3A = tpu.sem_alloc : memref<!tpu.dma_semaphore, #tpu.memory_space<semaphore_mem>>
        tpu.enqueue_dma source(%arg7 : memref<10240xf32, #tpu.memory_space<vmem_shared>>) target(%arg5 : memref<10240xf32, #tpu.memory_space<hbm>>) target_semaphore(%run_scoped3A : memref<!tpu.dma_semaphore, #tpu.memory_space<semaphore_mem>>)
        tpu.wait_dma2 semaphore(%run_scoped3A : memref<!tpu.dma_semaphore, #tpu.memory_space<semaphore_mem>>) src(%arg7 : memref<10240xf32, #tpu.memory_space<vmem_shared>>) dst(%arg5 : memref<10240xf32, #tpu.memory_space<hbm>>)
        tpu.yield
      }) : () -> ()
    } else {
    }
    %eq3A_276 = arith.constant 1 : i32
    %eq3A_277 = arith.cmpi eq, %arg0, %eq3A_276 : i32
    %eq3A_278 = arith.constant 0 : i32
    %eq3A_279 = arith.cmpi eq, %arg1, %eq3A_278 : i32
    %and3A_280 = arith.andi %eq3A_277, %eq3A_279 : i1
    %convert_element_type3A_281 = arith.extui %and3A_280 : i1 to i32
    %cond3A_282 = arith.constant 0 : i32
    %cond3A_283 = arith.cmpi ne, %convert_element_type3A_281, %cond3A_282 : i32
    scf.if %cond3A_283 {
      "tpu.region"() ({
        %run_scoped3A = tpu.sem_alloc : memref<!tpu.dma_semaphore, #tpu.memory_space<semaphore_mem>>
        %dma_start3A = arith.constant 0 : i32
        %dma_start3A_284 = tpu.memref_slice %arg7[%dma_start3A] : memref<10240xf32, #tpu.memory_space<vmem_shared>> -> memref<5120xf32, #tpu.memory_space<vmem_shared>>
        tpu.enqueue_dma source(%dma_start3A_284 : memref<5120xf32, #tpu.memory_space<vmem_shared>>) target(%arg6 : memref<5120xf32, #tpu.memory_space<hbm>>) target_semaphore(%run_scoped3A : memref<!tpu.dma_semaphore, #tpu.memory_space<semaphore_mem>>)
        %dma_wait3A = arith.constant 0 : i32
        %dma_wait3A_285 = tpu.memref_slice %arg7[%dma_wait3A] : memref<10240xf32, #tpu.memory_space<vmem_shared>> -> memref<5120xf32, #tpu.memory_space<vmem_shared>>
        tpu.wait_dma2 semaphore(%run_scoped3A : memref<!tpu.dma_semaphore, #tpu.memory_space<semaphore_mem>>) src(%dma_wait3A_285 : memref<5120xf32, #tpu.memory_space<vmem_shared>>) dst(%arg6 : memref<5120xf32, #tpu.memory_space<hbm>>)
        tpu.yield
      }) : () -> ()
    } else {
    }
    return
  }
}

#map = affine_map<(d0, d1) -> (0, 0)>
#map1 = affine_map<(d0, d1) -> (0, 0, 0)>
module attributes {stable_mosaic.version = 14 : i64} {
  func.func @_agg(%arg0: i32, %arg1: i32, %arg2: memref<10000x128xf32, #tpu.memory_space<hbm>>, %arg3: memref<320x8x128xi32, #tpu.memory_space<hbm>>, %arg4: memref<320x8x128xi32, #tpu.memory_space<hbm>>, %arg5: memref<10000x128xf32, #tpu.memory_space<hbm>>, %arg6: memref<2x5000x128xf32, #tpu.memory_space<hbm>>, %arg7: memref<5000x128xf32, #tpu.memory_space<vmem_shared>>, %arg8: memref<2x8x128xi32, #tpu.memory_space<vmem>>, %arg9: memref<2x8x128xi32, #tpu.memory_space<vmem>>, %arg10: memref<128x128xf32, #tpu.memory_space<vmem>>, %arg11: memref<128x128xf32, #tpu.memory_space<vmem>>, %arg12: memref<!tpu.dma_semaphore, #tpu.memory_space<semaphore_mem>>, %arg13: memref<!tpu.dma_semaphore, #tpu.memory_space<semaphore_mem>>) attributes {dimension_semantics = [#tpu.dimension_semantics<core_parallel>, #tpu.dimension_semantics<subcore_parallel>], iteration_bounds = array<i64: 2, 16>, scalar_prefetch = 0 : i64, scratch_operands = 7 : i64, tpu.core_type = #tpu.core_type<sc_vector_subcore>, window_params = [{transform_indices = #map}, {transform_indices = #map1}, {transform_indices = #map1}, {transform_indices = #map}, {transform_indices = #map1}]} {
    %mul3A = arith.constant 2 : i32
    %mul3A_0 = arith.muli %arg1, %mul3A : i32
    %add3A = arith.addi %mul3A_0, %arg0 : i32
    %lt3A = arith.constant 5 : i32
    %lt3A_1 = arith.cmpi slt, %arg1, %lt3A : i32
    %convert_element_type3A = arith.extui %lt3A_1 : i1 to i32
    %cond3A = arith.constant 0 : i32
    %cond3A_2 = arith.cmpi ne, %convert_element_type3A, %cond3A : i32
    scf.if %cond3A_2 {
      %mul3A_14 = arith.constant 1000 : i32
      %mul3A_15 = arith.muli %arg1, %mul3A_14 : i32
      %mul3A_16 = arith.constant 1000 : i32
      %mul3A_17 = arith.muli %arg1, %mul3A_16 : i32
      "tpu.region"() ({
        %run_scoped3A = tpu.sem_alloc : memref<!tpu.dma_semaphore, #tpu.memory_space<semaphore_mem>>
        %dma_start3A = arith.constant 0 : i32
        %dma_start3A_18 = tpu.memref_slice %arg7[%mul3A_17, %dma_start3A] : memref<5000x128xf32, #tpu.memory_space<vmem_shared>> -> memref<1000x128xf32, #tpu.memory_space<vmem_shared>>
        %dma_start3A_19 = arith.constant 0 : i32
        %dma_start3A_20 = tpu.memref_slice %arg5[%mul3A_15, %dma_start3A_19] : memref<10000x128xf32, #tpu.memory_space<hbm>> -> memref<1000x128xf32, #tpu.memory_space<hbm>>
        tpu.enqueue_dma source(%dma_start3A_20 : memref<1000x128xf32, #tpu.memory_space<hbm>>) target(%dma_start3A_18 : memref<1000x128xf32, #tpu.memory_space<vmem_shared>>) target_semaphore(%run_scoped3A : memref<!tpu.dma_semaphore, #tpu.memory_space<semaphore_mem>>)
        %dma_wait3A = arith.constant 0 : i32
        %dma_wait3A_21 = tpu.memref_slice %arg7[%mul3A_17, %dma_wait3A] : memref<5000x128xf32, #tpu.memory_space<vmem_shared>> -> memref<1000x128xf32, #tpu.memory_space<vmem_shared>>
        %dma_wait3A_22 = arith.constant 0 : i32
        %dma_wait3A_23 = tpu.memref_slice %arg5[%mul3A_15, %dma_wait3A_22] : memref<10000x128xf32, #tpu.memory_space<hbm>> -> memref<1000x128xf32, #tpu.memory_space<hbm>>
        tpu.wait_dma2 semaphore(%run_scoped3A : memref<!tpu.dma_semaphore, #tpu.memory_space<semaphore_mem>>) src(%dma_wait3A_23 : memref<1000x128xf32, #tpu.memory_space<hbm>>) dst(%dma_wait3A_21 : memref<1000x128xf32, #tpu.memory_space<vmem_shared>>)
        tpu.yield
      }) : () -> ()
    } else {
    }
    %barrier3A = arith.constant 0 : index
    tpu.barrier barrier_id(%barrier3A)
    %scan3A = arith.constant 0 : i32
    %scan3A_3 = arith.constant 0 : i32
    %scan3A_4 = arith.constant 5 : i32
    %scan3A_5 = arith.addi %scan3A_3, %scan3A_4 : i32
    %scan3A_6 = arith.constant 1 : i32
    scf.for %scan3A_14 = %scan3A_3 to %scan3A_5 step %scan3A_6  : i32 {
      %mul3A_15 = arith.constant 10 : i32
      %mul3A_16 = arith.muli %add3A, %mul3A_15 : i32
      %mul3A_17 = arith.constant 2 : i32
      %mul3A_18 = arith.muli %scan3A_14, %mul3A_17 : i32
      %add3A_19 = arith.addi %mul3A_16, %mul3A_18 : i32
      %mul3A_20 = arith.constant 8 : i32
      %mul3A_21 = arith.muli %add3A_19, %mul3A_20 : i32
      "tpu.region"() ({
        %run_scoped3A = tpu.sem_alloc : memref<!tpu.dma_semaphore, #tpu.memory_space<semaphore_mem>>
        %dma_start3A_35 = arith.constant 0 : i32
        %dma_start3A_36 = arith.constant 0 : i32
        %dma_start3A_37 = tpu.memref_slice %arg3[%add3A_19, %dma_start3A_35, %dma_start3A_36] : memref<320x8x128xi32, #tpu.memory_space<hbm>> -> memref<2x8x128xi32, #tpu.memory_space<hbm>>
        %dma_start3A_38 = arith.constant 0 : i32
        %dma_start3A_39 = arith.constant 0 : i32
        %dma_start3A_40 = tpu.memref_slice %arg3[%add3A_19, %dma_start3A_38, %dma_start3A_39] : memref<320x8x128xi32, #tpu.memory_space<hbm>> -> memref<2x8x128xi32, #tpu.memory_space<hbm>>
        tpu.enqueue_dma source(%dma_start3A_40 : memref<2x8x128xi32, #tpu.memory_space<hbm>>) target(%arg8 : memref<2x8x128xi32, #tpu.memory_space<vmem>>) target_semaphore(%run_scoped3A : memref<!tpu.dma_semaphore, #tpu.memory_space<semaphore_mem>>)
        %dma_wait3A = arith.constant 0 : i32
        %dma_wait3A_41 = arith.constant 0 : i32
        %dma_wait3A_42 = tpu.memref_slice %arg3[%add3A_19, %dma_wait3A, %dma_wait3A_41] : memref<320x8x128xi32, #tpu.memory_space<hbm>> -> memref<2x8x128xi32, #tpu.memory_space<hbm>>
        %dma_wait3A_43 = arith.constant 0 : i32
        %dma_wait3A_44 = arith.constant 0 : i32
        %dma_wait3A_45 = tpu.memref_slice %arg3[%add3A_19, %dma_wait3A_43, %dma_wait3A_44] : memref<320x8x128xi32, #tpu.memory_space<hbm>> -> memref<2x8x128xi32, #tpu.memory_space<hbm>>
        tpu.wait_dma2 semaphore(%run_scoped3A : memref<!tpu.dma_semaphore, #tpu.memory_space<semaphore_mem>>) src(%dma_wait3A_45 : memref<2x8x128xi32, #tpu.memory_space<hbm>>) dst(%arg8 : memref<2x8x128xi32, #tpu.memory_space<vmem>>)
        tpu.yield
      }) : () -> ()
      "tpu.region"() ({
        %run_scoped3A = tpu.sem_alloc : memref<!tpu.dma_semaphore, #tpu.memory_space<semaphore_mem>>
        %dma_start3A_35 = arith.constant 0 : i32
        %dma_start3A_36 = arith.constant 0 : i32
        %dma_start3A_37 = tpu.memref_slice %arg4[%add3A_19, %dma_start3A_35, %dma_start3A_36] : memref<320x8x128xi32, #tpu.memory_space<hbm>> -> memref<2x8x128xi32, #tpu.memory_space<hbm>>
        %dma_start3A_38 = arith.constant 0 : i32
        %dma_start3A_39 = arith.constant 0 : i32
        %dma_start3A_40 = tpu.memref_slice %arg4[%add3A_19, %dma_start3A_38, %dma_start3A_39] : memref<320x8x128xi32, #tpu.memory_space<hbm>> -> memref<2x8x128xi32, #tpu.memory_space<hbm>>
        tpu.enqueue_dma source(%dma_start3A_40 : memref<2x8x128xi32, #tpu.memory_space<hbm>>) target(%arg9 : memref<2x8x128xi32, #tpu.memory_space<vmem>>) target_semaphore(%run_scoped3A : memref<!tpu.dma_semaphore, #tpu.memory_space<semaphore_mem>>)
        %dma_wait3A = arith.constant 0 : i32
        %dma_wait3A_41 = arith.constant 0 : i32
        %dma_wait3A_42 = tpu.memref_slice %arg4[%add3A_19, %dma_wait3A, %dma_wait3A_41] : memref<320x8x128xi32, #tpu.memory_space<hbm>> -> memref<2x8x128xi32, #tpu.memory_space<hbm>>
        %dma_wait3A_43 = arith.constant 0 : i32
        %dma_wait3A_44 = arith.constant 0 : i32
        %dma_wait3A_45 = tpu.memref_slice %arg4[%add3A_19, %dma_wait3A_43, %dma_wait3A_44] : memref<320x8x128xi32, #tpu.memory_space<hbm>> -> memref<2x8x128xi32, #tpu.memory_space<hbm>>
        tpu.wait_dma2 semaphore(%run_scoped3A : memref<!tpu.dma_semaphore, #tpu.memory_space<semaphore_mem>>) src(%dma_wait3A_45 : memref<2x8x128xi32, #tpu.memory_space<hbm>>) dst(%arg9 : memref<2x8x128xi32, #tpu.memory_space<vmem>>)
        tpu.yield
      }) : () -> ()
      %dma_start3A = arith.constant 0 : i32
      %dma_start3A_22 = arith.constant 0 : i32
      %dma_start3A_23 = arith.constant 0 : i32
      %dma_start3A_24 = tpu.memref_slice %arg8[%dma_start3A, %dma_start3A_22, %dma_start3A_23] : memref<2x8x128xi32, #tpu.memory_space<vmem>> -> memref<1x1x128xi32, #tpu.memory_space<vmem>>
      %dma_start3A_25 = tpu.memref_squeeze %dma_start3A_24 : memref<1x1x128xi32, #tpu.memory_space<vmem>> -> memref<128xi32, #tpu.memory_space<vmem>>
      %dma_start3A_26 = arith.constant 0 : i32
      %dma_start3A_27 = arith.constant 0 : i32
      %dma_start3A_28 = tpu.memref_slice %arg2[%dma_start3A_26, %dma_start3A_27] : memref<10000x128xf32, #tpu.memory_space<hbm>> -> memref<10000x128xf32, #tpu.memory_space<hbm>>
      tpu.enqueue_indirect_dma source(%dma_start3A_28 : memref<10000x128xf32, #tpu.memory_space<hbm>>) target(%arg10 : memref<128x128xf32, #tpu.memory_space<vmem>>) offsets(%dma_start3A_25 : memref<128xi32, #tpu.memory_space<vmem>>) semaphore(%arg12 : memref<!tpu.dma_semaphore, #tpu.memory_space<semaphore_mem>>)
      %scan3A_29 = arith.constant 0 : i32
      %scan3A_30 = arith.constant 0 : i32
      %scan3A_31 = arith.constant 8 : i32
      %scan3A_32 = arith.addi %scan3A_30, %scan3A_31 : i32
      %scan3A_33 = arith.constant 1 : i32
      scf.for %scan3A_35 = %scan3A_30 to %scan3A_32 step %scan3A_33  : i32 {
        %mul3A_36 = arith.constant 2 : i32
        %mul3A_37 = arith.muli %mul3A_36, %scan3A_35 : i32
        %add3A_38 = arith.constant 1 : i32
        %add3A_39 = arith.addi %mul3A_37, %add3A_38 : i32
        %jit3A = arith.constant 8 : i32
        %div3A = arith.divsi %add3A_39, %jit3A : i32
        %sign3A = arith.constant 0 : i32
        %sign3A_40 = arith.cmpi sgt, %add3A_39, %sign3A : i32
        %sign3A_41 = arith.extui %sign3A_40 : i1 to i32
        %sign3A_42 = arith.constant 0 : i32
        %sign3A_43 = arith.cmpi slt, %add3A_39, %sign3A_42 : i32
        %sign3A_44 = arith.extui %sign3A_43 : i1 to i32
        %sign3A_45 = arith.subi %sign3A_41, %sign3A_44 : i32
        %sign3A_46 = arith.constant 0 : i32
        %sign3A_47 = arith.cmpi sgt, %jit3A, %sign3A_46 : i32
        %sign3A_48 = arith.extui %sign3A_47 : i1 to i32
        %sign3A_49 = arith.constant 0 : i32
        %sign3A_50 = arith.cmpi slt, %jit3A, %sign3A_49 : i32
        %sign3A_51 = arith.extui %sign3A_50 : i1 to i32
        %sign3A_52 = arith.subi %sign3A_48, %sign3A_51 : i32
        %ne3A = arith.cmpi ne, %sign3A_45, %sign3A_52 : i32
        %rem3A = arith.remsi %add3A_39, %jit3A : i32
        %ne3A_53 = arith.constant 0 : i32
        %ne3A_54 = arith.cmpi ne, %rem3A, %ne3A_53 : i32
        %and3A = arith.andi %ne3A, %ne3A_54 : i1
        %sub3A = arith.constant 1 : i32
        %sub3A_55 = arith.subi %div3A, %sub3A : i32
        %select_n3A = arith.select %and3A, %sub3A_55, %div3A : i32
        %jit3A_56 = arith.constant 8 : i32
        %eq3A = arith.constant 0 : i32
        %eq3A_57 = arith.cmpi eq, %jit3A_56, %eq3A : i32
        %jit3A_58 = arith.constant 1 : i32
        %select_n3A_59 = arith.select %eq3A_57, %jit3A_58, %jit3A_56 : i32
        %rem3A_60 = arith.remsi %add3A_39, %select_n3A_59 : i32
        %ne3A_61 = arith.constant 0 : i32
        %ne3A_62 = arith.cmpi ne, %rem3A_60, %ne3A_61 : i32
        %lt3A_63 = arith.constant 0 : i32
        %lt3A_64 = arith.cmpi slt, %rem3A_60, %lt3A_63 : i32
        %lt3A_65 = arith.constant 0 : i32
        %lt3A_66 = arith.cmpi slt, %select_n3A_59, %lt3A_65 : i32
        %ne3A_67 = arith.xori %lt3A_64, %lt3A_66 : i1
        %and3A_68 = arith.andi %ne3A_67, %ne3A_62 : i1
        %add3A_69 = arith.addi %rem3A_60, %select_n3A_59 : i32
        %select_n3A_70 = arith.select %and3A_68, %add3A_69, %rem3A_60 : i32
        %dma_start3A_71 = arith.constant 0 : i32
        %dma_start3A_72 = tpu.memref_slice %arg8[%select_n3A, %select_n3A_70, %dma_start3A_71] : memref<2x8x128xi32, #tpu.memory_space<vmem>> -> memref<1x1x128xi32, #tpu.memory_space<vmem>>
        %dma_start3A_73 = tpu.memref_squeeze %dma_start3A_72 : memref<1x1x128xi32, #tpu.memory_space<vmem>> -> memref<128xi32, #tpu.memory_space<vmem>>
        %dma_start3A_74 = arith.constant 0 : i32
        %dma_start3A_75 = arith.constant 0 : i32
        %dma_start3A_76 = tpu.memref_slice %arg2[%dma_start3A_74, %dma_start3A_75] : memref<10000x128xf32, #tpu.memory_space<hbm>> -> memref<10000x128xf32, #tpu.memory_space<hbm>>
        tpu.enqueue_indirect_dma source(%dma_start3A_76 : memref<10000x128xf32, #tpu.memory_space<hbm>>) target(%arg11 : memref<128x128xf32, #tpu.memory_space<vmem>>) offsets(%dma_start3A_73 : memref<128xi32, #tpu.memory_space<vmem>>) semaphore(%arg13 : memref<!tpu.dma_semaphore, #tpu.memory_space<semaphore_mem>>)
        %jit3A_77 = arith.constant 8 : i32
        %div3A_78 = arith.divsi %mul3A_37, %jit3A_77 : i32
        %sign3A_79 = arith.constant 0 : i32
        %sign3A_80 = arith.cmpi sgt, %mul3A_37, %sign3A_79 : i32
        %sign3A_81 = arith.extui %sign3A_80 : i1 to i32
        %sign3A_82 = arith.constant 0 : i32
        %sign3A_83 = arith.cmpi slt, %mul3A_37, %sign3A_82 : i32
        %sign3A_84 = arith.extui %sign3A_83 : i1 to i32
        %sign3A_85 = arith.subi %sign3A_81, %sign3A_84 : i32
        %sign3A_86 = arith.constant 0 : i32
        %sign3A_87 = arith.cmpi sgt, %jit3A_77, %sign3A_86 : i32
        %sign3A_88 = arith.extui %sign3A_87 : i1 to i32
        %sign3A_89 = arith.constant 0 : i32
        %sign3A_90 = arith.cmpi slt, %jit3A_77, %sign3A_89 : i32
        %sign3A_91 = arith.extui %sign3A_90 : i1 to i32
        %sign3A_92 = arith.subi %sign3A_88, %sign3A_91 : i32
        %ne3A_93 = arith.cmpi ne, %sign3A_85, %sign3A_92 : i32
        %rem3A_94 = arith.remsi %mul3A_37, %jit3A_77 : i32
        %ne3A_95 = arith.constant 0 : i32
        %ne3A_96 = arith.cmpi ne, %rem3A_94, %ne3A_95 : i32
        %and3A_97 = arith.andi %ne3A_93, %ne3A_96 : i1
        %sub3A_98 = arith.constant 1 : i32
        %sub3A_99 = arith.subi %div3A_78, %sub3A_98 : i32
        %select_n3A_100 = arith.select %and3A_97, %sub3A_99, %div3A_78 : i32
        %jit3A_101 = arith.constant 8 : i32
        %eq3A_102 = arith.constant 0 : i32
        %eq3A_103 = arith.cmpi eq, %jit3A_101, %eq3A_102 : i32
        %jit3A_104 = arith.constant 1 : i32
        %select_n3A_105 = arith.select %eq3A_103, %jit3A_104, %jit3A_101 : i32
        %rem3A_106 = arith.remsi %mul3A_37, %select_n3A_105 : i32
        %ne3A_107 = arith.constant 0 : i32
        %ne3A_108 = arith.cmpi ne, %rem3A_106, %ne3A_107 : i32
        %lt3A_109 = arith.constant 0 : i32
        %lt3A_110 = arith.cmpi slt, %rem3A_106, %lt3A_109 : i32
        %lt3A_111 = arith.constant 0 : i32
        %lt3A_112 = arith.cmpi slt, %select_n3A_105, %lt3A_111 : i32
        %ne3A_113 = arith.xori %lt3A_110, %lt3A_112 : i1
        %and3A_114 = arith.andi %ne3A_113, %ne3A_108 : i1
        %add3A_115 = arith.addi %rem3A_106, %select_n3A_105 : i32
        %select_n3A_116 = arith.select %and3A_114, %add3A_115, %rem3A_106 : i32
        %dma_wait3A = arith.constant 0 : i32
        %dma_wait3A_117 = tpu.memref_slice %arg8[%select_n3A_100, %select_n3A_116, %dma_wait3A] : memref<2x8x128xi32, #tpu.memory_space<vmem>> -> memref<1x1x128xi32, #tpu.memory_space<vmem>>
        %dma_wait3A_118 = tpu.memref_squeeze %dma_wait3A_117 : memref<1x1x128xi32, #tpu.memory_space<vmem>> -> memref<128xi32, #tpu.memory_space<vmem>>
        %dma_wait3A_119 = arith.constant 0 : i32
        %dma_wait3A_120 = arith.constant 0 : i32
        %dma_wait3A_121 = tpu.memref_slice %arg2[%dma_wait3A_119, %dma_wait3A_120] : memref<10000x128xf32, #tpu.memory_space<hbm>> -> memref<10000x128xf32, #tpu.memory_space<hbm>>
        tpu.wait_indirect_dma semaphore(%arg12 : memref<!tpu.dma_semaphore, #tpu.memory_space<semaphore_mem>>) src(%dma_wait3A_121 : memref<10000x128xf32, #tpu.memory_space<hbm>>) dst(%arg10 : memref<128x128xf32, #tpu.memory_space<vmem>>)
        %add3A_122 = arith.addi %mul3A_21, %mul3A_37 : i32
        %lt3A_123 = arith.constant 2500 : i32
        %lt3A_124 = arith.cmpi slt, %add3A_122, %lt3A_123 : i32
        %convert_element_type3A_125 = arith.extui %lt3A_124 : i1 to i32
        %cond3A_126 = arith.constant 0 : i32
        %cond3A_127 = arith.cmpi ne, %convert_element_type3A_125, %cond3A_126 : i32
        scf.if %cond3A_127 {
          %jit3A_191 = arith.constant 8 : i32
          %div3A_192 = arith.divsi %mul3A_37, %jit3A_191 : i32
          %sign3A_193 = arith.constant 0 : i32
          %sign3A_194 = arith.cmpi sgt, %mul3A_37, %sign3A_193 : i32
          %sign3A_195 = arith.extui %sign3A_194 : i1 to i32
          %sign3A_196 = arith.constant 0 : i32
          %sign3A_197 = arith.cmpi slt, %mul3A_37, %sign3A_196 : i32
          %sign3A_198 = arith.extui %sign3A_197 : i1 to i32
          %sign3A_199 = arith.subi %sign3A_195, %sign3A_198 : i32
          %sign3A_200 = arith.constant 0 : i32
          %sign3A_201 = arith.cmpi sgt, %jit3A_191, %sign3A_200 : i32
          %sign3A_202 = arith.extui %sign3A_201 : i1 to i32
          %sign3A_203 = arith.constant 0 : i32
          %sign3A_204 = arith.cmpi slt, %jit3A_191, %sign3A_203 : i32
          %sign3A_205 = arith.extui %sign3A_204 : i1 to i32
          %sign3A_206 = arith.subi %sign3A_202, %sign3A_205 : i32
          %ne3A_207 = arith.cmpi ne, %sign3A_199, %sign3A_206 : i32
          %rem3A_208 = arith.remsi %mul3A_37, %jit3A_191 : i32
          %ne3A_209 = arith.constant 0 : i32
          %ne3A_210 = arith.cmpi ne, %rem3A_208, %ne3A_209 : i32
          %and3A_211 = arith.andi %ne3A_207, %ne3A_210 : i1
          %sub3A_212 = arith.constant 1 : i32
          %sub3A_213 = arith.subi %div3A_192, %sub3A_212 : i32
          %select_n3A_214 = arith.select %and3A_211, %sub3A_213, %div3A_192 : i32
          %jit3A_215 = arith.constant 8 : i32
          %eq3A_216 = arith.constant 0 : i32
          %eq3A_217 = arith.cmpi eq, %jit3A_215, %eq3A_216 : i32
          %jit3A_218 = arith.constant 1 : i32
          %select_n3A_219 = arith.select %eq3A_217, %jit3A_218, %jit3A_215 : i32
          %rem3A_220 = arith.remsi %mul3A_37, %select_n3A_219 : i32
          %ne3A_221 = arith.constant 0 : i32
          %ne3A_222 = arith.cmpi ne, %rem3A_220, %ne3A_221 : i32
          %lt3A_223 = arith.constant 0 : i32
          %lt3A_224 = arith.cmpi slt, %rem3A_220, %lt3A_223 : i32
          %lt3A_225 = arith.constant 0 : i32
          %lt3A_226 = arith.cmpi slt, %select_n3A_219, %lt3A_225 : i32
          %ne3A_227 = arith.xori %lt3A_224, %lt3A_226 : i1
          %and3A_228 = arith.andi %ne3A_227, %ne3A_222 : i1
          %add3A_229 = arith.addi %rem3A_220, %select_n3A_219 : i32
          %select_n3A_230 = arith.select %and3A_228, %add3A_229, %rem3A_220 : i32
          "tpu.region"() ({
            %run_scoped3A = tpu.sem_alloc : memref<!tpu.dma_semaphore, #tpu.memory_space<semaphore_mem>>
            %dma_start3A_231 = arith.constant 0 : i32
            %dma_start3A_232 = tpu.memref_slice %arg9[%select_n3A_214, %select_n3A_230, %dma_start3A_231] : memref<2x8x128xi32, #tpu.memory_space<vmem>> -> memref<1x1x128xi32, #tpu.memory_space<vmem>>
            %dma_start3A_233 = tpu.memref_squeeze %dma_start3A_232 : memref<1x1x128xi32, #tpu.memory_space<vmem>> -> memref<128xi32, #tpu.memory_space<vmem>>
            %dma_start3A_234 = arith.constant 0 : i32
            %dma_start3A_235 = arith.constant 0 : i32
            %dma_start3A_236 = tpu.memref_slice %arg7[%dma_start3A_234, %dma_start3A_235] : memref<5000x128xf32, #tpu.memory_space<vmem_shared>> -> memref<5000x128xf32, #tpu.memory_space<vmem_shared>>
            tpu.enqueue_indirect_dma source(%arg10 : memref<128x128xf32, #tpu.memory_space<vmem>>) target(%dma_start3A_236 : memref<5000x128xf32, #tpu.memory_space<vmem_shared>>) offsets(%dma_start3A_233 : memref<128xi32, #tpu.memory_space<vmem>>) semaphore(%run_scoped3A : memref<!tpu.dma_semaphore, #tpu.memory_space<semaphore_mem>>) {add = true}
            %dma_wait3A_237 = arith.constant 0 : i32
            %dma_wait3A_238 = tpu.memref_slice %arg9[%select_n3A_214, %select_n3A_230, %dma_wait3A_237] : memref<2x8x128xi32, #tpu.memory_space<vmem>> -> memref<1x1x128xi32, #tpu.memory_space<vmem>>
            %dma_wait3A_239 = tpu.memref_squeeze %dma_wait3A_238 : memref<1x1x128xi32, #tpu.memory_space<vmem>> -> memref<128xi32, #tpu.memory_space<vmem>>
            %dma_wait3A_240 = arith.constant 0 : i32
            %dma_wait3A_241 = arith.constant 0 : i32
            %dma_wait3A_242 = tpu.memref_slice %arg7[%dma_wait3A_240, %dma_wait3A_241] : memref<5000x128xf32, #tpu.memory_space<vmem_shared>> -> memref<5000x128xf32, #tpu.memory_space<vmem_shared>>
            tpu.wait_indirect_dma semaphore(%run_scoped3A : memref<!tpu.dma_semaphore, #tpu.memory_space<semaphore_mem>>) src(%arg10 : memref<128x128xf32, #tpu.memory_space<vmem>>) dst(%dma_wait3A_242 : memref<5000x128xf32, #tpu.memory_space<vmem_shared>>)
            tpu.yield
          }) : () -> ()
        } else {
        }
        %add3A_128 = arith.constant 2 : i32
        %add3A_129 = arith.addi %mul3A_37, %add3A_128 : i32
        %lt3A_130 = arith.constant 16 : i32
        %lt3A_131 = arith.cmpi slt, %add3A_129, %lt3A_130 : i32
        %convert_element_type3A_132 = arith.extui %lt3A_131 : i1 to i32
        %cond3A_133 = arith.constant 0 : i32
        %cond3A_134 = arith.cmpi ne, %convert_element_type3A_132, %cond3A_133 : i32
        scf.if %cond3A_134 {
          %add3A_191 = arith.constant 2 : i32
          %add3A_192 = arith.addi %mul3A_37, %add3A_191 : i32
          %jit3A_193 = arith.constant 8 : i32
          %div3A_194 = arith.divsi %add3A_192, %jit3A_193 : i32
          %sign3A_195 = arith.constant 0 : i32
          %sign3A_196 = arith.cmpi sgt, %add3A_192, %sign3A_195 : i32
          %sign3A_197 = arith.extui %sign3A_196 : i1 to i32
          %sign3A_198 = arith.constant 0 : i32
          %sign3A_199 = arith.cmpi slt, %add3A_192, %sign3A_198 : i32
          %sign3A_200 = arith.extui %sign3A_199 : i1 to i32
          %sign3A_201 = arith.subi %sign3A_197, %sign3A_200 : i32
          %sign3A_202 = arith.constant 0 : i32
          %sign3A_203 = arith.cmpi sgt, %jit3A_193, %sign3A_202 : i32
          %sign3A_204 = arith.extui %sign3A_203 : i1 to i32
          %sign3A_205 = arith.constant 0 : i32
          %sign3A_206 = arith.cmpi slt, %jit3A_193, %sign3A_205 : i32
          %sign3A_207 = arith.extui %sign3A_206 : i1 to i32
          %sign3A_208 = arith.subi %sign3A_204, %sign3A_207 : i32
          %ne3A_209 = arith.cmpi ne, %sign3A_201, %sign3A_208 : i32
          %rem3A_210 = arith.remsi %add3A_192, %jit3A_193 : i32
          %ne3A_211 = arith.constant 0 : i32
          %ne3A_212 = arith.cmpi ne, %rem3A_210, %ne3A_211 : i32
          %and3A_213 = arith.andi %ne3A_209, %ne3A_212 : i1
          %sub3A_214 = arith.constant 1 : i32
          %sub3A_215 = arith.subi %div3A_194, %sub3A_214 : i32
          %select_n3A_216 = arith.select %and3A_213, %sub3A_215, %div3A_194 : i32
          %jit3A_217 = arith.constant 8 : i32
          %eq3A_218 = arith.constant 0 : i32
          %eq3A_219 = arith.cmpi eq, %jit3A_217, %eq3A_218 : i32
          %jit3A_220 = arith.constant 1 : i32
          %select_n3A_221 = arith.select %eq3A_219, %jit3A_220, %jit3A_217 : i32
          %rem3A_222 = arith.remsi %add3A_192, %select_n3A_221 : i32
          %ne3A_223 = arith.constant 0 : i32
          %ne3A_224 = arith.cmpi ne, %rem3A_222, %ne3A_223 : i32
          %lt3A_225 = arith.constant 0 : i32
          %lt3A_226 = arith.cmpi slt, %rem3A_222, %lt3A_225 : i32
          %lt3A_227 = arith.constant 0 : i32
          %lt3A_228 = arith.cmpi slt, %select_n3A_221, %lt3A_227 : i32
          %ne3A_229 = arith.xori %lt3A_226, %lt3A_228 : i1
          %and3A_230 = arith.andi %ne3A_229, %ne3A_224 : i1
          %add3A_231 = arith.addi %rem3A_222, %select_n3A_221 : i32
          %select_n3A_232 = arith.select %and3A_230, %add3A_231, %rem3A_222 : i32
          %dma_start3A_233 = arith.constant 0 : i32
          %dma_start3A_234 = tpu.memref_slice %arg8[%select_n3A_216, %select_n3A_232, %dma_start3A_233] : memref<2x8x128xi32, #tpu.memory_space<vmem>> -> memref<1x1x128xi32, #tpu.memory_space<vmem>>
          %dma_start3A_235 = tpu.memref_squeeze %dma_start3A_234 : memref<1x1x128xi32, #tpu.memory_space<vmem>> -> memref<128xi32, #tpu.memory_space<vmem>>
          %dma_start3A_236 = arith.constant 0 : i32
          %dma_start3A_237 = arith.constant 0 : i32
          %dma_start3A_238 = tpu.memref_slice %arg2[%dma_start3A_236, %dma_start3A_237] : memref<10000x128xf32, #tpu.memory_space<hbm>> -> memref<10000x128xf32, #tpu.memory_space<hbm>>
          tpu.enqueue_indirect_dma source(%dma_start3A_238 : memref<10000x128xf32, #tpu.memory_space<hbm>>) target(%arg10 : memref<128x128xf32, #tpu.memory_space<vmem>>) offsets(%dma_start3A_235 : memref<128xi32, #tpu.memory_space<vmem>>) semaphore(%arg12 : memref<!tpu.dma_semaphore, #tpu.memory_space<semaphore_mem>>)
        } else {
        }
        %add3A_135 = arith.constant 1 : i32
        %add3A_136 = arith.addi %mul3A_37, %add3A_135 : i32
        %jit3A_137 = arith.constant 8 : i32
        %div3A_138 = arith.divsi %add3A_136, %jit3A_137 : i32
        %sign3A_139 = arith.constant 0 : i32
        %sign3A_140 = arith.cmpi sgt, %add3A_136, %sign3A_139 : i32
        %sign3A_141 = arith.extui %sign3A_140 : i1 to i32
        %sign3A_142 = arith.constant 0 : i32
        %sign3A_143 = arith.cmpi slt, %add3A_136, %sign3A_142 : i32
        %sign3A_144 = arith.extui %sign3A_143 : i1 to i32
        %sign3A_145 = arith.subi %sign3A_141, %sign3A_144 : i32
        %sign3A_146 = arith.constant 0 : i32
        %sign3A_147 = arith.cmpi sgt, %jit3A_137, %sign3A_146 : i32
        %sign3A_148 = arith.extui %sign3A_147 : i1 to i32
        %sign3A_149 = arith.constant 0 : i32
        %sign3A_150 = arith.cmpi slt, %jit3A_137, %sign3A_149 : i32
        %sign3A_151 = arith.extui %sign3A_150 : i1 to i32
        %sign3A_152 = arith.subi %sign3A_148, %sign3A_151 : i32
        %ne3A_153 = arith.cmpi ne, %sign3A_145, %sign3A_152 : i32
        %rem3A_154 = arith.remsi %add3A_136, %jit3A_137 : i32
        %ne3A_155 = arith.constant 0 : i32
        %ne3A_156 = arith.cmpi ne, %rem3A_154, %ne3A_155 : i32
        %and3A_157 = arith.andi %ne3A_153, %ne3A_156 : i1
        %sub3A_158 = arith.constant 1 : i32
        %sub3A_159 = arith.subi %div3A_138, %sub3A_158 : i32
        %select_n3A_160 = arith.select %and3A_157, %sub3A_159, %div3A_138 : i32
        %jit3A_161 = arith.constant 8 : i32
        %eq3A_162 = arith.constant 0 : i32
        %eq3A_163 = arith.cmpi eq, %jit3A_161, %eq3A_162 : i32
        %jit3A_164 = arith.constant 1 : i32
        %select_n3A_165 = arith.select %eq3A_163, %jit3A_164, %jit3A_161 : i32
        %rem3A_166 = arith.remsi %add3A_136, %select_n3A_165 : i32
        %ne3A_167 = arith.constant 0 : i32
        %ne3A_168 = arith.cmpi ne, %rem3A_166, %ne3A_167 : i32
        %lt3A_169 = arith.constant 0 : i32
        %lt3A_170 = arith.cmpi slt, %rem3A_166, %lt3A_169 : i32
        %lt3A_171 = arith.constant 0 : i32
        %lt3A_172 = arith.cmpi slt, %select_n3A_165, %lt3A_171 : i32
        %ne3A_173 = arith.xori %lt3A_170, %lt3A_172 : i1
        %and3A_174 = arith.andi %ne3A_173, %ne3A_168 : i1
        %add3A_175 = arith.addi %rem3A_166, %select_n3A_165 : i32
        %select_n3A_176 = arith.select %and3A_174, %add3A_175, %rem3A_166 : i32
        %dma_wait3A_177 = arith.constant 0 : i32
        %dma_wait3A_178 = tpu.memref_slice %arg8[%select_n3A_160, %select_n3A_176, %dma_wait3A_177] : memref<2x8x128xi32, #tpu.memory_space<vmem>> -> memref<1x1x128xi32, #tpu.memory_space<vmem>>
        %dma_wait3A_179 = tpu.memref_squeeze %dma_wait3A_178 : memref<1x1x128xi32, #tpu.memory_space<vmem>> -> memref<128xi32, #tpu.memory_space<vmem>>
        %dma_wait3A_180 = arith.constant 0 : i32
        %dma_wait3A_181 = arith.constant 0 : i32
        %dma_wait3A_182 = tpu.memref_slice %arg2[%dma_wait3A_180, %dma_wait3A_181] : memref<10000x128xf32, #tpu.memory_space<hbm>> -> memref<10000x128xf32, #tpu.memory_space<hbm>>
        tpu.wait_indirect_dma semaphore(%arg13 : memref<!tpu.dma_semaphore, #tpu.memory_space<semaphore_mem>>) src(%dma_wait3A_182 : memref<10000x128xf32, #tpu.memory_space<hbm>>) dst(%arg11 : memref<128x128xf32, #tpu.memory_space<vmem>>)
        %add3A_183 = arith.constant 1 : i32
        %add3A_184 = arith.addi %mul3A_37, %add3A_183 : i32
        %add3A_185 = arith.addi %mul3A_21, %add3A_184 : i32
        %lt3A_186 = arith.constant 2500 : i32
        %lt3A_187 = arith.cmpi slt, %add3A_185, %lt3A_186 : i32
        %convert_element_type3A_188 = arith.extui %lt3A_187 : i1 to i32
        %cond3A_189 = arith.constant 0 : i32
        %cond3A_190 = arith.cmpi ne, %convert_element_type3A_188, %cond3A_189 : i32
        scf.if %cond3A_190 {
          %jit3A_191 = arith.constant 8 : i32
          %div3A_192 = arith.divsi %add3A_184, %jit3A_191 : i32
          %sign3A_193 = arith.constant 0 : i32
          %sign3A_194 = arith.cmpi sgt, %add3A_184, %sign3A_193 : i32
          %sign3A_195 = arith.extui %sign3A_194 : i1 to i32
          %sign3A_196 = arith.constant 0 : i32
          %sign3A_197 = arith.cmpi slt, %add3A_184, %sign3A_196 : i32
          %sign3A_198 = arith.extui %sign3A_197 : i1 to i32
          %sign3A_199 = arith.subi %sign3A_195, %sign3A_198 : i32
          %sign3A_200 = arith.constant 0 : i32
          %sign3A_201 = arith.cmpi sgt, %jit3A_191, %sign3A_200 : i32
          %sign3A_202 = arith.extui %sign3A_201 : i1 to i32
          %sign3A_203 = arith.constant 0 : i32
          %sign3A_204 = arith.cmpi slt, %jit3A_191, %sign3A_203 : i32
          %sign3A_205 = arith.extui %sign3A_204 : i1 to i32
          %sign3A_206 = arith.subi %sign3A_202, %sign3A_205 : i32
          %ne3A_207 = arith.cmpi ne, %sign3A_199, %sign3A_206 : i32
          %rem3A_208 = arith.remsi %add3A_184, %jit3A_191 : i32
          %ne3A_209 = arith.constant 0 : i32
          %ne3A_210 = arith.cmpi ne, %rem3A_208, %ne3A_209 : i32
          %and3A_211 = arith.andi %ne3A_207, %ne3A_210 : i1
          %sub3A_212 = arith.constant 1 : i32
          %sub3A_213 = arith.subi %div3A_192, %sub3A_212 : i32
          %select_n3A_214 = arith.select %and3A_211, %sub3A_213, %div3A_192 : i32
          %jit3A_215 = arith.constant 8 : i32
          %eq3A_216 = arith.constant 0 : i32
          %eq3A_217 = arith.cmpi eq, %jit3A_215, %eq3A_216 : i32
          %jit3A_218 = arith.constant 1 : i32
          %select_n3A_219 = arith.select %eq3A_217, %jit3A_218, %jit3A_215 : i32
          %rem3A_220 = arith.remsi %add3A_184, %select_n3A_219 : i32
          %ne3A_221 = arith.constant 0 : i32
          %ne3A_222 = arith.cmpi ne, %rem3A_220, %ne3A_221 : i32
          %lt3A_223 = arith.constant 0 : i32
          %lt3A_224 = arith.cmpi slt, %rem3A_220, %lt3A_223 : i32
          %lt3A_225 = arith.constant 0 : i32
          %lt3A_226 = arith.cmpi slt, %select_n3A_219, %lt3A_225 : i32
          %ne3A_227 = arith.xori %lt3A_224, %lt3A_226 : i1
          %and3A_228 = arith.andi %ne3A_227, %ne3A_222 : i1
          %add3A_229 = arith.addi %rem3A_220, %select_n3A_219 : i32
          %select_n3A_230 = arith.select %and3A_228, %add3A_229, %rem3A_220 : i32
          "tpu.region"() ({
            %run_scoped3A = tpu.sem_alloc : memref<!tpu.dma_semaphore, #tpu.memory_space<semaphore_mem>>
            %dma_start3A_231 = arith.constant 0 : i32
            %dma_start3A_232 = tpu.memref_slice %arg9[%select_n3A_214, %select_n3A_230, %dma_start3A_231] : memref<2x8x128xi32, #tpu.memory_space<vmem>> -> memref<1x1x128xi32, #tpu.memory_space<vmem>>
            %dma_start3A_233 = tpu.memref_squeeze %dma_start3A_232 : memref<1x1x128xi32, #tpu.memory_space<vmem>> -> memref<128xi32, #tpu.memory_space<vmem>>
            %dma_start3A_234 = arith.constant 0 : i32
            %dma_start3A_235 = arith.constant 0 : i32
            %dma_start3A_236 = tpu.memref_slice %arg7[%dma_start3A_234, %dma_start3A_235] : memref<5000x128xf32, #tpu.memory_space<vmem_shared>> -> memref<5000x128xf32, #tpu.memory_space<vmem_shared>>
            tpu.enqueue_indirect_dma source(%arg11 : memref<128x128xf32, #tpu.memory_space<vmem>>) target(%dma_start3A_236 : memref<5000x128xf32, #tpu.memory_space<vmem_shared>>) offsets(%dma_start3A_233 : memref<128xi32, #tpu.memory_space<vmem>>) semaphore(%run_scoped3A : memref<!tpu.dma_semaphore, #tpu.memory_space<semaphore_mem>>) {add = true}
            %dma_wait3A_237 = arith.constant 0 : i32
            %dma_wait3A_238 = tpu.memref_slice %arg9[%select_n3A_214, %select_n3A_230, %dma_wait3A_237] : memref<2x8x128xi32, #tpu.memory_space<vmem>> -> memref<1x1x128xi32, #tpu.memory_space<vmem>>
            %dma_wait3A_239 = tpu.memref_squeeze %dma_wait3A_238 : memref<1x1x128xi32, #tpu.memory_space<vmem>> -> memref<128xi32, #tpu.memory_space<vmem>>
            %dma_wait3A_240 = arith.constant 0 : i32
            %dma_wait3A_241 = arith.constant 0 : i32
            %dma_wait3A_242 = tpu.memref_slice %arg7[%dma_wait3A_240, %dma_wait3A_241] : memref<5000x128xf32, #tpu.memory_space<vmem_shared>> -> memref<5000x128xf32, #tpu.memory_space<vmem_shared>>
            tpu.wait_indirect_dma semaphore(%run_scoped3A : memref<!tpu.dma_semaphore, #tpu.memory_space<semaphore_mem>>) src(%arg11 : memref<128x128xf32, #tpu.memory_space<vmem>>) dst(%dma_wait3A_242 : memref<5000x128xf32, #tpu.memory_space<vmem_shared>>)
            tpu.yield
          }) : () -> ()
        } else {
        }
      }
      %scan3A_34 = arith.constant 8 : i32
    }
    %scan3A_7 = arith.constant 5 : i32
    %barrier3A_8 = arith.constant 0 : index
    tpu.barrier barrier_id(%barrier3A_8)
    %lt3A_9 = arith.constant 5 : i32
    %lt3A_10 = arith.cmpi slt, %arg1, %lt3A_9 : i32
    %convert_element_type3A_11 = arith.extui %lt3A_10 : i1 to i32
    %cond3A_12 = arith.constant 0 : i32
    %cond3A_13 = arith.cmpi ne, %convert_element_type3A_11, %cond3A_12 : i32
    scf.if %cond3A_13 {
      %mul3A_14 = arith.constant 1000 : i32
      %mul3A_15 = arith.muli %arg1, %mul3A_14 : i32
      %mul3A_16 = arith.constant 1000 : i32
      %mul3A_17 = arith.muli %arg1, %mul3A_16 : i32
      "tpu.region"() ({
        %run_scoped3A = tpu.sem_alloc : memref<!tpu.dma_semaphore, #tpu.memory_space<semaphore_mem>>
        %dma_start3A = arith.constant 0 : i32
        %dma_start3A_18 = tpu.memref_slice %arg6[%arg0, %mul3A_17, %dma_start3A] : memref<2x5000x128xf32, #tpu.memory_space<hbm>> -> memref<1x1000x128xf32, #tpu.memory_space<hbm>>
        %dma_start3A_19 = tpu.memref_squeeze %dma_start3A_18 : memref<1x1000x128xf32, #tpu.memory_space<hbm>> -> memref<1000x128xf32, #tpu.memory_space<hbm>>
        %dma_start3A_20 = arith.constant 0 : i32
        %dma_start3A_21 = tpu.memref_slice %arg7[%mul3A_15, %dma_start3A_20] : memref<5000x128xf32, #tpu.memory_space<vmem_shared>> -> memref<1000x128xf32, #tpu.memory_space<vmem_shared>>
        tpu.enqueue_dma source(%dma_start3A_21 : memref<1000x128xf32, #tpu.memory_space<vmem_shared>>) target(%dma_start3A_19 : memref<1000x128xf32, #tpu.memory_space<hbm>>) target_semaphore(%run_scoped3A : memref<!tpu.dma_semaphore, #tpu.memory_space<semaphore_mem>>)
        %dma_wait3A = arith.constant 0 : i32
        %dma_wait3A_22 = tpu.memref_slice %arg6[%arg0, %mul3A_17, %dma_wait3A] : memref<2x5000x128xf32, #tpu.memory_space<hbm>> -> memref<1x1000x128xf32, #tpu.memory_space<hbm>>
        %dma_wait3A_23 = tpu.memref_squeeze %dma_wait3A_22 : memref<1x1000x128xf32, #tpu.memory_space<hbm>> -> memref<1000x128xf32, #tpu.memory_space<hbm>>
        %dma_wait3A_24 = arith.constant 0 : i32
        %dma_wait3A_25 = tpu.memref_slice %arg7[%mul3A_15, %dma_wait3A_24] : memref<5000x128xf32, #tpu.memory_space<vmem_shared>> -> memref<1000x128xf32, #tpu.memory_space<vmem_shared>>
        tpu.wait_dma2 semaphore(%run_scoped3A : memref<!tpu.dma_semaphore, #tpu.memory_space<semaphore_mem>>) src(%dma_wait3A_25 : memref<1000x128xf32, #tpu.memory_space<vmem_shared>>) dst(%dma_wait3A_23 : memref<1000x128xf32, #tpu.memory_space<hbm>>)
        tpu.yield
      }) : () -> ()
    } else {
    }
    return
  }
}

#map = affine_map<(d0, d1) -> (0, 0)>
#map1 = affine_map<(d0, d1) -> (0, 0, 0)>
module attributes {stable_mosaic.version = 14 : i64} {
  func.func @_agg(%arg0: i32, %arg1: i32, %arg2: memref<5000x128xf32, #tpu.memory_space<hbm>>, %arg3: memref<320x8x128xi32, #tpu.memory_space<hbm>>, %arg4: memref<320x8x128xi32, #tpu.memory_space<hbm>>, %arg5: memref<10000x128xf32, #tpu.memory_space<hbm>>, %arg6: memref<2x10000x128xf32, #tpu.memory_space<hbm>>, %arg7: memref<10000x128xf32, #tpu.memory_space<vmem_shared>>, %arg8: memref<2x8x128xi32, #tpu.memory_space<vmem>>, %arg9: memref<2x8x128xi32, #tpu.memory_space<vmem>>, %arg10: memref<128x128xf32, #tpu.memory_space<vmem>>, %arg11: memref<128x128xf32, #tpu.memory_space<vmem>>, %arg12: memref<!tpu.dma_semaphore, #tpu.memory_space<semaphore_mem>>, %arg13: memref<!tpu.dma_semaphore, #tpu.memory_space<semaphore_mem>>) attributes {dimension_semantics = [#tpu.dimension_semantics<core_parallel>, #tpu.dimension_semantics<subcore_parallel>], iteration_bounds = array<i64: 2, 16>, scalar_prefetch = 0 : i64, scratch_operands = 7 : i64, tpu.core_type = #tpu.core_type<sc_vector_subcore>, window_params = [{transform_indices = #map}, {transform_indices = #map1}, {transform_indices = #map1}, {transform_indices = #map}, {transform_indices = #map1}]} {
    %mul3A = arith.constant 2 : i32
    %mul3A_0 = arith.muli %arg1, %mul3A : i32
    %add3A = arith.addi %mul3A_0, %arg0 : i32
    %lt3A = arith.constant 10 : i32
    %lt3A_1 = arith.cmpi slt, %arg1, %lt3A : i32
    %convert_element_type3A = arith.extui %lt3A_1 : i1 to i32
    %cond3A = arith.constant 0 : i32
    %cond3A_2 = arith.cmpi ne, %convert_element_type3A, %cond3A : i32
    scf.if %cond3A_2 {
      %mul3A_14 = arith.constant 1000 : i32
      %mul3A_15 = arith.muli %arg1, %mul3A_14 : i32
      %mul3A_16 = arith.constant 1000 : i32
      %mul3A_17 = arith.muli %arg1, %mul3A_16 : i32
      "tpu.region"() ({
        %run_scoped3A = tpu.sem_alloc : memref<!tpu.dma_semaphore, #tpu.memory_space<semaphore_mem>>
        %dma_start3A = arith.constant 0 : i32
        %dma_start3A_18 = tpu.memref_slice %arg7[%mul3A_17, %dma_start3A] : memref<10000x128xf32, #tpu.memory_space<vmem_shared>> -> memref<1000x128xf32, #tpu.memory_space<vmem_shared>>
        %dma_start3A_19 = arith.constant 0 : i32
        %dma_start3A_20 = tpu.memref_slice %arg5[%mul3A_15, %dma_start3A_19] : memref<10000x128xf32, #tpu.memory_space<hbm>> -> memref<1000x128xf32, #tpu.memory_space<hbm>>
        tpu.enqueue_dma source(%dma_start3A_20 : memref<1000x128xf32, #tpu.memory_space<hbm>>) target(%dma_start3A_18 : memref<1000x128xf32, #tpu.memory_space<vmem_shared>>) target_semaphore(%run_scoped3A : memref<!tpu.dma_semaphore, #tpu.memory_space<semaphore_mem>>)
        %dma_wait3A = arith.constant 0 : i32
        %dma_wait3A_21 = tpu.memref_slice %arg7[%mul3A_17, %dma_wait3A] : memref<10000x128xf32, #tpu.memory_space<vmem_shared>> -> memref<1000x128xf32, #tpu.memory_space<vmem_shared>>
        %dma_wait3A_22 = arith.constant 0 : i32
        %dma_wait3A_23 = tpu.memref_slice %arg5[%mul3A_15, %dma_wait3A_22] : memref<10000x128xf32, #tpu.memory_space<hbm>> -> memref<1000x128xf32, #tpu.memory_space<hbm>>
        tpu.wait_dma2 semaphore(%run_scoped3A : memref<!tpu.dma_semaphore, #tpu.memory_space<semaphore_mem>>) src(%dma_wait3A_23 : memref<1000x128xf32, #tpu.memory_space<hbm>>) dst(%dma_wait3A_21 : memref<1000x128xf32, #tpu.memory_space<vmem_shared>>)
        tpu.yield
      }) : () -> ()
    } else {
    }
    %barrier3A = arith.constant 0 : index
    tpu.barrier barrier_id(%barrier3A)
    %scan3A = arith.constant 0 : i32
    %scan3A_3 = arith.constant 0 : i32
    %scan3A_4 = arith.constant 5 : i32
    %scan3A_5 = arith.addi %scan3A_3, %scan3A_4 : i32
    %scan3A_6 = arith.constant 1 : i32
    scf.for %scan3A_14 = %scan3A_3 to %scan3A_5 step %scan3A_6  : i32 {
      %mul3A_15 = arith.constant 10 : i32
      %mul3A_16 = arith.muli %add3A, %mul3A_15 : i32
      %mul3A_17 = arith.constant 2 : i32
      %mul3A_18 = arith.muli %scan3A_14, %mul3A_17 : i32
      %add3A_19 = arith.addi %mul3A_16, %mul3A_18 : i32
      %mul3A_20 = arith.constant 8 : i32
      %mul3A_21 = arith.muli %add3A_19, %mul3A_20 : i32
      "tpu.region"() ({
        %run_scoped3A = tpu.sem_alloc : memref<!tpu.dma_semaphore, #tpu.memory_space<semaphore_mem>>
        %dma_start3A_35 = arith.constant 0 : i32
        %dma_start3A_36 = arith.constant 0 : i32
        %dma_start3A_37 = tpu.memref_slice %arg3[%add3A_19, %dma_start3A_35, %dma_start3A_36] : memref<320x8x128xi32, #tpu.memory_space<hbm>> -> memref<2x8x128xi32, #tpu.memory_space<hbm>>
        %dma_start3A_38 = arith.constant 0 : i32
        %dma_start3A_39 = arith.constant 0 : i32
        %dma_start3A_40 = tpu.memref_slice %arg3[%add3A_19, %dma_start3A_38, %dma_start3A_39] : memref<320x8x128xi32, #tpu.memory_space<hbm>> -> memref<2x8x128xi32, #tpu.memory_space<hbm>>
        tpu.enqueue_dma source(%dma_start3A_40 : memref<2x8x128xi32, #tpu.memory_space<hbm>>) target(%arg8 : memref<2x8x128xi32, #tpu.memory_space<vmem>>) target_semaphore(%run_scoped3A : memref<!tpu.dma_semaphore, #tpu.memory_space<semaphore_mem>>)
        %dma_wait3A = arith.constant 0 : i32
        %dma_wait3A_41 = arith.constant 0 : i32
        %dma_wait3A_42 = tpu.memref_slice %arg3[%add3A_19, %dma_wait3A, %dma_wait3A_41] : memref<320x8x128xi32, #tpu.memory_space<hbm>> -> memref<2x8x128xi32, #tpu.memory_space<hbm>>
        %dma_wait3A_43 = arith.constant 0 : i32
        %dma_wait3A_44 = arith.constant 0 : i32
        %dma_wait3A_45 = tpu.memref_slice %arg3[%add3A_19, %dma_wait3A_43, %dma_wait3A_44] : memref<320x8x128xi32, #tpu.memory_space<hbm>> -> memref<2x8x128xi32, #tpu.memory_space<hbm>>
        tpu.wait_dma2 semaphore(%run_scoped3A : memref<!tpu.dma_semaphore, #tpu.memory_space<semaphore_mem>>) src(%dma_wait3A_45 : memref<2x8x128xi32, #tpu.memory_space<hbm>>) dst(%arg8 : memref<2x8x128xi32, #tpu.memory_space<vmem>>)
        tpu.yield
      }) : () -> ()
      "tpu.region"() ({
        %run_scoped3A = tpu.sem_alloc : memref<!tpu.dma_semaphore, #tpu.memory_space<semaphore_mem>>
        %dma_start3A_35 = arith.constant 0 : i32
        %dma_start3A_36 = arith.constant 0 : i32
        %dma_start3A_37 = tpu.memref_slice %arg4[%add3A_19, %dma_start3A_35, %dma_start3A_36] : memref<320x8x128xi32, #tpu.memory_space<hbm>> -> memref<2x8x128xi32, #tpu.memory_space<hbm>>
        %dma_start3A_38 = arith.constant 0 : i32
        %dma_start3A_39 = arith.constant 0 : i32
        %dma_start3A_40 = tpu.memref_slice %arg4[%add3A_19, %dma_start3A_38, %dma_start3A_39] : memref<320x8x128xi32, #tpu.memory_space<hbm>> -> memref<2x8x128xi32, #tpu.memory_space<hbm>>
        tpu.enqueue_dma source(%dma_start3A_40 : memref<2x8x128xi32, #tpu.memory_space<hbm>>) target(%arg9 : memref<2x8x128xi32, #tpu.memory_space<vmem>>) target_semaphore(%run_scoped3A : memref<!tpu.dma_semaphore, #tpu.memory_space<semaphore_mem>>)
        %dma_wait3A = arith.constant 0 : i32
        %dma_wait3A_41 = arith.constant 0 : i32
        %dma_wait3A_42 = tpu.memref_slice %arg4[%add3A_19, %dma_wait3A, %dma_wait3A_41] : memref<320x8x128xi32, #tpu.memory_space<hbm>> -> memref<2x8x128xi32, #tpu.memory_space<hbm>>
        %dma_wait3A_43 = arith.constant 0 : i32
        %dma_wait3A_44 = arith.constant 0 : i32
        %dma_wait3A_45 = tpu.memref_slice %arg4[%add3A_19, %dma_wait3A_43, %dma_wait3A_44] : memref<320x8x128xi32, #tpu.memory_space<hbm>> -> memref<2x8x128xi32, #tpu.memory_space<hbm>>
        tpu.wait_dma2 semaphore(%run_scoped3A : memref<!tpu.dma_semaphore, #tpu.memory_space<semaphore_mem>>) src(%dma_wait3A_45 : memref<2x8x128xi32, #tpu.memory_space<hbm>>) dst(%arg9 : memref<2x8x128xi32, #tpu.memory_space<vmem>>)
        tpu.yield
      }) : () -> ()
      %dma_start3A = arith.constant 0 : i32
      %dma_start3A_22 = arith.constant 0 : i32
      %dma_start3A_23 = arith.constant 0 : i32
      %dma_start3A_24 = tpu.memref_slice %arg8[%dma_start3A, %dma_start3A_22, %dma_start3A_23] : memref<2x8x128xi32, #tpu.memory_space<vmem>> -> memref<1x1x128xi32, #tpu.memory_space<vmem>>
      %dma_start3A_25 = tpu.memref_squeeze %dma_start3A_24 : memref<1x1x128xi32, #tpu.memory_space<vmem>> -> memref<128xi32, #tpu.memory_space<vmem>>
      %dma_start3A_26 = arith.constant 0 : i32
      %dma_start3A_27 = arith.constant 0 : i32
      %dma_start3A_28 = tpu.memref_slice %arg2[%dma_start3A_26, %dma_start3A_27] : memref<5000x128xf32, #tpu.memory_space<hbm>> -> memref<5000x128xf32, #tpu.memory_space<hbm>>
      tpu.enqueue_indirect_dma source(%dma_start3A_28 : memref<5000x128xf32, #tpu.memory_space<hbm>>) target(%arg10 : memref<128x128xf32, #tpu.memory_space<vmem>>) offsets(%dma_start3A_25 : memref<128xi32, #tpu.memory_space<vmem>>) semaphore(%arg12 : memref<!tpu.dma_semaphore, #tpu.memory_space<semaphore_mem>>)
      %scan3A_29 = arith.constant 0 : i32
      %scan3A_30 = arith.constant 0 : i32
      %scan3A_31 = arith.constant 8 : i32
      %scan3A_32 = arith.addi %scan3A_30, %scan3A_31 : i32
      %scan3A_33 = arith.constant 1 : i32
      scf.for %scan3A_35 = %scan3A_30 to %scan3A_32 step %scan3A_33  : i32 {
        %mul3A_36 = arith.constant 2 : i32
        %mul3A_37 = arith.muli %mul3A_36, %scan3A_35 : i32
        %add3A_38 = arith.constant 1 : i32
        %add3A_39 = arith.addi %mul3A_37, %add3A_38 : i32
        %jit3A = arith.constant 8 : i32
        %div3A = arith.divsi %add3A_39, %jit3A : i32
        %sign3A = arith.constant 0 : i32
        %sign3A_40 = arith.cmpi sgt, %add3A_39, %sign3A : i32
        %sign3A_41 = arith.extui %sign3A_40 : i1 to i32
        %sign3A_42 = arith.constant 0 : i32
        %sign3A_43 = arith.cmpi slt, %add3A_39, %sign3A_42 : i32
        %sign3A_44 = arith.extui %sign3A_43 : i1 to i32
        %sign3A_45 = arith.subi %sign3A_41, %sign3A_44 : i32
        %sign3A_46 = arith.constant 0 : i32
        %sign3A_47 = arith.cmpi sgt, %jit3A, %sign3A_46 : i32
        %sign3A_48 = arith.extui %sign3A_47 : i1 to i32
        %sign3A_49 = arith.constant 0 : i32
        %sign3A_50 = arith.cmpi slt, %jit3A, %sign3A_49 : i32
        %sign3A_51 = arith.extui %sign3A_50 : i1 to i32
        %sign3A_52 = arith.subi %sign3A_48, %sign3A_51 : i32
        %ne3A = arith.cmpi ne, %sign3A_45, %sign3A_52 : i32
        %rem3A = arith.remsi %add3A_39, %jit3A : i32
        %ne3A_53 = arith.constant 0 : i32
        %ne3A_54 = arith.cmpi ne, %rem3A, %ne3A_53 : i32
        %and3A = arith.andi %ne3A, %ne3A_54 : i1
        %sub3A = arith.constant 1 : i32
        %sub3A_55 = arith.subi %div3A, %sub3A : i32
        %select_n3A = arith.select %and3A, %sub3A_55, %div3A : i32
        %jit3A_56 = arith.constant 8 : i32
        %eq3A = arith.constant 0 : i32
        %eq3A_57 = arith.cmpi eq, %jit3A_56, %eq3A : i32
        %jit3A_58 = arith.constant 1 : i32
        %select_n3A_59 = arith.select %eq3A_57, %jit3A_58, %jit3A_56 : i32
        %rem3A_60 = arith.remsi %add3A_39, %select_n3A_59 : i32
        %ne3A_61 = arith.constant 0 : i32
        %ne3A_62 = arith.cmpi ne, %rem3A_60, %ne3A_61 : i32
        %lt3A_63 = arith.constant 0 : i32
        %lt3A_64 = arith.cmpi slt, %rem3A_60, %lt3A_63 : i32
        %lt3A_65 = arith.constant 0 : i32
        %lt3A_66 = arith.cmpi slt, %select_n3A_59, %lt3A_65 : i32
        %ne3A_67 = arith.xori %lt3A_64, %lt3A_66 : i1
        %and3A_68 = arith.andi %ne3A_67, %ne3A_62 : i1
        %add3A_69 = arith.addi %rem3A_60, %select_n3A_59 : i32
        %select_n3A_70 = arith.select %and3A_68, %add3A_69, %rem3A_60 : i32
        %dma_start3A_71 = arith.constant 0 : i32
        %dma_start3A_72 = tpu.memref_slice %arg8[%select_n3A, %select_n3A_70, %dma_start3A_71] : memref<2x8x128xi32, #tpu.memory_space<vmem>> -> memref<1x1x128xi32, #tpu.memory_space<vmem>>
        %dma_start3A_73 = tpu.memref_squeeze %dma_start3A_72 : memref<1x1x128xi32, #tpu.memory_space<vmem>> -> memref<128xi32, #tpu.memory_space<vmem>>
        %dma_start3A_74 = arith.constant 0 : i32
        %dma_start3A_75 = arith.constant 0 : i32
        %dma_start3A_76 = tpu.memref_slice %arg2[%dma_start3A_74, %dma_start3A_75] : memref<5000x128xf32, #tpu.memory_space<hbm>> -> memref<5000x128xf32, #tpu.memory_space<hbm>>
        tpu.enqueue_indirect_dma source(%dma_start3A_76 : memref<5000x128xf32, #tpu.memory_space<hbm>>) target(%arg11 : memref<128x128xf32, #tpu.memory_space<vmem>>) offsets(%dma_start3A_73 : memref<128xi32, #tpu.memory_space<vmem>>) semaphore(%arg13 : memref<!tpu.dma_semaphore, #tpu.memory_space<semaphore_mem>>)
        %jit3A_77 = arith.constant 8 : i32
        %div3A_78 = arith.divsi %mul3A_37, %jit3A_77 : i32
        %sign3A_79 = arith.constant 0 : i32
        %sign3A_80 = arith.cmpi sgt, %mul3A_37, %sign3A_79 : i32
        %sign3A_81 = arith.extui %sign3A_80 : i1 to i32
        %sign3A_82 = arith.constant 0 : i32
        %sign3A_83 = arith.cmpi slt, %mul3A_37, %sign3A_82 : i32
        %sign3A_84 = arith.extui %sign3A_83 : i1 to i32
        %sign3A_85 = arith.subi %sign3A_81, %sign3A_84 : i32
        %sign3A_86 = arith.constant 0 : i32
        %sign3A_87 = arith.cmpi sgt, %jit3A_77, %sign3A_86 : i32
        %sign3A_88 = arith.extui %sign3A_87 : i1 to i32
        %sign3A_89 = arith.constant 0 : i32
        %sign3A_90 = arith.cmpi slt, %jit3A_77, %sign3A_89 : i32
        %sign3A_91 = arith.extui %sign3A_90 : i1 to i32
        %sign3A_92 = arith.subi %sign3A_88, %sign3A_91 : i32
        %ne3A_93 = arith.cmpi ne, %sign3A_85, %sign3A_92 : i32
        %rem3A_94 = arith.remsi %mul3A_37, %jit3A_77 : i32
        %ne3A_95 = arith.constant 0 : i32
        %ne3A_96 = arith.cmpi ne, %rem3A_94, %ne3A_95 : i32
        %and3A_97 = arith.andi %ne3A_93, %ne3A_96 : i1
        %sub3A_98 = arith.constant 1 : i32
        %sub3A_99 = arith.subi %div3A_78, %sub3A_98 : i32
        %select_n3A_100 = arith.select %and3A_97, %sub3A_99, %div3A_78 : i32
        %jit3A_101 = arith.constant 8 : i32
        %eq3A_102 = arith.constant 0 : i32
        %eq3A_103 = arith.cmpi eq, %jit3A_101, %eq3A_102 : i32
        %jit3A_104 = arith.constant 1 : i32
        %select_n3A_105 = arith.select %eq3A_103, %jit3A_104, %jit3A_101 : i32
        %rem3A_106 = arith.remsi %mul3A_37, %select_n3A_105 : i32
        %ne3A_107 = arith.constant 0 : i32
        %ne3A_108 = arith.cmpi ne, %rem3A_106, %ne3A_107 : i32
        %lt3A_109 = arith.constant 0 : i32
        %lt3A_110 = arith.cmpi slt, %rem3A_106, %lt3A_109 : i32
        %lt3A_111 = arith.constant 0 : i32
        %lt3A_112 = arith.cmpi slt, %select_n3A_105, %lt3A_111 : i32
        %ne3A_113 = arith.xori %lt3A_110, %lt3A_112 : i1
        %and3A_114 = arith.andi %ne3A_113, %ne3A_108 : i1
        %add3A_115 = arith.addi %rem3A_106, %select_n3A_105 : i32
        %select_n3A_116 = arith.select %and3A_114, %add3A_115, %rem3A_106 : i32
        %dma_wait3A = arith.constant 0 : i32
        %dma_wait3A_117 = tpu.memref_slice %arg8[%select_n3A_100, %select_n3A_116, %dma_wait3A] : memref<2x8x128xi32, #tpu.memory_space<vmem>> -> memref<1x1x128xi32, #tpu.memory_space<vmem>>
        %dma_wait3A_118 = tpu.memref_squeeze %dma_wait3A_117 : memref<1x1x128xi32, #tpu.memory_space<vmem>> -> memref<128xi32, #tpu.memory_space<vmem>>
        %dma_wait3A_119 = arith.constant 0 : i32
        %dma_wait3A_120 = arith.constant 0 : i32
        %dma_wait3A_121 = tpu.memref_slice %arg2[%dma_wait3A_119, %dma_wait3A_120] : memref<5000x128xf32, #tpu.memory_space<hbm>> -> memref<5000x128xf32, #tpu.memory_space<hbm>>
        tpu.wait_indirect_dma semaphore(%arg12 : memref<!tpu.dma_semaphore, #tpu.memory_space<semaphore_mem>>) src(%dma_wait3A_121 : memref<5000x128xf32, #tpu.memory_space<hbm>>) dst(%arg10 : memref<128x128xf32, #tpu.memory_space<vmem>>)
        %add3A_122 = arith.addi %mul3A_21, %mul3A_37 : i32
        %lt3A_123 = arith.constant 2500 : i32
        %lt3A_124 = arith.cmpi slt, %add3A_122, %lt3A_123 : i32
        %convert_element_type3A_125 = arith.extui %lt3A_124 : i1 to i32
        %cond3A_126 = arith.constant 0 : i32
        %cond3A_127 = arith.cmpi ne, %convert_element_type3A_125, %cond3A_126 : i32
        scf.if %cond3A_127 {
          %jit3A_191 = arith.constant 8 : i32
          %div3A_192 = arith.divsi %mul3A_37, %jit3A_191 : i32
          %sign3A_193 = arith.constant 0 : i32
          %sign3A_194 = arith.cmpi sgt, %mul3A_37, %sign3A_193 : i32
          %sign3A_195 = arith.extui %sign3A_194 : i1 to i32
          %sign3A_196 = arith.constant 0 : i32
          %sign3A_197 = arith.cmpi slt, %mul3A_37, %sign3A_196 : i32
          %sign3A_198 = arith.extui %sign3A_197 : i1 to i32
          %sign3A_199 = arith.subi %sign3A_195, %sign3A_198 : i32
          %sign3A_200 = arith.constant 0 : i32
          %sign3A_201 = arith.cmpi sgt, %jit3A_191, %sign3A_200 : i32
          %sign3A_202 = arith.extui %sign3A_201 : i1 to i32
          %sign3A_203 = arith.constant 0 : i32
          %sign3A_204 = arith.cmpi slt, %jit3A_191, %sign3A_203 : i32
          %sign3A_205 = arith.extui %sign3A_204 : i1 to i32
          %sign3A_206 = arith.subi %sign3A_202, %sign3A_205 : i32
          %ne3A_207 = arith.cmpi ne, %sign3A_199, %sign3A_206 : i32
          %rem3A_208 = arith.remsi %mul3A_37, %jit3A_191 : i32
          %ne3A_209 = arith.constant 0 : i32
          %ne3A_210 = arith.cmpi ne, %rem3A_208, %ne3A_209 : i32
          %and3A_211 = arith.andi %ne3A_207, %ne3A_210 : i1
          %sub3A_212 = arith.constant 1 : i32
          %sub3A_213 = arith.subi %div3A_192, %sub3A_212 : i32
          %select_n3A_214 = arith.select %and3A_211, %sub3A_213, %div3A_192 : i32
          %jit3A_215 = arith.constant 8 : i32
          %eq3A_216 = arith.constant 0 : i32
          %eq3A_217 = arith.cmpi eq, %jit3A_215, %eq3A_216 : i32
          %jit3A_218 = arith.constant 1 : i32
          %select_n3A_219 = arith.select %eq3A_217, %jit3A_218, %jit3A_215 : i32
          %rem3A_220 = arith.remsi %mul3A_37, %select_n3A_219 : i32
          %ne3A_221 = arith.constant 0 : i32
          %ne3A_222 = arith.cmpi ne, %rem3A_220, %ne3A_221 : i32
          %lt3A_223 = arith.constant 0 : i32
          %lt3A_224 = arith.cmpi slt, %rem3A_220, %lt3A_223 : i32
          %lt3A_225 = arith.constant 0 : i32
          %lt3A_226 = arith.cmpi slt, %select_n3A_219, %lt3A_225 : i32
          %ne3A_227 = arith.xori %lt3A_224, %lt3A_226 : i1
          %and3A_228 = arith.andi %ne3A_227, %ne3A_222 : i1
          %add3A_229 = arith.addi %rem3A_220, %select_n3A_219 : i32
          %select_n3A_230 = arith.select %and3A_228, %add3A_229, %rem3A_220 : i32
          "tpu.region"() ({
            %run_scoped3A = tpu.sem_alloc : memref<!tpu.dma_semaphore, #tpu.memory_space<semaphore_mem>>
            %dma_start3A_231 = arith.constant 0 : i32
            %dma_start3A_232 = tpu.memref_slice %arg9[%select_n3A_214, %select_n3A_230, %dma_start3A_231] : memref<2x8x128xi32, #tpu.memory_space<vmem>> -> memref<1x1x128xi32, #tpu.memory_space<vmem>>
            %dma_start3A_233 = tpu.memref_squeeze %dma_start3A_232 : memref<1x1x128xi32, #tpu.memory_space<vmem>> -> memref<128xi32, #tpu.memory_space<vmem>>
            %dma_start3A_234 = arith.constant 0 : i32
            %dma_start3A_235 = arith.constant 0 : i32
            %dma_start3A_236 = tpu.memref_slice %arg7[%dma_start3A_234, %dma_start3A_235] : memref<10000x128xf32, #tpu.memory_space<vmem_shared>> -> memref<10000x128xf32, #tpu.memory_space<vmem_shared>>
            tpu.enqueue_indirect_dma source(%arg10 : memref<128x128xf32, #tpu.memory_space<vmem>>) target(%dma_start3A_236 : memref<10000x128xf32, #tpu.memory_space<vmem_shared>>) offsets(%dma_start3A_233 : memref<128xi32, #tpu.memory_space<vmem>>) semaphore(%run_scoped3A : memref<!tpu.dma_semaphore, #tpu.memory_space<semaphore_mem>>) {add = true}
            %dma_wait3A_237 = arith.constant 0 : i32
            %dma_wait3A_238 = tpu.memref_slice %arg9[%select_n3A_214, %select_n3A_230, %dma_wait3A_237] : memref<2x8x128xi32, #tpu.memory_space<vmem>> -> memref<1x1x128xi32, #tpu.memory_space<vmem>>
            %dma_wait3A_239 = tpu.memref_squeeze %dma_wait3A_238 : memref<1x1x128xi32, #tpu.memory_space<vmem>> -> memref<128xi32, #tpu.memory_space<vmem>>
            %dma_wait3A_240 = arith.constant 0 : i32
            %dma_wait3A_241 = arith.constant 0 : i32
            %dma_wait3A_242 = tpu.memref_slice %arg7[%dma_wait3A_240, %dma_wait3A_241] : memref<10000x128xf32, #tpu.memory_space<vmem_shared>> -> memref<10000x128xf32, #tpu.memory_space<vmem_shared>>
            tpu.wait_indirect_dma semaphore(%run_scoped3A : memref<!tpu.dma_semaphore, #tpu.memory_space<semaphore_mem>>) src(%arg10 : memref<128x128xf32, #tpu.memory_space<vmem>>) dst(%dma_wait3A_242 : memref<10000x128xf32, #tpu.memory_space<vmem_shared>>)
            tpu.yield
          }) : () -> ()
        } else {
        }
        %add3A_128 = arith.constant 2 : i32
        %add3A_129 = arith.addi %mul3A_37, %add3A_128 : i32
        %lt3A_130 = arith.constant 16 : i32
        %lt3A_131 = arith.cmpi slt, %add3A_129, %lt3A_130 : i32
        %convert_element_type3A_132 = arith.extui %lt3A_131 : i1 to i32
        %cond3A_133 = arith.constant 0 : i32
        %cond3A_134 = arith.cmpi ne, %convert_element_type3A_132, %cond3A_133 : i32
        scf.if %cond3A_134 {
          %add3A_191 = arith.constant 2 : i32
          %add3A_192 = arith.addi %mul3A_37, %add3A_191 : i32
          %jit3A_193 = arith.constant 8 : i32
          %div3A_194 = arith.divsi %add3A_192, %jit3A_193 : i32
          %sign3A_195 = arith.constant 0 : i32
          %sign3A_196 = arith.cmpi sgt, %add3A_192, %sign3A_195 : i32
          %sign3A_197 = arith.extui %sign3A_196 : i1 to i32
          %sign3A_198 = arith.constant 0 : i32
          %sign3A_199 = arith.cmpi slt, %add3A_192, %sign3A_198 : i32
          %sign3A_200 = arith.extui %sign3A_199 : i1 to i32
          %sign3A_201 = arith.subi %sign3A_197, %sign3A_200 : i32
          %sign3A_202 = arith.constant 0 : i32
          %sign3A_203 = arith.cmpi sgt, %jit3A_193, %sign3A_202 : i32
          %sign3A_204 = arith.extui %sign3A_203 : i1 to i32
          %sign3A_205 = arith.constant 0 : i32
          %sign3A_206 = arith.cmpi slt, %jit3A_193, %sign3A_205 : i32
          %sign3A_207 = arith.extui %sign3A_206 : i1 to i32
          %sign3A_208 = arith.subi %sign3A_204, %sign3A_207 : i32
          %ne3A_209 = arith.cmpi ne, %sign3A_201, %sign3A_208 : i32
          %rem3A_210 = arith.remsi %add3A_192, %jit3A_193 : i32
          %ne3A_211 = arith.constant 0 : i32
          %ne3A_212 = arith.cmpi ne, %rem3A_210, %ne3A_211 : i32
          %and3A_213 = arith.andi %ne3A_209, %ne3A_212 : i1
          %sub3A_214 = arith.constant 1 : i32
          %sub3A_215 = arith.subi %div3A_194, %sub3A_214 : i32
          %select_n3A_216 = arith.select %and3A_213, %sub3A_215, %div3A_194 : i32
          %jit3A_217 = arith.constant 8 : i32
          %eq3A_218 = arith.constant 0 : i32
          %eq3A_219 = arith.cmpi eq, %jit3A_217, %eq3A_218 : i32
          %jit3A_220 = arith.constant 1 : i32
          %select_n3A_221 = arith.select %eq3A_219, %jit3A_220, %jit3A_217 : i32
          %rem3A_222 = arith.remsi %add3A_192, %select_n3A_221 : i32
          %ne3A_223 = arith.constant 0 : i32
          %ne3A_224 = arith.cmpi ne, %rem3A_222, %ne3A_223 : i32
          %lt3A_225 = arith.constant 0 : i32
          %lt3A_226 = arith.cmpi slt, %rem3A_222, %lt3A_225 : i32
          %lt3A_227 = arith.constant 0 : i32
          %lt3A_228 = arith.cmpi slt, %select_n3A_221, %lt3A_227 : i32
          %ne3A_229 = arith.xori %lt3A_226, %lt3A_228 : i1
          %and3A_230 = arith.andi %ne3A_229, %ne3A_224 : i1
          %add3A_231 = arith.addi %rem3A_222, %select_n3A_221 : i32
          %select_n3A_232 = arith.select %and3A_230, %add3A_231, %rem3A_222 : i32
          %dma_start3A_233 = arith.constant 0 : i32
          %dma_start3A_234 = tpu.memref_slice %arg8[%select_n3A_216, %select_n3A_232, %dma_start3A_233] : memref<2x8x128xi32, #tpu.memory_space<vmem>> -> memref<1x1x128xi32, #tpu.memory_space<vmem>>
          %dma_start3A_235 = tpu.memref_squeeze %dma_start3A_234 : memref<1x1x128xi32, #tpu.memory_space<vmem>> -> memref<128xi32, #tpu.memory_space<vmem>>
          %dma_start3A_236 = arith.constant 0 : i32
          %dma_start3A_237 = arith.constant 0 : i32
          %dma_start3A_238 = tpu.memref_slice %arg2[%dma_start3A_236, %dma_start3A_237] : memref<5000x128xf32, #tpu.memory_space<hbm>> -> memref<5000x128xf32, #tpu.memory_space<hbm>>
          tpu.enqueue_indirect_dma source(%dma_start3A_238 : memref<5000x128xf32, #tpu.memory_space<hbm>>) target(%arg10 : memref<128x128xf32, #tpu.memory_space<vmem>>) offsets(%dma_start3A_235 : memref<128xi32, #tpu.memory_space<vmem>>) semaphore(%arg12 : memref<!tpu.dma_semaphore, #tpu.memory_space<semaphore_mem>>)
        } else {
        }
        %add3A_135 = arith.constant 1 : i32
        %add3A_136 = arith.addi %mul3A_37, %add3A_135 : i32
        %jit3A_137 = arith.constant 8 : i32
        %div3A_138 = arith.divsi %add3A_136, %jit3A_137 : i32
        %sign3A_139 = arith.constant 0 : i32
        %sign3A_140 = arith.cmpi sgt, %add3A_136, %sign3A_139 : i32
        %sign3A_141 = arith.extui %sign3A_140 : i1 to i32
        %sign3A_142 = arith.constant 0 : i32
        %sign3A_143 = arith.cmpi slt, %add3A_136, %sign3A_142 : i32
        %sign3A_144 = arith.extui %sign3A_143 : i1 to i32
        %sign3A_145 = arith.subi %sign3A_141, %sign3A_144 : i32
        %sign3A_146 = arith.constant 0 : i32
        %sign3A_147 = arith.cmpi sgt, %jit3A_137, %sign3A_146 : i32
        %sign3A_148 = arith.extui %sign3A_147 : i1 to i32
        %sign3A_149 = arith.constant 0 : i32
        %sign3A_150 = arith.cmpi slt, %jit3A_137, %sign3A_149 : i32
        %sign3A_151 = arith.extui %sign3A_150 : i1 to i32
        %sign3A_152 = arith.subi %sign3A_148, %sign3A_151 : i32
        %ne3A_153 = arith.cmpi ne, %sign3A_145, %sign3A_152 : i32
        %rem3A_154 = arith.remsi %add3A_136, %jit3A_137 : i32
        %ne3A_155 = arith.constant 0 : i32
        %ne3A_156 = arith.cmpi ne, %rem3A_154, %ne3A_155 : i32
        %and3A_157 = arith.andi %ne3A_153, %ne3A_156 : i1
        %sub3A_158 = arith.constant 1 : i32
        %sub3A_159 = arith.subi %div3A_138, %sub3A_158 : i32
        %select_n3A_160 = arith.select %and3A_157, %sub3A_159, %div3A_138 : i32
        %jit3A_161 = arith.constant 8 : i32
        %eq3A_162 = arith.constant 0 : i32
        %eq3A_163 = arith.cmpi eq, %jit3A_161, %eq3A_162 : i32
        %jit3A_164 = arith.constant 1 : i32
        %select_n3A_165 = arith.select %eq3A_163, %jit3A_164, %jit3A_161 : i32
        %rem3A_166 = arith.remsi %add3A_136, %select_n3A_165 : i32
        %ne3A_167 = arith.constant 0 : i32
        %ne3A_168 = arith.cmpi ne, %rem3A_166, %ne3A_167 : i32
        %lt3A_169 = arith.constant 0 : i32
        %lt3A_170 = arith.cmpi slt, %rem3A_166, %lt3A_169 : i32
        %lt3A_171 = arith.constant 0 : i32
        %lt3A_172 = arith.cmpi slt, %select_n3A_165, %lt3A_171 : i32
        %ne3A_173 = arith.xori %lt3A_170, %lt3A_172 : i1
        %and3A_174 = arith.andi %ne3A_173, %ne3A_168 : i1
        %add3A_175 = arith.addi %rem3A_166, %select_n3A_165 : i32
        %select_n3A_176 = arith.select %and3A_174, %add3A_175, %rem3A_166 : i32
        %dma_wait3A_177 = arith.constant 0 : i32
        %dma_wait3A_178 = tpu.memref_slice %arg8[%select_n3A_160, %select_n3A_176, %dma_wait3A_177] : memref<2x8x128xi32, #tpu.memory_space<vmem>> -> memref<1x1x128xi32, #tpu.memory_space<vmem>>
        %dma_wait3A_179 = tpu.memref_squeeze %dma_wait3A_178 : memref<1x1x128xi32, #tpu.memory_space<vmem>> -> memref<128xi32, #tpu.memory_space<vmem>>
        %dma_wait3A_180 = arith.constant 0 : i32
        %dma_wait3A_181 = arith.constant 0 : i32
        %dma_wait3A_182 = tpu.memref_slice %arg2[%dma_wait3A_180, %dma_wait3A_181] : memref<5000x128xf32, #tpu.memory_space<hbm>> -> memref<5000x128xf32, #tpu.memory_space<hbm>>
        tpu.wait_indirect_dma semaphore(%arg13 : memref<!tpu.dma_semaphore, #tpu.memory_space<semaphore_mem>>) src(%dma_wait3A_182 : memref<5000x128xf32, #tpu.memory_space<hbm>>) dst(%arg11 : memref<128x128xf32, #tpu.memory_space<vmem>>)
        %add3A_183 = arith.constant 1 : i32
        %add3A_184 = arith.addi %mul3A_37, %add3A_183 : i32
        %add3A_185 = arith.addi %mul3A_21, %add3A_184 : i32
        %lt3A_186 = arith.constant 2500 : i32
        %lt3A_187 = arith.cmpi slt, %add3A_185, %lt3A_186 : i32
        %convert_element_type3A_188 = arith.extui %lt3A_187 : i1 to i32
        %cond3A_189 = arith.constant 0 : i32
        %cond3A_190 = arith.cmpi ne, %convert_element_type3A_188, %cond3A_189 : i32
        scf.if %cond3A_190 {
          %jit3A_191 = arith.constant 8 : i32
          %div3A_192 = arith.divsi %add3A_184, %jit3A_191 : i32
          %sign3A_193 = arith.constant 0 : i32
          %sign3A_194 = arith.cmpi sgt, %add3A_184, %sign3A_193 : i32
          %sign3A_195 = arith.extui %sign3A_194 : i1 to i32
          %sign3A_196 = arith.constant 0 : i32
          %sign3A_197 = arith.cmpi slt, %add3A_184, %sign3A_196 : i32
          %sign3A_198 = arith.extui %sign3A_197 : i1 to i32
          %sign3A_199 = arith.subi %sign3A_195, %sign3A_198 : i32
          %sign3A_200 = arith.constant 0 : i32
          %sign3A_201 = arith.cmpi sgt, %jit3A_191, %sign3A_200 : i32
          %sign3A_202 = arith.extui %sign3A_201 : i1 to i32
          %sign3A_203 = arith.constant 0 : i32
          %sign3A_204 = arith.cmpi slt, %jit3A_191, %sign3A_203 : i32
          %sign3A_205 = arith.extui %sign3A_204 : i1 to i32
          %sign3A_206 = arith.subi %sign3A_202, %sign3A_205 : i32
          %ne3A_207 = arith.cmpi ne, %sign3A_199, %sign3A_206 : i32
          %rem3A_208 = arith.remsi %add3A_184, %jit3A_191 : i32
          %ne3A_209 = arith.constant 0 : i32
          %ne3A_210 = arith.cmpi ne, %rem3A_208, %ne3A_209 : i32
          %and3A_211 = arith.andi %ne3A_207, %ne3A_210 : i1
          %sub3A_212 = arith.constant 1 : i32
          %sub3A_213 = arith.subi %div3A_192, %sub3A_212 : i32
          %select_n3A_214 = arith.select %and3A_211, %sub3A_213, %div3A_192 : i32
          %jit3A_215 = arith.constant 8 : i32
          %eq3A_216 = arith.constant 0 : i32
          %eq3A_217 = arith.cmpi eq, %jit3A_215, %eq3A_216 : i32
          %jit3A_218 = arith.constant 1 : i32
          %select_n3A_219 = arith.select %eq3A_217, %jit3A_218, %jit3A_215 : i32
          %rem3A_220 = arith.remsi %add3A_184, %select_n3A_219 : i32
          %ne3A_221 = arith.constant 0 : i32
          %ne3A_222 = arith.cmpi ne, %rem3A_220, %ne3A_221 : i32
          %lt3A_223 = arith.constant 0 : i32
          %lt3A_224 = arith.cmpi slt, %rem3A_220, %lt3A_223 : i32
          %lt3A_225 = arith.constant 0 : i32
          %lt3A_226 = arith.cmpi slt, %select_n3A_219, %lt3A_225 : i32
          %ne3A_227 = arith.xori %lt3A_224, %lt3A_226 : i1
          %and3A_228 = arith.andi %ne3A_227, %ne3A_222 : i1
          %add3A_229 = arith.addi %rem3A_220, %select_n3A_219 : i32
          %select_n3A_230 = arith.select %and3A_228, %add3A_229, %rem3A_220 : i32
          "tpu.region"() ({
            %run_scoped3A = tpu.sem_alloc : memref<!tpu.dma_semaphore, #tpu.memory_space<semaphore_mem>>
            %dma_start3A_231 = arith.constant 0 : i32
            %dma_start3A_232 = tpu.memref_slice %arg9[%select_n3A_214, %select_n3A_230, %dma_start3A_231] : memref<2x8x128xi32, #tpu.memory_space<vmem>> -> memref<1x1x128xi32, #tpu.memory_space<vmem>>
            %dma_start3A_233 = tpu.memref_squeeze %dma_start3A_232 : memref<1x1x128xi32, #tpu.memory_space<vmem>> -> memref<128xi32, #tpu.memory_space<vmem>>
            %dma_start3A_234 = arith.constant 0 : i32
            %dma_start3A_235 = arith.constant 0 : i32
            %dma_start3A_236 = tpu.memref_slice %arg7[%dma_start3A_234, %dma_start3A_235] : memref<10000x128xf32, #tpu.memory_space<vmem_shared>> -> memref<10000x128xf32, #tpu.memory_space<vmem_shared>>
            tpu.enqueue_indirect_dma source(%arg11 : memref<128x128xf32, #tpu.memory_space<vmem>>) target(%dma_start3A_236 : memref<10000x128xf32, #tpu.memory_space<vmem_shared>>) offsets(%dma_start3A_233 : memref<128xi32, #tpu.memory_space<vmem>>) semaphore(%run_scoped3A : memref<!tpu.dma_semaphore, #tpu.memory_space<semaphore_mem>>) {add = true}
            %dma_wait3A_237 = arith.constant 0 : i32
            %dma_wait3A_238 = tpu.memref_slice %arg9[%select_n3A_214, %select_n3A_230, %dma_wait3A_237] : memref<2x8x128xi32, #tpu.memory_space<vmem>> -> memref<1x1x128xi32, #tpu.memory_space<vmem>>
            %dma_wait3A_239 = tpu.memref_squeeze %dma_wait3A_238 : memref<1x1x128xi32, #tpu.memory_space<vmem>> -> memref<128xi32, #tpu.memory_space<vmem>>
            %dma_wait3A_240 = arith.constant 0 : i32
            %dma_wait3A_241 = arith.constant 0 : i32
            %dma_wait3A_242 = tpu.memref_slice %arg7[%dma_wait3A_240, %dma_wait3A_241] : memref<10000x128xf32, #tpu.memory_space<vmem_shared>> -> memref<10000x128xf32, #tpu.memory_space<vmem_shared>>
            tpu.wait_indirect_dma semaphore(%run_scoped3A : memref<!tpu.dma_semaphore, #tpu.memory_space<semaphore_mem>>) src(%arg11 : memref<128x128xf32, #tpu.memory_space<vmem>>) dst(%dma_wait3A_242 : memref<10000x128xf32, #tpu.memory_space<vmem_shared>>)
            tpu.yield
          }) : () -> ()
        } else {
        }
      }
      %scan3A_34 = arith.constant 8 : i32
    }
    %scan3A_7 = arith.constant 5 : i32
    %barrier3A_8 = arith.constant 0 : index
    tpu.barrier barrier_id(%barrier3A_8)
    %lt3A_9 = arith.constant 10 : i32
    %lt3A_10 = arith.cmpi slt, %arg1, %lt3A_9 : i32
    %convert_element_type3A_11 = arith.extui %lt3A_10 : i1 to i32
    %cond3A_12 = arith.constant 0 : i32
    %cond3A_13 = arith.cmpi ne, %convert_element_type3A_11, %cond3A_12 : i32
    scf.if %cond3A_13 {
      %mul3A_14 = arith.constant 1000 : i32
      %mul3A_15 = arith.muli %arg1, %mul3A_14 : i32
      %mul3A_16 = arith.constant 1000 : i32
      %mul3A_17 = arith.muli %arg1, %mul3A_16 : i32
      "tpu.region"() ({
        %run_scoped3A = tpu.sem_alloc : memref<!tpu.dma_semaphore, #tpu.memory_space<semaphore_mem>>
        %dma_start3A = arith.constant 0 : i32
        %dma_start3A_18 = tpu.memref_slice %arg6[%arg0, %mul3A_17, %dma_start3A] : memref<2x10000x128xf32, #tpu.memory_space<hbm>> -> memref<1x1000x128xf32, #tpu.memory_space<hbm>>
        %dma_start3A_19 = tpu.memref_squeeze %dma_start3A_18 : memref<1x1000x128xf32, #tpu.memory_space<hbm>> -> memref<1000x128xf32, #tpu.memory_space<hbm>>
        %dma_start3A_20 = arith.constant 0 : i32
        %dma_start3A_21 = tpu.memref_slice %arg7[%mul3A_15, %dma_start3A_20] : memref<10000x128xf32, #tpu.memory_space<vmem_shared>> -> memref<1000x128xf32, #tpu.memory_space<vmem_shared>>
        tpu.enqueue_dma source(%dma_start3A_21 : memref<1000x128xf32, #tpu.memory_space<vmem_shared>>) target(%dma_start3A_19 : memref<1000x128xf32, #tpu.memory_space<hbm>>) target_semaphore(%run_scoped3A : memref<!tpu.dma_semaphore, #tpu.memory_space<semaphore_mem>>)
        %dma_wait3A = arith.constant 0 : i32
        %dma_wait3A_22 = tpu.memref_slice %arg6[%arg0, %mul3A_17, %dma_wait3A] : memref<2x10000x128xf32, #tpu.memory_space<hbm>> -> memref<1x1000x128xf32, #tpu.memory_space<hbm>>
        %dma_wait3A_23 = tpu.memref_squeeze %dma_wait3A_22 : memref<1x1000x128xf32, #tpu.memory_space<hbm>> -> memref<1000x128xf32, #tpu.memory_space<hbm>>
        %dma_wait3A_24 = arith.constant 0 : i32
        %dma_wait3A_25 = tpu.memref_slice %arg7[%mul3A_15, %dma_wait3A_24] : memref<10000x128xf32, #tpu.memory_space<vmem_shared>> -> memref<1000x128xf32, #tpu.memory_space<vmem_shared>>
        tpu.wait_dma2 semaphore(%run_scoped3A : memref<!tpu.dma_semaphore, #tpu.memory_space<semaphore_mem>>) src(%dma_wait3A_25 : memref<1000x128xf32, #tpu.memory_space<vmem_shared>>) dst(%dma_wait3A_23 : memref<1000x128xf32, #tpu.memory_space<hbm>>)
        tpu.yield
      }) : () -> ()
    } else {
    }
    return
  }
}

module attributes {stable_mosaic.version = 14 : i64} {
  func.func @_proj_body(%arg0: memref<10000x128xf32, #tpu.memory_space<vmem>>, %arg1: memref<128x128xf32, #tpu.memory_space<vmem>>, %arg2: memref<1x128xf32, #tpu.memory_space<vmem>>, %arg3: memref<10000x1xf32, #tpu.memory_space<vmem>>, %arg4: memref<10000x128xf32, #tpu.memory_space<vmem>>) attributes {dimension_semantics = [], scalar_prefetch = 0 : i64, scratch_operands = 0 : i64, tpu.core_type = #tpu.core_type<tc>} {
    %get3A = arith.constant 0 : index
    %get3A_0 = arith.constant 0 : index
    %get3A_1 = vector.load %arg0[%get3A, %get3A_0] : memref<10000x128xf32, #tpu.memory_space<vmem>>, vector<10000x128xf32>
    %get3A_2 = arith.constant 0 : index
    %get3A_3 = arith.constant 0 : index
    %get3A_4 = vector.load %arg1[%get3A_2, %get3A_3] : memref<128x128xf32, #tpu.memory_space<vmem>>, vector<128x128xf32>
    %dot_general3A = arith.constant dense<0.000000e+00> : vector<10000x128xf32>
    %dot_general3A_5 = tpu.matmul %get3A_1, %get3A_4, %dot_general3A {dimension_numbers = #tpu.dot_dimension_numbers<[1], [1], [0], [0], [0, 0, 1, 0], [], []>, transpose_lhs_hint = false} : vector<10000x128xf32>, vector<128x128xf32>, vector<10000x128xf32> -> vector<10000x128xf32>
    %get3A_6 = arith.constant 0 : index
    %get3A_7 = arith.constant 0 : index
    %get3A_8 = vector.load %arg3[%get3A_6, %get3A_7] : memref<10000x1xf32, #tpu.memory_space<vmem>>, vector<10000x1xf32>
    %gt3A = arith.constant 0.000000e+00 : f32
    %gt3A_9 = vector.broadcast %gt3A : f32 to vector<10000x1xf32>
    %gt3A_10 = arith.cmpf ogt, %get3A_8, %gt3A_9 : vector<10000x1xf32>
    %rsqrt3A = math.rsqrt %get3A_8 : vector<10000x1xf32>
    %jit3A = arith.constant 0.000000e+00 : f32
    %broadcast_in_dim3A = vector.broadcast %jit3A : f32 to vector<10000x1xf32>
    %select_n3A = arith.select %gt3A_10, %rsqrt3A, %broadcast_in_dim3A : vector<10000x1xi1>, vector<10000x1xf32>
    %get3A_11 = arith.constant 0 : index
    %get3A_12 = arith.constant 0 : index
    %get3A_13 = vector.load %arg2[%get3A_11, %get3A_12] : memref<1x128xf32, #tpu.memory_space<vmem>>, vector<1x128xf32>
    %add3A = vector.broadcast %get3A_13 : vector<1x128xf32> to vector<10000x128xf32>
    %add3A_14 = arith.addf %dot_general3A_5, %add3A : vector<10000x128xf32>
    %mul3A = vector.broadcast %select_n3A : vector<10000x1xf32> to vector<10000x128xf32>
    %mul3A_15 = arith.mulf %add3A_14, %mul3A : vector<10000x128xf32>
    %swap3A = arith.constant 0 : index
    %swap3A_16 = arith.constant 0 : index
    %swap3A_17 = vector.load %arg4[%swap3A, %swap3A_16] : memref<10000x128xf32, #tpu.memory_space<vmem>>, vector<10000x128xf32>
    tpu.vector_store %arg4[%swap3A, %swap3A_16], %mul3A_15 {strides = array<i32>} : memref<10000x128xf32, #tpu.memory_space<vmem>>, vector<10000x128xf32>,
    return
  }
}

module attributes {stable_mosaic.version = 14 : i64} {
  func.func @_edge_body(%arg0: memref<2x5000x128xf32, #tpu.memory_space<vmem>>, %arg1: memref<5000x1xf32, #tpu.memory_space<vmem>>, %arg2: memref<5000x128xf32, #tpu.memory_space<vmem>>) attributes {dimension_semantics = [], scalar_prefetch = 0 : i64, scratch_operands = 0 : i64, tpu.core_type = #tpu.core_type<tc>} {
    %get3A = arith.constant 0 : index
    %get3A_0 = arith.constant 0 : index
    %get3A_1 = vector.load %arg1[%get3A, %get3A_0] : memref<5000x1xf32, #tpu.memory_space<vmem>>, vector<5000x1xf32>
    %gt3A = arith.constant 0.000000e+00 : f32
    %gt3A_2 = vector.broadcast %gt3A : f32 to vector<5000x1xf32>
    %gt3A_3 = arith.cmpf ogt, %get3A_1, %gt3A_2 : vector<5000x1xf32>
    %div3A = arith.constant 1.000000e+00 : f32
    %div3A_4 = vector.broadcast %div3A : f32 to vector<5000x1xf32>
    %div3A_5 = arith.divf %div3A_4, %get3A_1 : vector<5000x1xf32>
    %jit3A = arith.constant 0.000000e+00 : f32
    %broadcast_in_dim3A = vector.broadcast %jit3A : f32 to vector<5000x1xf32>
    %select_n3A = arith.select %gt3A_3, %div3A_5, %broadcast_in_dim3A : vector<5000x1xi1>, vector<5000x1xf32>
    %get3A_6 = arith.constant 0 : index
    %get3A_7 = arith.constant 0 : index
    %get3A_8 = arith.constant 0 : index
    %get3A_9 = vector.load %arg0[%get3A_6, %get3A_7, %get3A_8] : memref<2x5000x128xf32, #tpu.memory_space<vmem>>, vector<1x5000x128xf32>
    %get3A_10 = vector.shape_cast %get3A_9 : vector<1x5000x128xf32> to vector<5000x128xf32>
    %get3A_11 = arith.constant 1 : index
    %get3A_12 = arith.constant 0 : index
    %get3A_13 = arith.constant 0 : index
    %get3A_14 = vector.load %arg0[%get3A_11, %get3A_12, %get3A_13] : memref<2x5000x128xf32, #tpu.memory_space<vmem>>, vector<1x5000x128xf32>
    %get3A_15 = vector.shape_cast %get3A_14 : vector<1x5000x128xf32> to vector<5000x128xf32>
    %add3A = arith.addf %get3A_10, %get3A_15 : vector<5000x128xf32>
    %mul3A = vector.broadcast %select_n3A : vector<5000x1xf32> to vector<5000x128xf32>
    %mul3A_16 = arith.mulf %add3A, %mul3A : vector<5000x128xf32>
    %swap3A = arith.constant 0 : index
    %swap3A_17 = arith.constant 0 : index
    %swap3A_18 = vector.load %arg2[%swap3A, %swap3A_17] : memref<5000x128xf32, #tpu.memory_space<vmem>>, vector<5000x128xf32>
    tpu.vector_store %arg2[%swap3A, %swap3A_17], %mul3A_16 {strides = array<i32>} : memref<5000x128xf32, #tpu.memory_space<vmem>>, vector<5000x128xf32>,
    return
  }
}

module attributes {stable_mosaic.version = 14 : i64} {
  func.func @_node_body(%arg0: memref<2x10000x128xf32, #tpu.memory_space<vmem>>, %arg1: memref<10000x1xf32, #tpu.memory_space<vmem>>, %arg2: memref<10000x128xf32, #tpu.memory_space<vmem>>) attributes {dimension_semantics = [], scalar_prefetch = 0 : i64, scratch_operands = 0 : i64, tpu.core_type = #tpu.core_type<tc>} {
    %get3A = arith.constant 0 : index
    %get3A_0 = arith.constant 0 : index
    %get3A_1 = vector.load %arg1[%get3A, %get3A_0] : memref<10000x1xf32, #tpu.memory_space<vmem>>, vector<10000x1xf32>
    %gt3A = arith.constant 0.000000e+00 : f32
    %gt3A_2 = vector.broadcast %gt3A : f32 to vector<10000x1xf32>
    %gt3A_3 = arith.cmpf ogt, %get3A_1, %gt3A_2 : vector<10000x1xf32>
    %rsqrt3A = math.rsqrt %get3A_1 : vector<10000x1xf32>
    %jit3A = arith.constant 0.000000e+00 : f32
    %broadcast_in_dim3A = vector.broadcast %jit3A : f32 to vector<10000x1xf32>
    %select_n3A = arith.select %gt3A_3, %rsqrt3A, %broadcast_in_dim3A : vector<10000x1xi1>, vector<10000x1xf32>
    %get3A_4 = arith.constant 0 : index
    %get3A_5 = arith.constant 0 : index
    %get3A_6 = arith.constant 0 : index
    %get3A_7 = vector.load %arg0[%get3A_4, %get3A_5, %get3A_6] : memref<2x10000x128xf32, #tpu.memory_space<vmem>>, vector<1x10000x128xf32>
    %get3A_8 = vector.shape_cast %get3A_7 : vector<1x10000x128xf32> to vector<10000x128xf32>
    %get3A_9 = arith.constant 1 : index
    %get3A_10 = arith.constant 0 : index
    %get3A_11 = arith.constant 0 : index
    %get3A_12 = vector.load %arg0[%get3A_9, %get3A_10, %get3A_11] : memref<2x10000x128xf32, #tpu.memory_space<vmem>>, vector<1x10000x128xf32>
    %get3A_13 = vector.shape_cast %get3A_12 : vector<1x10000x128xf32> to vector<10000x128xf32>
    %add3A = arith.addf %get3A_8, %get3A_13 : vector<10000x128xf32>
    %mul3A = vector.broadcast %select_n3A : vector<10000x1xf32> to vector<10000x128xf32>
    %mul3A_14 = arith.mulf %add3A, %mul3A : vector<10000x128xf32>
    %max3A = arith.constant 0.000000e+00 : f32
    %max3A_15 = vector.broadcast %max3A : f32 to vector<10000x128xf32>
    %max3A_16 = arith.maximumf %mul3A_14, %max3A_15 : vector<10000x128xf32>
    %swap3A = arith.constant 0 : index
    %swap3A_17 = arith.constant 0 : index
    %swap3A_18 = vector.load %arg2[%swap3A, %swap3A_17] : memref<10000x128xf32, #tpu.memory_space<vmem>>, vector<10000x128xf32>
    tpu.vector_store %arg2[%swap3A, %swap3A_17], %max3A_16 {strides = array<i32>} : memref<10000x128xf32, #tpu.memory_space<vmem>>, vector<10000x128xf32>,
    return
  }
}

</mosaic_0001>

<sc_bundles>
// kernel: kernel.11.cloned.1.call-start
scs
__scs_entry_jumppad:
0x0: {  	(pc) =	sbr.rel $0x88, $3  }
0x1: {  	(tag) =	ssettag $0x0;
	lr =	simm.s32 $0x1  }
0x2: {  	[smem:$0x3F9C] =	sst lr;
	_ =	strace $0xD0000000  }
0x3: {  	_ = 	snop  }
0x4: {  	_ = 	snop  }
0x5: {  	_ = 	snop  }
0x6: {  	_ = 	snop  }
0x7: {  	_ = 	snop  }
__scs_overlays_trampoline_lowered:
0x8: {  	[smem:$0x3FAB] =	sst s0  }
0x9: {  	[smem:$0x3FAC] =	sst s1  }
0xa: {  	[smem:$0x3FAD] =	sst s2  }
0xb: {  	[smem:$0x3FAE] =	sst s3  }
0xc: {  	[smem:$0x3FAF] =	sst s4  }
0xd: {  	[smem:$0x3FB0] =	sst s5  }
0xe: {  	[smem:$0x3FB1] =	sst s6  }
0xf: {  	[smem:$0x3FB2] =	sst s7  }
0x10: {  	[smem:$0x3FB3] =	sst s8  }
0x11: {  	[smem:$0x3FB4] =	sst s9;
	s0 =	simm.s32 @!p0 $0x0  }
0x12: {  	s1 =	sld [smem:$0x3F9A];
	s0 =	simm.s32 @p0 $0x1  }
0x13: {  	[smem:$0x3FB5] =	sst s0;
	s0 =	simm.s32 @!p1 $0x0  }
0x14: {  	s2 =	sld [smem:$0x3F99];
	s0 =	simm.s32 @p1 $0x1  }
0x15: {  	[smem:$0x3FB6] =	sst s0;
	s0 =	simm.s32 @!p2 $0x0  }
0x16: {  	s3 =	sld [smem:$0x3FDB];
	s0 =	simm.s32 @p2 $0x1  }
0x17: {  	s4 =	simm.s32 $0x1BF5;
	[smem:$0x3FB8] =	sst s0  }
0x18: {  	s0 =	sld [smem:$0x3F9B];
	_ =	swait.ge [sflag:s4], $0x0  }
0x19: {  	s7 =	sld [smem:$0x3F9C]  }
0x1a: {  	s8 =	sadd.s32 $0xFFFFE003, lr  }
0x1b: {  	s9 =	sadd.s32 $0xFFFFFEF7, lr;
	s5 =	simm.s32 $0xFFFFFFFF;
	p2 =	slt.u32 s8, $0xFFFFF086  }
0x1c: {  	p1 =	slt.u32 s9, $0xF7A;
	s5 =	simm.s32 @!p2 $0x0  }
0x1d: {  	s5 =	simm.s32 @p1 $0x1;
	p0 =	seq.s32 s7, s2  }
0x1e: {  	s7 =	smul.u32 @!p0 $0xF7A, s2;
	p2 =	seq.s32 @!p0 s5, $0x0  }
0x1f: {  	s9 =	smul.u32 $0xF7A, s1;
	s8 =	simm.s32 @!p0 $0x1BF5;
	p2 =	por !p2, p0  }
0x20: {  	[sflag:s8] =	ssyncset.s32 @!p0 $0xFFFFF086;
	s6 =	sadd.s32 @!p0 s3, s7;
	s7 =	simm.s32 @!p0 $0x108  }
0x21: {  	s3 =	sadd.s32 s3, s9;
	s6 =	sadd.s32 @!p0 $0x88, s6;
	s7 =	simm.s32 @p2 $0x1082  }
0x22: {  	[simem:s7], [sflag:s8] =	dma.local @!p0 [hbm:s6], $0xF7A  }
0x23: {  	s9 =	sor.u32 $0xD0000000, s2;
	s6 =	simm.s32 $0x108;
	_ =	swait.ge @!p0 [sflag:s8], $0x0  }
0x24: {  	s3 =	sadd.s32 $0x88, s3;
	s6 =	simm.s32 @!p1 $0x1082;
	[sflag:s4] =	ssyncset.s32 $0xFFFFF086  }
0x25: {  	[simem:s6], [sflag:s4] =	dma.local [hbm:s3], $0xF7A  }
0x26: {  	[smem:$0x3F9C] =	sst s1;
	(tag) =	ssettag s2;
	_ =	strace s9  }
0x27: {  	s1 =	sld [smem:$0x3FAC]  }
0x28: {  	s2 =	sld [smem:$0x3FAD]  }
0x29: {  	s4 =	sld [smem:$0x3FAF]  }
0x2a: {  	p0 =	seq.s32 s5, $0x0;
	s5 =	sld [smem:$0x3FB0]  }
0x2b: {  	s6 =	sld [smem:$0x3FB1]  }
0x2c: {  	s7 =	sld [smem:$0x3FB2]  }
0x2d: {  	s3 =	simm.s32 $0x108;
	s8 =	sld [smem:$0x3FB3]  }
0x2e: {  	s3 =	simm.s32 @!p0 $0x1082;
	s9 =	sld [smem:$0x3FB4]  }
0x2f: {  	lr =	sadd.s32 s0, s3;
	s0 =	sld [smem:$0x3FAB]  }
0x30: {  	s3 =	sld [smem:$0x3FAE]  }
0x31: {  	[smem:$0x3FB7] =	sst s10  }
0x32: {  	s10 =	sld [smem:$0x3FB5];
	_ =	sdelay $0x3  }
0x33: {  	p0 =	seq.s32 s10, $0x1;
	s10 =	sld [smem:$0x3FB7];
	_ =	sdelay $0x3  }
0x34: {  	[smem:$0x3FB7] =	sst s10  }
0x35: {  	s10 =	sld [smem:$0x3FB6];
	_ =	sdelay $0x3  }
0x36: {  	p1 =	seq.s32 s10, $0x1;
	s10 =	sld [smem:$0x3FB7];
	_ =	sdelay $0x3  }
0x37: {  	[smem:$0x3FB7] =	sst s10  }
0x38: {  	s10 =	sld [smem:$0x3FB8]  }
0x39: {  	_ = 	snop;
	(pc) =	sbr.ind lr, $3  }
0x3a: {  	_ = 	snop  }
0x3b: {  	_ = 	snop  }
0x3c: {  	p2 =	seq.s32 s10, $0x1;
	s10 =	sld [smem:$0x3FB7]  }
0x3d: {  	_ =	shalt  }
0x3e: {  	_ =	shalt  }
0x3f: {  	_ =	shalt  }
0x40: {  	_ =	shalt  }
0x41: {  	_ =	shalt  }
0x42: {  	_ =	shalt  }
0x43: {  	_ =	shalt  }
0x44: {  	_ =	shalt  }
0x45: {  	_ =	shalt  }
0x46: {  	_ =	shalt  }
0x47: {  	_ =	shalt  }
0x48: {  	_ =	shalt  }
0x49: {  	_ =	shalt  }
0x4a: {  	_ =	shalt  }
0x4b: {  	_ =	shalt  }
0x4c: {  	_ =	shalt  }
0x4d: {  	_ =	shalt  }
0x4e: {  	_ =	shalt  }
0x4f: {  	_ =	shalt  }
0x50: {  	_ =	shalt  }
0x51: {  	_ =	shalt  }
0x52: {  	_ =	shalt  }
0x53: {  	_ =	shalt  }
0x54: {  	_ =	shalt  }
0x55: {  	_ =	shalt  }
0x56: {  	_ =	shalt  }
0x57: {  	_ =	shalt  }
0x58: {  	_ =	shalt  }
0x59: {  	_ =	shalt  }
0x5a: {  	_ =	shalt  }
0x5b: {  	_ =	shalt  }
0x5c: {  	_ =	shalt  }
0x5d: {  	_ =	shalt  }
0x5e: {  	_ =	shalt  }
0x5f: {  	_ =	shalt  }
0x60: {  	_ =	shalt  }
0x61: {  	_ =	shalt  }
0x62: {  	_ =	shalt  }
0x63: {  	_ =	shalt  }
0x64: {  	_ =	shalt  }
0x65: {  	_ =	shalt  }
0x66: {  	_ =	shalt  }
0x67: {  	_ =	shalt  }
0x68: {  	_ =	shalt  }
0x69: {  	_ =	shalt  }
0x6a: {  	_ =	shalt  }
0x6b: {  	_ =	shalt  }
0x6c: {  	_ =	shalt  }
0x6d: {  	_ =	shalt  }
0x6e: {  	_ =	shalt  }
0x6f: {  	_ =	shalt  }
0x70: {  	_ =	shalt  }
0x71: {  	_ =	shalt  }
0x72: {  	_ =	shalt  }
0x73: {  	_ =	shalt  }
0x74: {  	_ =	shalt  }
0x75: {  	_ =	shalt  }
0x76: {  	_ =	shalt  }
0x77: {  	_ =	shalt  }
0x78: {  	_ =	shalt  }
0x79: {  	_ =	shalt  }
0x7a: {  	_ =	shalt  }
0x7b: {  	_ =	shalt  }
0x7c: {  	_ =	shalt  }
0x7d: {  	_ =	shalt  }
0x7e: {  	_ =	shalt  }
0x7f: {  	_ =	shalt  }
0x80: {  	_ =	shalt  }
0x81: {  	_ =	shalt  }
0x82: {  	_ =	shalt  }
0x83: {  	_ =	shalt  }
0x84: {  	_ =	shalt  }
0x85: {  	_ =	shalt  }
0x86: {  	_ =	shalt  }
0x87: {  	_ =	shalt  }
.Lfunc_end0:
.L_simem_size_0:
called_computation.1_lowered:
.L_overlay_start_0:
0x88: {  	s2 =	sld [smem:$0x3FD9]  }
0x89: {  	s3 =	sld [smem:$0x3FFE];
	_ =	sdelay $0x1  }
0x8a: {  	s1 =	srdreg.scid  }
0x8b: {  	s0 =	sand.u32 $0x1, s1  }
0x8c: {  	s17 =	sshll.u32 s0, $0xA;
	s2 =	sadd.s32 s3, s2  }
0x8d: {  	s2 =	sadd.s32 s2, s17  }
0x8e: {  	[smem:$0x3FC3] =	sst s2  }
0x8f: {  	_ = 	snop  }
0x90: {  	s2 =	sld [smem:$0x3FD0];
	(tm) =	ssettm $0x1  }
0x91: {  	s18 =	sld [smem:$0x3FFB];
	_ =	sdelay $0x3  }
0x92: {  	_ =	strace s18  }
0x93: {  	s3 =	sld [smem:$0x3FFC];
	_ =	sdelay $0x3  }
0x94: {  	_ =	strace s3  }
0x95: {  	s3 =	sld [smem:$0x3FFD];
	_ =	sdelay $0x3  }
0x96: {  	_ =	strace s3  }
0x97: {  	_ =	strace $0x8FFFFFFF  }
0x98: {  	s19 =	sld [smem:$0x3FDB];
	_ =	sdelay $0x1  }
0x99: {  	s4 =	simm.s32 $_scs_section_size  }
0x9a: {  	s5 =	simm.s32 $_size__tile_overlayer_lowered;
	s6 =	simm.s32 $_tile_overlayer_lowered  }
0x9b: {  	s22 =	simm.s32 $0x1BFF;
	s21 =	sshll.u32 s6, $0x1;
	s3 =	sadd.s32 s4, s19  }
0x9c: {  	s7 =	simm.s32 $0x0;
	s20 =	sshll.u32 s5, $0x1;
	s5 =	sadd.s32 s21, s3  }
0x9d: {  	[timem:s7], [sflag:s22] =	dma.local [hbm:s5], s20  }
0x9e: {  	_ =	swait.ge [sflag:s22], s20  }
0x9f: {  	s4 =	ssub.s32 $0x0, s20;
	[sflag:s22] =	ssyncset.done $0x0  }
0xa0: {  	[sflag:s22] =	ssyncadd.s32 s4;
	_ =	sdelay $0x1  }
0xa1: {  	s23 =	simm.s32 $0x1B8B  }
0xa2: {  	_ =	swait.ge [sflag:s23], $0x1  }
0xa3: {  	[sflag:s23] =	ssyncset.done $0x0  }
0xa4: {  	s25 =	simm.s32 $0x1B8E;
	s24 =	sld [smem:$0x3FFE];
	[sflag:s23] =	ssyncadd.s32 $0xFFFFFFFF  }
0xa5: {  	s26 =	simm.s32 $execute0_lowered;
	[smem:$0x3FD2] =	sst s25  }
0xa6: {  	s5 =	sshll.u32 s26, $0x1;
	_ =	strace $0x80000049;
	[dreg:$0x1] =	wrdreg $0xFFFFFFFF  }
0xa7: {  	s28 =	simm.s32 $_size_execute0_lowered;
	s3 =	sadd.s32 s3, s5;
	[dreg:$0x0] =	wrdreg $0x0  }
0xa8: {  	s5 =	sshll.u32 s28, $0x1;
	[dreg:$0x2] =	wrdreg s3  }
0xa9: {  	[dreg:$0x3] =	wrdreg s5  }
0xaa: {  	[dreg:$0x4] =	wrdreg $0xC0  }
0xab: {  	_ =	task [dreg:s7], $0x5FFFF  }
0xac: {  	[dreg:$0x1] =	wrdreg $0xFFFFFFFF  }
0xad: {  	[dreg:$0x0] =	wrdreg $0x60  }
0xae: {  	[dreg:$0x2] =	wrdreg s2  }
0xaf: {  	[dreg:$0x3] =	wrdreg s24  }
0xb0: {  	[dreg:$0x4] =	wrdreg $0x0  }
0xb1: {  	[dreg:$0x5] =	wrdreg $0x9  }
0xb2: {  	_ =	task.clear_ibuf [dreg:s7], $0x6FFFF;
	_ =	strace $0x90000049  }
0xb3: {  	s29 =	simm.s32 $0x9;
	_ =	strace $0x8000004B  }
0xb4: {  	_ =	swait.ge [sflag:s29], $0x1  }
0xb5: {  	[sflag:s29] =	ssyncadd.s32 $0xFFFFFFFF  }
0xb6: {  	_ =	strace $0x9000004B  }
0xb7: {  	_ =	sfence  }
0xb8: {  	s30 =	sld [smem:$0x0];
	_ =	sdelay $0x2  }
0xb9: {  	s31 =	sshll.u32 s1, $0xD;
	s1 =	sshrl.u32 s1, $0x2  }
0xba: {  	s3 =	sand.u32 $0x4000, s31;
	s1 =	sadd.s32 s1, s30  }
0xbb: {  	s0 =	sor.u32 s3, s0;
	s1 =	sshll.u32 s1, $0x11  }
0xbc: {  	s0 =	sor.u32 s1, s0  }
0xbd: {  	s0 =	sadd.s32 $0x8F2B, s0  }
0xbe: {  	[sflag:s0] =	ssyncadd.remote.s32 $0x1  }
0xbf: {  	_ =	sfence.sel $0xFFFF  }
0xc0: {  	[dreg:$0x0] =	wrdreg $0xFFFFFFFF;
	(pc) =	sbr.abs _section_cstart, $3  }
0xc1: {  	[dreg:$0x1] =	wrdreg $0xFFFFFFFF  }
0xc2: {  	_ =	task.clear_ibuf [dreg:s7], $0x2FFFF;
	_ =	strace $0x9FFFFFFF  }
0xc3: {  	(tm) =	ssettm $0x7FFFFFFF  }
tec
execute0_lowered:
.L_overlay_start_1:
0x0: {  	(tag) =	ssettag $0x1  }
0x1: {  	s1 =	rddreg [dreg:$0x0]  }
0x2: {  	s5 =	rddreg [dreg:$0x1]  }
0x3: {  	s0 =	stileid.u32;
	s2 =	srdreg.scid  }
0x4: {  	s3 =	rddreg [dreg:$0x2];
	s4 =	simm.s32 $0x0;
	s24 =	simm.s32 $0xA440  }
0x5: {  	s25 =	simm.s32 $0xAC40;
	s8 =	sand.u32 $0x1, s2;
	s2 =	rddreg [dreg:$0x3]  }
0x6: {  	s26 =	simm.s32 $0x9CC0;
	s28 =	simm.s32 $0x9DC0;
	[smem:$0x7FF] =	sst s4  }
0x7: {  	s29 =	simm.s32 $0x9EC0;
	_ =	strace $0x8000004A;
	[dreg:$0x6] =	wrdreg s24  }
0x8: {  	s30 =	simm.s32 $0x9FC0;
	s6 =	smul.u32 $0xA00, s0;
	[dreg:$0x7] =	wrdreg s25  }
0x9: {  	s31 =	simm.s32 $0xA0C0;
	s7 =	smul.u32 $0x3E80, s0;
	[dreg:$0x8] =	wrdreg s26  }
0xa: {  	s14 =	simm.s32 $0xA1C0;
	s10 =	smul.u32 $0x1F400, s0;
	[dreg:$0x9] =	wrdreg s28  }
0xb: {  	s15 =	simm.s32 $0xA2C0;
	s11 =	smul.u32 $0x7D000, s0;
	[dreg:$0xa] =	wrdreg s29  }
0xc: {  	s16 =	simm.s32 $0xA3C0;
	s21 =	smul.u32 $0x14, s0;
	[dreg:$0xb] =	wrdreg s30  }
0xd: {  	p0 =	sgt.u32 s0, $0x4;
	s9 =	smul.u32 $0x9C400, s8;
	[dreg:$0xc] =	wrdreg s31  }
0xe: {  	s18 =	ssub.s32 $0x2, s8;
	s13 =	smul.u32 $0x500, s8;
	[dreg:$0xd] =	wrdreg s14  }
0xf: {  	s8 =	smul.u32 $0xA, s8;
	s14 =	simm.s32 $0xEC40;
	[dreg:$0xe] =	wrdreg s15  }
0x10: {  	s15 =	simm.s32 $0x1;
	[dreg:$0xf] =	wrdreg s16;
	s16 =	simm.s32 $0x0  }
0x11: {  	s6 =	sadd.s32 s6, s5;
	s7 =	sadd.s32 s7, s5;
	s12 =	sshrl.u32 s18, $0x1  }
0x12: {  	s19 =	sshrl.u32 s11, $0x2;
	s9 =	sadd.s32 s10, s9;
	s10 =	ssub.s32 s18, s12  }
0x13: {  	s11 =	sadd.s32 s19, s3;
	s20 =	sadd.s32 s13, s6;
	s8 =	sadd.s32 s8, s21  }
0x14: {  	s12 =	simm.s32 $0x3;
	s13 =	simm.s32 $0x80;
	s9 =	sshrl.u32 s9, $0x3  }
0x15: {  	s22 =	sadd.s32 $0xC800, s20;
	s23 =	sadd.s32 $0x2800, s20;
	s9 =	sadd.s32 s9, s5  }
0x16: {  	s5 =	sadd.s32 $0x17200, s7;
	[dreg:$0x4] =	wrdreg s22;
	s7 =	smax.u32 s10, $0x1  }
0x17: {  	[dreg:$0x5] =	wrdreg s23;
	s10 =	sshll.u32 @!p0 s0, $0x6;
	s6 =	sadd.s32 $0x3E400, s9  }
0x18: {  	s9 =	sor.u32 @!p0 $0x1C03, s10;
	s10 =	sshrl.u32 @!p0 s11, $0x3;
	s11 =	simm.s32 $0x9C40  }
.LBB2_1:
0x19: {  	[spmem:s10], [sflag:s9] =	dma.local @!p0 [hbm:s5], $0x3E80  }
0x1a: {  	s17 =	simm.s32 @!p0 $0x3  }
0x1b: {  	_ =	swait.ge @!p0 [sflag:s17], $0x3E80  }
0x1c: {  	[sflag:s17] =	ssyncset.done @!p0 $0x0  }
0x1d: {  	[sflag:s17] =	ssyncadd.s32 @!p0 $0xFFFFC180  }
0x1e: {  	[bflag:$0x0] =	sbarrier.arrive $0xFFFF  }
0x1f: {  	s26 =	rddreg [dreg:$0x5]  }
0x20: {  	s17 =	sadd.s32 $0x0, s26  }
0x21: {  	[tilespmem:s11], [sflag:$0x3] =	stream.linear.gather [hbm4b:s17+s4], $0x800, $0x38;
	[tilespmem:$0x12C40] =	vst v63  }
0x22: {  	_ =	swait.ge [sflag:s12], $0x800  }
0x23: {  	s28 =	rddreg [dreg:$0x4];
	[sflag:s12] =	ssyncset.done $0x0  }
0x24: {  	s18 =	rddreg [dreg:$0x6];
	[sflag:s12] =	ssyncadd.s32 $0xFFFFF800;
	s17 =	sadd.s32 $0x0, s28  }
0x25: {  	[tilespmem:s18], [sflag:$0x3] =	stream.linear.gather [hbm4b:s17+s4], $0x800, $0x38;
	[tilespmem:$0x12C40] =	vst v63  }
0x26: {  	_ =	swait.ge [sflag:s12], $0x800  }
0x27: {  	[sflag:s12] =	ssyncset.done $0x0  }
0x28: {  	s29 =	rddreg [dreg:$0x7];
	[sflag:s12] =	ssyncadd.s32 $0xFFFFF800  }
0x29: {  	[tilespmem:s29], [sflag:$0x1] =	stream.indirect.gather [hbm4b:s1+s13], $0x80, s11, s13, $0xb8;
	[tilespmem:$0x12C40] =	vst v63  }
0x2a: {  	s30 =	rddreg [dreg:$0x8]  }
0x2b: {  	[tilespmem:s14], [sflag:$0x2] =	stream.indirect.gather [hbm4b:s1+s13], $0x80, s30, s13, $0xb8;
	[tilespmem:$0x12C40] =	vst v63  }
0x2c: {  	p1 =	sgt.u32 s8, $0x138;
	_ =	swait.ge [sflag:s15], $0x4000  }
0x2d: {  	s19 =	simm.s32 @p1 $0xAC40;
	s20 =	simm.s32 @!p1 $0x80;
	[sflag:s15] =	ssyncset.done $0x0  }
0x2e: {  	s17 =	simm.s32 @p1 $0x80;
	s18 =	simm.s32 @p1 $0x9D40;
	[sflag:s15] =	ssyncadd.s32 $0xFFFFC000  }
0x2f: {  	[tilespmem:s19], [sflag:$0x1] =	stream.indirect.gather @p1 [hbm4b:s1+s17], $0x80, s18, s17, $0xb8;
	[tilespmem:$0x12C40] =	vst v63  }
0x30: {  	s21 =	simm.s32 @!p1 $0xAC40;
	s22 =	simm.s32 @!p1 $0x4;
	s18 =	simm.s32 @!p1 $0xA440  }
0x31: {  	[spmem:s3] =	stream.indirect.scatter.add.f32 @!p1 [tilespmem:s21], [sflag:$0x4], $0x80, s18, s20, $0xb8;
	[tilespmem:$0x12C40] =	vst v63  }
0x32: {  	_ =	swait.ge @!p1 [sflag:s22], $0x4000  }
0x33: {  	[sflag:s22] =	ssyncset.done @!p1 $0x0  }
0x34: {  	s23 =	simm.s32 @!p1 $0x2;
	s18 =	simm.s32 @!p1 $0x9D40;
	[sflag:s22] =	ssyncadd.s32 @!p1 $0xFFFFC000  }
0x35: {  	[tilespmem:s21], [sflag:$0x1] =	stream.indirect.gather @!p1 [hbm4b:s1+s20], $0x80, s18, s20, $0xb8;
	[tilespmem:$0x12C40] =	vst v63  }
0x36: {  	_ =	swait.ge @!p1 [sflag:s23], $0x4000  }
0x37: {  	s24 =	simm.s32 @!p1 $0xA4C0;
	s18 =	simm.s32 @!p1 $0x3;
	[sflag:s23] =	ssyncset.done @!p1 $0x0  }
0x38: {  	s25 =	simm.s32 @!p1 $0xEC40;
	s18 =	simm.s32 @p1 $0x2;
	[sflag:s23] =	ssyncadd.s32 @!p1 $0xFFFFC000  }
0x39: {  	[spmem:s3] =	stream.indirect.scatter.add.f32 @!p1 [tilespmem:s25], [sflag:$0x3], $0x80, s24, s20, $0xb8;
	[tilespmem:$0x12C40] =	vst v63  }
0x3a: {  	_ =	swait.ge [sflag:s18], $0x4000  }
0x3b: {  	[sflag:s18] =	ssyncset.done $0x0  }
0x3c: {  	s31 =	rddreg [dreg:$0x9];
	[sflag:s18] =	ssyncadd.s32 $0xFFFFC000  }
0x3d: {  	[tilespmem:s14], [sflag:$0x2] =	stream.indirect.gather [hbm4b:s1+s13], $0x80, s31, s13, $0xb8;
	[tilespmem:$0x12C40] =	vst v63  }
0x3e: {  	_ =	swait.ge [sflag:s15], $0x4000  }
0x3f: {  	[sflag:s15] =	ssyncset.done $0x0  }
0x40: {  	s24 =	simm.s32 @p1 $0x9E40;
	[sflag:s15] =	ssyncadd.s32 $0xFFFFC000  }
0x41: {  	[tilespmem:s19], [sflag:$0x1] =	stream.indirect.gather @p1 [hbm4b:s1+s17], $0x80, s24, s17, $0xb8;
	[tilespmem:$0x12C40] =	vst v63  }
0x42: {  	s17 =	simm.s32 @!p1 $0xA540  }
0x43: {  	[spmem:s3] =	stream.indirect.scatter.add.f32 @!p1 [tilespmem:s21], [sflag:$0x4], $0x80, s17, s20, $0xb8;
	[tilespmem:$0x12C40] =	vst v63  }
0x44: {  	_ =	swait.ge @!p1 [sflag:s22], $0x4000  }
0x45: {  	[sflag:s22] =	ssyncset.done @!p1 $0x0  }
0x46: {  	s17 =	simm.s32 @!p1 $0x9E40;
	[sflag:s22] =	ssyncadd.s32 @!p1 $0xFFFFC000  }
0x47: {  	[tilespmem:s21], [sflag:$0x1] =	stream.indirect.gather @!p1 [hbm4b:s1+s20], $0x80, s17, s20, $0xb8;
	[tilespmem:$0x12C40] =	vst v63  }
0x48: {  	_ =	swait.ge @!p1 [sflag:s23], $0x4000  }
0x49: {  	[sflag:s23] =	ssyncset.done @!p1 $0x0  }
0x4a: {  	s17 =	simm.s32 @!p1 $0xA5C0;
	[sflag:s23] =	ssyncadd.s32 @!p1 $0xFFFFC000  }
0x4b: {  	[spmem:s3] =	stream.indirect.scatter.add.f32 @!p1 [tilespmem:s25], [sflag:$0x3], $0x80, s17, s20, $0xb8;
	[tilespmem:$0x12C40] =	vst v63  }
0x4c: {  	_ =	swait.ge [sflag:s18], $0x4000  }
0x4d: {  	[sflag:s18] =	ssyncset.done $0x0  }
0x4e: {  	s25 =	rddreg [dreg:$0xa];
	[sflag:s18] =	ssyncadd.s32 $0xFFFFC000  }
0x4f: {  	[tilespmem:s14], [sflag:$0x2] =	stream.indirect.gather [hbm4b:s1+s13], $0x80, s25, s13, $0xb8;
	[tilespmem:$0x12C40] =	vst v63  }
0x50: {  	p1 =	sgt.u32 s8, $0x137;
	_ =	swait.ge [sflag:s15], $0x4000  }
0x51: {  	s19 =	simm.s32 @p1 $0x80;
	s17 =	simm.s32 @!p1 $0xAC40;
	[sflag:s15] =	ssyncset.done $0x0  }
0x52: {  	s23 =	simm.s32 @p1 $0xAC40;
	s18 =	simm.s32 @p1 $0x9F40;
	[sflag:s15] =	ssyncadd.s32 $0xFFFFC000  }
0x53: {  	[tilespmem:s23], [sflag:$0x1] =	stream.indirect.gather @p1 [hbm4b:s1+s19], $0x80, s18, s19, $0xb8;
	[tilespmem:$0x12C40] =	vst v63  }
0x54: {  	s20 =	simm.s32 @!p1 $0xA640;
	s21 =	simm.s32 @!p1 $0x4;
	s18 =	simm.s32 @!p1 $0x80  }
0x55: {  	[spmem:s3] =	stream.indirect.scatter.add.f32 @!p1 [tilespmem:s17], [sflag:$0x4], $0x80, s20, s18, $0xb8;
	[tilespmem:$0x12C40] =	vst v63  }
0x56: {  	_ =	swait.ge @!p1 [sflag:s21], $0x4000  }
0x57: {  	[sflag:s21] =	ssyncset.done @!p1 $0x0  }
0x58: {  	s22 =	simm.s32 @!p1 $0x2;
	s20 =	simm.s32 @!p1 $0x9F40;
	[sflag:s21] =	ssyncadd.s32 @!p1 $0xFFFFC000  }
0x59: {  	[tilespmem:s17], [sflag:$0x1] =	stream.indirect.gather @!p1 [hbm4b:s1+s18], $0x80, s20, s18, $0xb8;
	[tilespmem:$0x12C40] =	vst v63  }
0x5a: {  	_ =	swait.ge @!p1 [sflag:s22], $0x4000  }
0x5b: {  	s24 =	simm.s32 @!p1 $0xEC40;
	s20 =	simm.s32 @!p1 $0x3;
	[sflag:s22] =	ssyncset.done @!p1 $0x0  }
0x5c: {  	s25 =	simm.s32 @!p1 $0xA6C0;
	s20 =	simm.s32 @p1 $0x2;
	[sflag:s22] =	ssyncadd.s32 @!p1 $0xFFFFC000  }
0x5d: {  	[spmem:s3] =	stream.indirect.scatter.add.f32 @!p1 [tilespmem:s24], [sflag:$0x3], $0x80, s25, s18, $0xb8;
	[tilespmem:$0x12C40] =	vst v63  }
0x5e: {  	_ =	swait.ge [sflag:s20], $0x4000  }
0x5f: {  	[sflag:s20] =	ssyncset.done $0x0  }
0x60: {  	s26 =	rddreg [dreg:$0xb];
	[sflag:s20] =	ssyncadd.s32 $0xFFFFC000  }
0x61: {  	[tilespmem:s14], [sflag:$0x2] =	stream.indirect.gather [hbm4b:s1+s13], $0x80, s26, s13, $0xb8;
	[tilespmem:$0x12C40] =	vst v63  }
0x62: {  	_ =	swait.ge [sflag:s15], $0x4000  }
0x63: {  	[sflag:s15] =	ssyncset.done $0x0  }
0x64: {  	s25 =	simm.s32 @p1 $0xA040;
	[sflag:s15] =	ssyncadd.s32 $0xFFFFC000  }
0x65: {  	[tilespmem:s23], [sflag:$0x1] =	stream.indirect.gather @p1 [hbm4b:s1+s19], $0x80, s25, s19, $0xb8;
	[tilespmem:$0x12C40] =	vst v63  }
0x66: {  	s25 =	simm.s32 @!p1 $0xA740  }
0x67: {  	[spmem:s3] =	stream.indirect.scatter.add.f32 @!p1 [tilespmem:s17], [sflag:$0x4], $0x80, s25, s18, $0xb8;
	[tilespmem:$0x12C40] =	vst v63  }
0x68: {  	_ =	swait.ge @!p1 [sflag:s21], $0x4000  }
0x69: {  	[sflag:s21] =	ssyncset.done @!p1 $0x0  }
0x6a: {  	s25 =	simm.s32 @!p1 $0xA040;
	[sflag:s21] =	ssyncadd.s32 @!p1 $0xFFFFC000  }
0x6b: {  	[tilespmem:s17], [sflag:$0x1] =	stream.indirect.gather @!p1 [hbm4b:s1+s18], $0x80, s25, s18, $0xb8;
	[tilespmem:$0x12C40] =	vst v63  }
0x6c: {  	_ =	swait.ge @!p1 [sflag:s22], $0x4000  }
0x6d: {  	[sflag:s22] =	ssyncset.done @!p1 $0x0  }
0x6e: {  	s25 =	simm.s32 @!p1 $0xA7C0;
	[sflag:s22] =	ssyncadd.s32 @!p1 $0xFFFFC000  }
0x6f: {  	[spmem:s3] =	stream.indirect.scatter.add.f32 @!p1 [tilespmem:s24], [sflag:$0x3], $0x80, s25, s18, $0xb8;
	[tilespmem:$0x12C40] =	vst v63  }
0x70: {  	_ =	swait.ge [sflag:s20], $0x4000  }
0x71: {  	[sflag:s20] =	ssyncset.done $0x0  }
0x72: {  	s28 =	rddreg [dreg:$0xc];
	[sflag:s20] =	ssyncadd.s32 $0xFFFFC000  }
0x73: {  	[tilespmem:s14], [sflag:$0x2] =	stream.indirect.gather [hbm4b:s1+s13], $0x80, s28, s13, $0xb8;
	[tilespmem:$0x12C40] =	vst v63  }
0x74: {  	_ =	swait.ge [sflag:s15], $0x4000  }
0x75: {  	[sflag:s15] =	ssyncset.done $0x0  }
0x76: {  	s25 =	simm.s32 @p1 $0xA140;
	[sflag:s15] =	ssyncadd.s32 $0xFFFFC000  }
0x77: {  	[tilespmem:s23], [sflag:$0x1] =	stream.indirect.gather @p1 [hbm4b:s1+s19], $0x80, s25, s19, $0xb8;
	[tilespmem:$0x12C40] =	vst v63  }
0x78: {  	s25 =	simm.s32 @!p1 $0xA840  }
0x79: {  	[spmem:s3] =	stream.indirect.scatter.add.f32 @!p1 [tilespmem:s17], [sflag:$0x4], $0x80, s25, s18, $0xb8;
	[tilespmem:$0x12C40] =	vst v63  }
0x7a: {  	_ =	swait.ge @!p1 [sflag:s21], $0x4000  }
0x7b: {  	[sflag:s21] =	ssyncset.done @!p1 $0x0  }
0x7c: {  	s25 =	simm.s32 @!p1 $0xA140;
	[sflag:s21] =	ssyncadd.s32 @!p1 $0xFFFFC000  }
0x7d: {  	[tilespmem:s17], [sflag:$0x1] =	stream.indirect.gather @!p1 [hbm4b:s1+s18], $0x80, s25, s18, $0xb8;
	[tilespmem:$0x12C40] =	vst v63  }
0x7e: {  	_ =	swait.ge @!p1 [sflag:s22], $0x4000  }
0x7f: {  	[sflag:s22] =	ssyncset.done @!p1 $0x0  }
0x80: {  	s25 =	simm.s32 @!p1 $0xA8C0;
	[sflag:s22] =	ssyncadd.s32 @!p1 $0xFFFFC000  }
0x81: {  	[spmem:s3] =	stream.indirect.scatter.add.f32 @!p1 [tilespmem:s24], [sflag:$0x3], $0x80, s25, s18, $0xb8;
	[tilespmem:$0x12C40] =	vst v63  }
0x82: {  	_ =	swait.ge [sflag:s20], $0x4000  }
0x83: {  	[sflag:s20] =	ssyncset.done $0x0  }
0x84: {  	s29 =	rddreg [dreg:$0xd];
	[sflag:s20] =	ssyncadd.s32 $0xFFFFC000  }
0x85: {  	[tilespmem:s14], [sflag:$0x2] =	stream.indirect.gather [hbm4b:s1+s13], $0x80, s29, s13, $0xb8;
	[tilespmem:$0x12C40] =	vst v63  }
0x86: {  	_ =	swait.ge [sflag:s15], $0x4000  }
0x87: {  	[sflag:s15] =	ssyncset.done $0x0  }
0x88: {  	s25 =	simm.s32 @p1 $0xA240;
	[sflag:s15] =	ssyncadd.s32 $0xFFFFC000  }
0x89: {  	[tilespmem:s23], [sflag:$0x1] =	stream.indirect.gather @p1 [hbm4b:s1+s19], $0x80, s25, s19, $0xb8;
	[tilespmem:$0x12C40] =	vst v63  }
0x8a: {  	s19 =	simm.s32 @!p1 $0xA940  }
0x8b: {  	[spmem:s3] =	stream.indirect.scatter.add.f32 @!p1 [tilespmem:s17], [sflag:$0x4], $0x80, s19, s18, $0xb8;
	[tilespmem:$0x12C40] =	vst v63  }
0x8c: {  	_ =	swait.ge @!p1 [sflag:s21], $0x4000  }
0x8d: {  	[sflag:s21] =	ssyncset.done @!p1 $0x0  }
0x8e: {  	s19 =	simm.s32 @!p1 $0xA240;
	[sflag:s21] =	ssyncadd.s32 @!p1 $0xFFFFC000  }
0x8f: {  	[tilespmem:s17], [sflag:$0x1] =	stream.indirect.gather @!p1 [hbm4b:s1+s18], $0x80, s19, s18, $0xb8;
	[tilespmem:$0x12C40] =	vst v63  }
0x90: {  	_ =	swait.ge @!p1 [sflag:s22], $0x4000  }
0x91: {  	[sflag:s22] =	ssyncset.done @!p1 $0x0  }
0x92: {  	s17 =	simm.s32 @!p1 $0xA9C0;
	[sflag:s22] =	ssyncadd.s32 @!p1 $0xFFFFC000  }
0x93: {  	[spmem:s3] =	stream.indirect.scatter.add.f32 @!p1 [tilespmem:s24], [sflag:$0x3], $0x80, s17, s18, $0xb8;
	[tilespmem:$0x12C40] =	vst v63  }
0x94: {  	_ =	swait.ge [sflag:s20], $0x4000  }
0x95: {  	[sflag:s20] =	ssyncset.done $0x0  }
0x96: {  	s30 =	rddreg [dreg:$0xe];
	[sflag:s20] =	ssyncadd.s32 $0xFFFFC000  }
0x97: {  	[tilespmem:s14], [sflag:$0x2] =	stream.indirect.gather [hbm4b:s1+s13], $0x80, s30, s13, $0xb8;
	[tilespmem:$0x12C40] =	vst v63  }
0x98: {  	p1 =	sgt.u32 s8, $0x136;
	_ =	swait.ge [sflag:s15], $0x4000  }
0x99: {  	s17 =	simm.s32 @p1 $0x80;
	s18 =	simm.s32 @!p1 $0xAC40;
	[sflag:s15] =	ssyncset.done $0x0  }
0x9a: {  	s19 =	simm.s32 @p1 $0xA340;
	s20 =	simm.s32 @p1 $0xAC40;
	[sflag:s15] =	ssyncadd.s32 $0xFFFFC000  }
0x9b: {  	[tilespmem:s20], [sflag:$0x1] =	stream.indirect.gather @p1 [hbm4b:s1+s17], $0x80, s19, s17, $0xb8;
	[tilespmem:$0x12C40] =	vst v63  }
0x9c: {  	s21 =	simm.s32 @!p1 $0x4;
	s17 =	simm.s32 @!p1 $0x80;
	s19 =	simm.s32 @!p1 $0xAA40  }
0x9d: {  	[spmem:s3] =	stream.indirect.scatter.add.f32 @!p1 [tilespmem:s18], [sflag:$0x4], $0x80, s19, s17, $0xb8;
	[tilespmem:$0x12C40] =	vst v63  }
0x9e: {  	_ =	swait.ge @!p1 [sflag:s21], $0x4000  }
0x9f: {  	[sflag:s21] =	ssyncset.done @!p1 $0x0  }
0xa0: {  	s22 =	simm.s32 @!p1 $0x2;
	s19 =	simm.s32 @!p1 $0xA340;
	[sflag:s21] =	ssyncadd.s32 @!p1 $0xFFFFC000  }
0xa1: {  	[tilespmem:s18], [sflag:$0x1] =	stream.indirect.gather @!p1 [hbm4b:s1+s17], $0x80, s19, s17, $0xb8;
	[tilespmem:$0x12C40] =	vst v63  }
0xa2: {  	_ =	swait.ge @!p1 [sflag:s22], $0x4000  }
0xa3: {  	s23 =	simm.s32 @!p1 $0xEC40;
	s20 =	simm.s32 @!p1 $0x3;
	[sflag:s22] =	ssyncset.done @!p1 $0x0  }
0xa4: {  	s20 =	simm.s32 @p1 $0x2;
	s19 =	simm.s32 @!p1 $0xAAC0;
	[sflag:s22] =	ssyncadd.s32 @!p1 $0xFFFFC000  }
0xa5: {  	[spmem:s3] =	stream.indirect.scatter.add.f32 @!p1 [tilespmem:s23], [sflag:$0x3], $0x80, s19, s17, $0xb8;
	[tilespmem:$0x12C40] =	vst v63  }
0xa6: {  	_ =	swait.ge [sflag:s20], $0x4000  }
0xa7: {  	[sflag:s20] =	ssyncset.done $0x0  }
0xa8: {  	s31 =	rddreg [dreg:$0xf];
	[sflag:s20] =	ssyncadd.s32 $0xFFFFC000  }
0xa9: {  	[tilespmem:s14], [sflag:$0x2] =	stream.indirect.gather [hbm4b:s1+s13], $0x80, s31, s13, $0xb8;
	[tilespmem:$0x12C40] =	vst v63  }
0xaa: {  	_ =	swait.ge [sflag:s15], $0x4000  }
0xab: {  	[sflag:s15] =	ssyncset.done $0x0  }
0xac: {  	s19 =	simm.s32 @!p1 $0xAB40;
	[sflag:s15] =	ssyncadd.s32 $0xFFFFC000  }
0xad: {  	[spmem:s3] =	stream.indirect.scatter.add.f32 @!p1 [tilespmem:s18], [sflag:$0x4], $0x80, s19, s17, $0xb8;
	[tilespmem:$0x12C40] =	vst v63  }
0xae: {  	_ =	swait.ge @!p1 [sflag:s21], $0x4000  }
0xaf: {  	[sflag:s21] =	ssyncset.done @!p1 $0x0  }
0xb0: {  	[sflag:s21] =	ssyncadd.s32 @!p1 $0xFFFFC000  }
0xb1: {  	_ =	swait.ge @!p1 [sflag:s22], $0x4000  }
0xb2: {  	[sflag:s22] =	ssyncset.done @!p1 $0x0  }
0xb3: {  	s18 =	simm.s32 @!p1 $0xABC0;
	[sflag:s22] =	ssyncadd.s32 @!p1 $0xFFFFC000  }
0xb4: {  	[spmem:s3] =	stream.indirect.scatter.add.f32 @!p1 [tilespmem:s23], [sflag:$0x3], $0x80, s18, s17, $0xb8;
	[tilespmem:$0x12C40] =	vst v63  }
0xb5: {  	s19 =	simm.s32 $0x200;
	s18 =	simm.s32 $0x100;
	s17 =	smov.u32 s8  }
.LBB2_2:
0xb6: {  	_ =	swait.ge [sflag:s20], $0x4000  }
0xb7: {  	s22 =	rddreg [dreg:$0x5];
	[sflag:s20] =	ssyncset.done $0x0  }
0xb8: {  	[sflag:s20] =	ssyncadd.s32 $0xFFFFC000;
	s25 =	sadd.s32 s18, s22  }
0xb9: {  	[tilespmem:s11], [sflag:$0x3] =	stream.linear.gather [hbm4b:s25+s4], $0x800, $0x38;
	[tilespmem:$0x12C40] =	vst v63  }
0xba: {  	_ =	swait.ge [sflag:s12], $0x800  }
0xbb: {  	[sflag:s12] =	ssyncset.done $0x0;
	s26 =	rddreg [dreg:$0x4]  }
0xbc: {  	s28 =	rddreg [dreg:$0x6];
	[sflag:s12] =	ssyncadd.s32 $0xFFFFF800;
	s20 =	sadd.s32 s18, s26  }
0xbd: {  	[tilespmem:s28], [sflag:$0x3] =	stream.linear.gather [hbm4b:s20+s4], $0x800, $0x38;
	[tilespmem:$0x12C40] =	vst v63  }
0xbe: {  	_ =	swait.ge [sflag:s12], $0x800  }
0xbf: {  	[sflag:s12] =	ssyncset.done $0x0  }
0xc0: {  	s17 =	sadd.s32 $0x2, s17;
	s29 =	rddreg [dreg:$0x7];
	[sflag:s12] =	ssyncadd.s32 $0xFFFFF800  }
0xc1: {  	[tilespmem:s29], [sflag:$0x1] =	stream.indirect.gather [hbm4b:s1+s13], $0x80, s11, s13, $0xb8;
	[tilespmem:$0x12C40] =	vst v63  }
0xc2: {  	p2 =	sgt.u32 s17, $0x138;
	s30 =	rddreg [dreg:$0x8]  }
0xc3: {  	[tilespmem:s14], [sflag:$0x2] =	stream.indirect.gather [hbm4b:s1+s13], $0x80, s30, s13, $0xb8;
	[tilespmem:$0x12C40] =	vst v63  }
0xc4: {  	s21 =	smov.u32 s19;
	s22 =	simm.s32 @p2 $0x80;
	_ =	swait.ge [sflag:s15], $0x4000  }
0xc5: {  	s23 =	simm.s32 @p2 $0x9D40;
	s24 =	simm.s32 @p2 $0xAC40;
	[sflag:s15] =	ssyncset.done $0x0  }
0xc6: {  	s25 =	simm.s32 @!p2 $0xA440;
	s18 =	smov.u32 s21;
	[sflag:s15] =	ssyncadd.s32 $0xFFFFC000  }
0xc7: {  	[tilespmem:s24], [sflag:$0x1] =	stream.indirect.gather @p2 [hbm4b:s1+s22], $0x80, s23, s22, $0xb8;
	[tilespmem:$0x12C40] =	vst v63  }
0xc8: {  	s21 =	simm.s32 @!p2 $0x80;
	s26 =	simm.s32 @!p2 $0x4;
	s23 =	simm.s32 @!p2 $0xAC40  }
0xc9: {  	[spmem:s3] =	stream.indirect.scatter.add.f32 @!p2 [tilespmem:s23], [sflag:$0x4], $0x80, s25, s21, $0xb8;
	[tilespmem:$0x12C40] =	vst v63  }
0xca: {  	_ =	swait.ge @!p2 [sflag:s26], $0x4000  }
0xcb: {  	[sflag:s26] =	ssyncset.done @!p2 $0x0  }
0xcc: {  	s28 =	simm.s32 @!p2 $0x2;
	s25 =	simm.s32 @!p2 $0x9D40;
	[sflag:s26] =	ssyncadd.s32 @!p2 $0xFFFFC000  }
0xcd: {  	[tilespmem:s23], [sflag:$0x1] =	stream.indirect.gather @!p2 [hbm4b:s1+s21], $0x80, s25, s21, $0xb8;
	[tilespmem:$0x12C40] =	vst v63  }
0xce: {  	s20 =	simm.s32 @!p2 $0x3;
	_ =	swait.ge @!p2 [sflag:s28], $0x4000  }
0xcf: {  	s20 =	simm.s32 @p2 $0x2;
	[sflag:s28] =	ssyncset.done @!p2 $0x0  }
0xd0: {  	s29 =	simm.s32 @!p2 $0xEC40;
	s25 =	simm.s32 @!p2 $0xA4C0;
	[sflag:s28] =	ssyncadd.s32 @!p2 $0xFFFFC000  }
0xd1: {  	[spmem:s3] =	stream.indirect.scatter.add.f32 @!p2 [tilespmem:s29], [sflag:$0x3], $0x80, s25, s21, $0xb8;
	[tilespmem:$0x12C40] =	vst v63  }
0xd2: {  	_ =	swait.ge [sflag:s20], $0x4000  }
0xd3: {  	[sflag:s20] =	ssyncset.done $0x0  }
0xd4: {  	s31 =	rddreg [dreg:$0x9];
	[sflag:s20] =	ssyncadd.s32 $0xFFFFC000  }
0xd5: {  	[tilespmem:s14], [sflag:$0x2] =	stream.indirect.gather [hbm4b:s1+s13], $0x80, s31, s13, $0xb8;
	[tilespmem:$0x12C40] =	vst v63  }
0xd6: {  	_ =	swait.ge [sflag:s15], $0x4000  }
0xd7: {  	[sflag:s15] =	ssyncset.done $0x0  }
0xd8: {  	s25 =	simm.s32 @p2 $0x9E40;
	[sflag:s15] =	ssyncadd.s32 $0xFFFFC000  }
0xd9: {  	[tilespmem:s24], [sflag:$0x1] =	stream.indirect.gather @p2 [hbm4b:s1+s22], $0x80, s25, s22, $0xb8;
	[tilespmem:$0x12C40] =	vst v63  }
0xda: {  	s30 =	simm.s32 @!p2 $0xA540  }
0xdb: {  	[spmem:s3] =	stream.indirect.scatter.add.f32 @!p2 [tilespmem:s23], [sflag:$0x4], $0x80, s30, s21, $0xb8;
	[tilespmem:$0x12C40] =	vst v63  }
0xdc: {  	_ =	swait.ge @!p2 [sflag:s26], $0x4000  }
0xdd: {  	[sflag:s26] =	ssyncset.done @!p2 $0x0  }
0xde: {  	s22 =	simm.s32 @!p2 $0x9E40;
	[sflag:s26] =	ssyncadd.s32 @!p2 $0xFFFFC000  }
0xdf: {  	[tilespmem:s23], [sflag:$0x1] =	stream.indirect.gather @!p2 [hbm4b:s1+s21], $0x80, s22, s21, $0xb8;
	[tilespmem:$0x12C40] =	vst v63  }
0xe0: {  	_ =	swait.ge @!p2 [sflag:s28], $0x4000  }
0xe1: {  	[sflag:s28] =	ssyncset.done @!p2 $0x0  }
0xe2: {  	s22 =	simm.s32 @!p2 $0xA5C0;
	[sflag:s28] =	ssyncadd.s32 @!p2 $0xFFFFC000  }
0xe3: {  	[spmem:s3] =	stream.indirect.scatter.add.f32 @!p2 [tilespmem:s29], [sflag:$0x3], $0x80, s22, s21, $0xb8;
	[tilespmem:$0x12C40] =	vst v63  }
0xe4: {  	_ =	swait.ge [sflag:s20], $0x4000  }
0xe5: {  	[sflag:s20] =	ssyncset.done $0x0  }
0xe6: {  	s30 =	rddreg [dreg:$0xa];
	[sflag:s20] =	ssyncadd.s32 $0xFFFFC000  }
0xe7: {  	[tilespmem:s14], [sflag:$0x2] =	stream.indirect.gather [hbm4b:s1+s13], $0x80, s30, s13, $0xb8;
	[tilespmem:$0x12C40] =	vst v63  }
0xe8: {  	p2 =	sgt.u32 s17, $0x137;
	_ =	swait.ge [sflag:s15], $0x4000  }
0xe9: {  	s23 =	simm.s32 @p2 $0x80;
	s22 =	simm.s32 @!p2 $0xAC40;
	[sflag:s15] =	ssyncset.done $0x0  }
0xea: {  	s26 =	simm.s32 @p2 $0xAC40;
	s20 =	simm.s32 @p2 $0x9F40;
	[sflag:s15] =	ssyncadd.s32 $0xFFFFC000  }
0xeb: {  	[tilespmem:s26], [sflag:$0x1] =	stream.indirect.gather @p2 [hbm4b:s1+s23], $0x80, s20, s23, $0xb8;
	[tilespmem:$0x12C40] =	vst v63  }
0xec: {  	s21 =	simm.s32 @!p2 $0x80;
	s24 =	simm.s32 @!p2 $0x4;
	s20 =	simm.s32 @!p2 $0xA640  }
0xed: {  	[spmem:s3] =	stream.indirect.scatter.add.f32 @!p2 [tilespmem:s22], [sflag:$0x4], $0x80, s20, s21, $0xb8;
	[tilespmem:$0x12C40] =	vst v63  }
0xee: {  	_ =	swait.ge @!p2 [sflag:s24], $0x4000  }
0xef: {  	[sflag:s24] =	ssyncset.done @!p2 $0x0  }
0xf0: {  	s28 =	simm.s32 @!p2 $0x9F40;
	s25 =	simm.s32 @!p2 $0x2;
	[sflag:s24] =	ssyncadd.s32 @!p2 $0xFFFFC000  }
0xf1: {  	[tilespmem:s22], [sflag:$0x1] =	stream.indirect.gather @!p2 [hbm4b:s1+s21], $0x80, s28, s21, $0xb8;
	[tilespmem:$0x12C40] =	vst v63  }
0xf2: {  	_ =	swait.ge @!p2 [sflag:s25], $0x4000  }
0xf3: {  	s29 =	simm.s32 @!p2 $0xA6C0;
	s20 =	simm.s32 @!p2 $0x3;
	[sflag:s25] =	ssyncset.done @!p2 $0x0  }
0xf4: {  	s20 =	simm.s32 @p2 $0x2;
	s28 =	simm.s32 @!p2 $0xEC40;
	[sflag:s25] =	ssyncadd.s32 @!p2 $0xFFFFC000  }
0xf5: {  	[spmem:s3] =	stream.indirect.scatter.add.f32 @!p2 [tilespmem:s28], [sflag:$0x3], $0x80, s29, s21, $0xb8;
	[tilespmem:$0x12C40] =	vst v63  }
0xf6: {  	_ =	swait.ge [sflag:s20], $0x4000  }
0xf7: {  	[sflag:s20] =	ssyncset.done $0x0  }
0xf8: {  	s31 =	rddreg [dreg:$0xb];
	[sflag:s20] =	ssyncadd.s32 $0xFFFFC000  }
0xf9: {  	[tilespmem:s14], [sflag:$0x2] =	stream.indirect.gather [hbm4b:s1+s13], $0x80, s31, s13, $0xb8;
	[tilespmem:$0x12C40] =	vst v63  }
0xfa: {  	_ =	swait.ge [sflag:s15], $0x4000  }
0xfb: {  	[sflag:s15] =	ssyncset.done $0x0  }
0xfc: {  	s29 =	simm.s32 @p2 $0xA040;
	[sflag:s15] =	ssyncadd.s32 $0xFFFFC000  }
0xfd: {  	[tilespmem:s26], [sflag:$0x1] =	stream.indirect.gather @p2 [hbm4b:s1+s23], $0x80, s29, s23, $0xb8;
	[tilespmem:$0x12C40] =	vst v63  }
0xfe: {  	s30 =	simm.s32 @!p2 $0xA740  }
0xff: {  	[spmem:s3] =	stream.indirect.scatter.add.f32 @!p2 [tilespmem:s22], [sflag:$0x4], $0x80, s30, s21, $0xb8;
	[tilespmem:$0x12C40] =	vst v63  }
0x100: {  	_ =	swait.ge @!p2 [sflag:s24], $0x4000  }
0x101: {  	[sflag:s24] =	ssyncset.done @!p2 $0x0  }
0x102: {  	s29 =	simm.s32 @!p2 $0xA040;
	[sflag:s24] =	ssyncadd.s32 @!p2 $0xFFFFC000  }
0x103: {  	[tilespmem:s22], [sflag:$0x1] =	stream.indirect.gather @!p2 [hbm4b:s1+s21], $0x80, s29, s21, $0xb8;
	[tilespmem:$0x12C40] =	vst v63  }
0x104: {  	_ =	swait.ge @!p2 [sflag:s25], $0x4000  }
0x105: {  	[sflag:s25] =	ssyncset.done @!p2 $0x0  }
0x106: {  	s29 =	simm.s32 @!p2 $0xA7C0;
	[sflag:s25] =	ssyncadd.s32 @!p2 $0xFFFFC000  }
0x107: {  	[spmem:s3] =	stream.indirect.scatter.add.f32 @!p2 [tilespmem:s28], [sflag:$0x3], $0x80, s29, s21, $0xb8;
	[tilespmem:$0x12C40] =	vst v63  }
0x108: {  	_ =	swait.ge [sflag:s20], $0x4000  }
0x109: {  	[sflag:s20] =	ssyncset.done $0x0  }
0x10a: {  	s30 =	rddreg [dreg:$0xc];
	[sflag:s20] =	ssyncadd.s32 $0xFFFFC000  }
0x10b: {  	[tilespmem:s14], [sflag:$0x2] =	stream.indirect.gather [hbm4b:s1+s13], $0x80, s30, s13, $0xb8;
	[tilespmem:$0x12C40] =	vst v63  }
0x10c: {  	_ =	swait.ge [sflag:s15], $0x4000  }
0x10d: {  	[sflag:s15] =	ssyncset.done $0x0  }
0x10e: {  	s29 =	simm.s32 @p2 $0xA140;
	[sflag:s15] =	ssyncadd.s32 $0xFFFFC000  }
0x10f: {  	[tilespmem:s26], [sflag:$0x1] =	stream.indirect.gather @p2 [hbm4b:s1+s23], $0x80, s29, s23, $0xb8;
	[tilespmem:$0x12C40] =	vst v63  }
0x110: {  	s30 =	simm.s32 @!p2 $0xA840  }
0x111: {  	[spmem:s3] =	stream.indirect.scatter.add.f32 @!p2 [tilespmem:s22], [sflag:$0x4], $0x80, s30, s21, $0xb8;
	[tilespmem:$0x12C40] =	vst v63  }
0x112: {  	_ =	swait.ge @!p2 [sflag:s24], $0x4000  }
0x113: {  	[sflag:s24] =	ssyncset.done @!p2 $0x0  }
0x114: {  	s29 =	simm.s32 @!p2 $0xA140;
	[sflag:s24] =	ssyncadd.s32 @!p2 $0xFFFFC000  }
0x115: {  	[tilespmem:s22], [sflag:$0x1] =	stream.indirect.gather @!p2 [hbm4b:s1+s21], $0x80, s29, s21, $0xb8;
	[tilespmem:$0x12C40] =	vst v63  }
0x116: {  	_ =	swait.ge @!p2 [sflag:s25], $0x4000  }
0x117: {  	[sflag:s25] =	ssyncset.done @!p2 $0x0  }
0x118: {  	s29 =	simm.s32 @!p2 $0xA8C0;
	[sflag:s25] =	ssyncadd.s32 @!p2 $0xFFFFC000  }
0x119: {  	[spmem:s3] =	stream.indirect.scatter.add.f32 @!p2 [tilespmem:s28], [sflag:$0x3], $0x80, s29, s21, $0xb8;
	[tilespmem:$0x12C40] =	vst v63  }
0x11a: {  	_ =	swait.ge [sflag:s20], $0x4000  }
0x11b: {  	[sflag:s20] =	ssyncset.done $0x0  }
0x11c: {  	s31 =	rddreg [dreg:$0xd];
	[sflag:s20] =	ssyncadd.s32 $0xFFFFC000  }
0x11d: {  	[tilespmem:s14], [sflag:$0x2] =	stream.indirect.gather [hbm4b:s1+s13], $0x80, s31, s13, $0xb8;
	[tilespmem:$0x12C40] =	vst v63  }
0x11e: {  	_ =	swait.ge [sflag:s15], $0x4000  }
0x11f: {  	[sflag:s15] =	ssyncset.done $0x0  }
0x120: {  	s29 =	simm.s32 @p2 $0xA240;
	[sflag:s15] =	ssyncadd.s32 $0xFFFFC000  }
0x121: {  	[tilespmem:s26], [sflag:$0x1] =	stream.indirect.gather @p2 [hbm4b:s1+s23], $0x80, s29, s23, $0xb8;
	[tilespmem:$0x12C40] =	vst v63  }
0x122: {  	s30 =	simm.s32 @!p2 $0xA940  }
0x123: {  	[spmem:s3] =	stream.indirect.scatter.add.f32 @!p2 [tilespmem:s22], [sflag:$0x4], $0x80, s30, s21, $0xb8;
	[tilespmem:$0x12C40] =	vst v63  }
0x124: {  	_ =	swait.ge @!p2 [sflag:s24], $0x4000  }
0x125: {  	[sflag:s24] =	ssyncset.done @!p2 $0x0  }
0x126: {  	s23 =	simm.s32 @!p2 $0xA240;
	[sflag:s24] =	ssyncadd.s32 @!p2 $0xFFFFC000  }
0x127: {  	[tilespmem:s22], [sflag:$0x1] =	stream.indirect.gather @!p2 [hbm4b:s1+s21], $0x80, s23, s21, $0xb8;
	[tilespmem:$0x12C40] =	vst v63  }
0x128: {  	_ =	swait.ge @!p2 [sflag:s25], $0x4000  }
0x129: {  	[sflag:s25] =	ssyncset.done @!p2 $0x0  }
0x12a: {  	s22 =	simm.s32 @!p2 $0xA9C0;
	[sflag:s25] =	ssyncadd.s32 @!p2 $0xFFFFC000  }
0x12b: {  	[spmem:s3] =	stream.indirect.scatter.add.f32 @!p2 [tilespmem:s28], [sflag:$0x3], $0x80, s22, s21, $0xb8;
	[tilespmem:$0x12C40] =	vst v63  }
0x12c: {  	_ =	swait.ge [sflag:s20], $0x4000  }
0x12d: {  	[sflag:s20] =	ssyncset.done $0x0  }
0x12e: {  	s30 =	rddreg [dreg:$0xe];
	[sflag:s20] =	ssyncadd.s32 $0xFFFFC000  }
0x12f: {  	[tilespmem:s14], [sflag:$0x2] =	stream.indirect.gather [hbm4b:s1+s13], $0x80, s30, s13, $0xb8;
	[tilespmem:$0x12C40] =	vst v63  }
0x130: {  	p2 =	sgt.u32 s17, $0x136;
	_ =	swait.ge [sflag:s15], $0x4000  }
0x131: {  	s21 =	simm.s32 @!p2 $0xAC40;
	s22 =	simm.s32 @p2 $0xA340;
	[sflag:s15] =	ssyncset.done $0x0  }
0x132: {  	s23 =	simm.s32 @p2 $0xAC40;
	s20 =	simm.s32 @p2 $0x80;
	[sflag:s15] =	ssyncadd.s32 $0xFFFFC000  }
0x133: {  	[tilespmem:s23], [sflag:$0x1] =	stream.indirect.gather @p2 [hbm4b:s1+s20], $0x80, s22, s20, $0xb8;
	[tilespmem:$0x12C40] =	vst v63  }
0x134: {  	s22 =	simm.s32 @!p2 $0x80;
	s20 =	simm.s32 @!p2 $0xAA40;
	s23 =	simm.s32 @!p2 $0x4  }
0x135: {  	[spmem:s3] =	stream.indirect.scatter.add.f32 @!p2 [tilespmem:s21], [sflag:$0x4], $0x80, s20, s22, $0xb8;
	[tilespmem:$0x12C40] =	vst v63  }
0x136: {  	_ =	swait.ge @!p2 [sflag:s23], $0x4000  }
0x137: {  	[sflag:s23] =	ssyncset.done @!p2 $0x0  }
0x138: {  	s24 =	simm.s32 @!p2 $0xA340;
	s25 =	simm.s32 @!p2 $0x2;
	[sflag:s23] =	ssyncadd.s32 @!p2 $0xFFFFC000  }
0x139: {  	[tilespmem:s21], [sflag:$0x1] =	stream.indirect.gather @!p2 [hbm4b:s1+s22], $0x80, s24, s22, $0xb8;
	[tilespmem:$0x12C40] =	vst v63  }
0x13a: {  	_ =	swait.ge @!p2 [sflag:s25], $0x4000  }
0x13b: {  	s26 =	simm.s32 @!p2 $0xEC40;
	s20 =	simm.s32 @!p2 $0x3;
	[sflag:s25] =	ssyncset.done @!p2 $0x0  }
0x13c: {  	s20 =	simm.s32 @p2 $0x2;
	s24 =	simm.s32 @!p2 $0xAAC0;
	[sflag:s25] =	ssyncadd.s32 @!p2 $0xFFFFC000  }
0x13d: {  	[spmem:s3] =	stream.indirect.scatter.add.f32 @!p2 [tilespmem:s26], [sflag:$0x3], $0x80, s24, s22, $0xb8;
	[tilespmem:$0x12C40] =	vst v63  }
0x13e: {  	_ =	swait.ge [sflag:s20], $0x4000  }
0x13f: {  	[sflag:s20] =	ssyncset.done $0x0  }
0x140: {  	s31 =	rddreg [dreg:$0xf];
	[sflag:s20] =	ssyncadd.s32 $0xFFFFC000  }
0x141: {  	[tilespmem:s14], [sflag:$0x2] =	stream.indirect.gather [hbm4b:s1+s13], $0x80, s31, s13, $0xb8;
	[tilespmem:$0x12C40] =	vst v63  }
0x142: {  	_ =	swait.ge [sflag:s15], $0x4000  }
0x143: {  	[sflag:s15] =	ssyncset.done $0x0  }
0x144: {  	s24 =	simm.s32 @!p2 $0xAB40;
	[sflag:s15] =	ssyncadd.s32 $0xFFFFC000  }
0x145: {  	[spmem:s3] =	stream.indirect.scatter.add.f32 @!p2 [tilespmem:s21], [sflag:$0x4], $0x80, s24, s22, $0xb8;
	[tilespmem:$0x12C40] =	vst v63  }
0x146: {  	s19 =	sadd.s32 $0x100, s19;
	_ =	swait.ge @!p2 [sflag:s23], $0x4000  }
0x147: {  	p1 =	sne.s32 s19, $0x500;
	[sflag:s23] =	ssyncset.done @!p2 $0x0  }
.Ltmp0:
0x148: {  	[sflag:s23] =	ssyncadd.s32 @!p2 $0xFFFFC000;
	(pc) =	sbr.rel @p1 .LBB2_2-.Ltmp0, $4  }
0x149: {  	_ =	swait.ge @!p2 [sflag:s25], $0x4000  }
0x14a: {  	[sflag:s25] =	ssyncset.done @!p2 $0x0  }
0x14b: {  	s21 =	simm.s32 @!p2 $0xABC0;
	[sflag:s25] =	ssyncadd.s32 @!p2 $0xFFFFC000  }
0x14c: {  	[spmem:s3] =	stream.indirect.scatter.add.f32 @!p2 [tilespmem:s26], [sflag:$0x3], $0x80, s21, s22, $0xb8;
	[tilespmem:$0x12C40] =	vst v63  }
0x14d: {  	_ =	swait.ge [sflag:s20], $0x4000  }
0x14e: {  	s19 =	rddreg [dreg:$0x5];
	[sflag:s20] =	ssyncset.done $0x0  }
0x14f: {  	[sflag:s20] =	ssyncadd.s32 $0xFFFFC000;
	s19 =	sadd.s32 s18, s19  }
0x150: {  	[tilespmem:s11], [sflag:$0x3] =	stream.linear.gather [hbm4b:s19+s4], $0x800, $0x38;
	[tilespmem:$0x12C40] =	vst v63  }
0x151: {  	_ =	swait.ge [sflag:s12], $0x800  }
0x152: {  	s23 =	rddreg [dreg:$0x4];
	[sflag:s12] =	ssyncset.done $0x0  }
0x153: {  	s24 =	rddreg [dreg:$0x6];
	[sflag:s12] =	ssyncadd.s32 $0xFFFFF800;
	s25 =	sadd.s32 s18, s23  }
0x154: {  	[tilespmem:s24], [sflag:$0x3] =	stream.linear.gather [hbm4b:s25+s4], $0x800, $0x38;
	[tilespmem:$0x12C40] =	vst v63  }
0x155: {  	_ =	swait.ge [sflag:s12], $0x800  }
0x156: {  	[sflag:s12] =	ssyncset.done $0x0  }
0x157: {  	s26 =	rddreg [dreg:$0x7];
	[sflag:s12] =	ssyncadd.s32 $0xFFFFF800  }
0x158: {  	[tilespmem:s26], [sflag:$0x1] =	stream.indirect.gather [hbm4b:s1+s13], $0x80, s11, s13, $0xb8;
	[tilespmem:$0x12C40] =	vst v63  }
0x159: {  	s17 =	sadd.s32 $0x2, s17;
	s28 =	rddreg [dreg:$0x8]  }
0x15a: {  	[tilespmem:s14], [sflag:$0x2] =	stream.indirect.gather [hbm4b:s1+s13], $0x80, s28, s13, $0xb8;
	[tilespmem:$0x12C40] =	vst v63  }
0x15b: {  	p1 =	sgt.u32 s17, $0x138;
	_ =	swait.ge [sflag:s15], $0x4000  }
0x15c: {  	s20 =	simm.s32 @p1 $0xAC40;
	s21 =	simm.s32 @!p1 $0x80;
	[sflag:s15] =	ssyncset.done $0x0  }
0x15d: {  	s19 =	simm.s32 @p1 $0x9D40;
	s18 =	simm.s32 @p1 $0x80;
	[sflag:s15] =	ssyncadd.s32 $0xFFFFC000  }
0x15e: {  	[tilespmem:s20], [sflag:$0x1] =	stream.indirect.gather @p1 [hbm4b:s1+s18], $0x80, s19, s18, $0xb8;
	[tilespmem:$0x12C40] =	vst v63  }
0x15f: {  	s22 =	simm.s32 @!p1 $0xAC40;
	s23 =	simm.s32 @!p1 $0x4;
	s19 =	simm.s32 @!p1 $0xA440  }
0x160: {  	[spmem:s3] =	stream.indirect.scatter.add.f32 @!p1 [tilespmem:s22], [sflag:$0x4], $0x80, s19, s21, $0xb8;
	[tilespmem:$0x12C40] =	vst v63  }
0x161: {  	_ =	swait.ge @!p1 [sflag:s23], $0x4000  }
0x162: {  	[sflag:s23] =	ssyncset.done @!p1 $0x0  }
0x163: {  	s24 =	simm.s32 @!p1 $0x2;
	s19 =	simm.s32 @!p1 $0x9D40;
	[sflag:s23] =	ssyncadd.s32 @!p1 $0xFFFFC000  }
0x164: {  	[tilespmem:s22], [sflag:$0x1] =	stream.indirect.gather @!p1 [hbm4b:s1+s21], $0x80, s19, s21, $0xb8;
	[tilespmem:$0x12C40] =	vst v63  }
0x165: {  	_ =	swait.ge @!p1 [sflag:s24], $0x4000  }
0x166: {  	s25 =	simm.s32 @!p1 $0xA4C0;
	s19 =	simm.s32 @!p1 $0x3;
	[sflag:s24] =	ssyncset.done @!p1 $0x0  }
0x167: {  	s26 =	simm.s32 @!p1 $0xEC40;
	s19 =	simm.s32 @p1 $0x2;
	[sflag:s24] =	ssyncadd.s32 @!p1 $0xFFFFC000  }
0x168: {  	[spmem:s3] =	stream.indirect.scatter.add.f32 @!p1 [tilespmem:s26], [sflag:$0x3], $0x80, s25, s21, $0xb8;
	[tilespmem:$0x12C40] =	vst v63  }
0x169: {  	_ =	swait.ge [sflag:s19], $0x4000  }
0x16a: {  	[sflag:s19] =	ssyncset.done $0x0  }
0x16b: {  	s29 =	rddreg [dreg:$0x9];
	[sflag:s19] =	ssyncadd.s32 $0xFFFFC000  }
0x16c: {  	[tilespmem:s14], [sflag:$0x2] =	stream.indirect.gather [hbm4b:s1+s13], $0x80, s29, s13, $0xb8;
	[tilespmem:$0x12C40] =	vst v63  }
0x16d: {  	_ =	swait.ge [sflag:s15], $0x4000  }
0x16e: {  	[sflag:s15] =	ssyncset.done $0x0  }
0x16f: {  	s25 =	simm.s32 @p1 $0x9E40;
	[sflag:s15] =	ssyncadd.s32 $0xFFFFC000  }
0x170: {  	[tilespmem:s20], [sflag:$0x1] =	stream.indirect.gather @p1 [hbm4b:s1+s18], $0x80, s25, s18, $0xb8;
	[tilespmem:$0x12C40] =	vst v63  }
0x171: {  	s18 =	simm.s32 @!p1 $0xA540  }
0x172: {  	[spmem:s3] =	stream.indirect.scatter.add.f32 @!p1 [tilespmem:s22], [sflag:$0x4], $0x80, s18, s21, $0xb8;
	[tilespmem:$0x12C40] =	vst v63  }
0x173: {  	_ =	swait.ge @!p1 [sflag:s23], $0x4000  }
0x174: {  	[sflag:s23] =	ssyncset.done @!p1 $0x0  }
0x175: {  	s18 =	simm.s32 @!p1 $0x9E40;
	[sflag:s23] =	ssyncadd.s32 @!p1 $0xFFFFC000  }
0x176: {  	[tilespmem:s22], [sflag:$0x1] =	stream.indirect.gather @!p1 [hbm4b:s1+s21], $0x80, s18, s21, $0xb8;
	[tilespmem:$0x12C40] =	vst v63  }
0x177: {  	_ =	swait.ge @!p1 [sflag:s24], $0x4000  }
0x178: {  	[sflag:s24] =	ssyncset.done @!p1 $0x0  }
0x179: {  	s18 =	simm.s32 @!p1 $0xA5C0;
	[sflag:s24] =	ssyncadd.s32 @!p1 $0xFFFFC000  }
0x17a: {  	[spmem:s3] =	stream.indirect.scatter.add.f32 @!p1 [tilespmem:s26], [sflag:$0x3], $0x80, s18, s21, $0xb8;
	[tilespmem:$0x12C40] =	vst v63  }
0x17b: {  	_ =	swait.ge [sflag:s19], $0x4000  }
0x17c: {  	[sflag:s19] =	ssyncset.done $0x0  }
0x17d: {  	s30 =	rddreg [dreg:$0xa];
	[sflag:s19] =	ssyncadd.s32 $0xFFFFC000  }
0x17e: {  	[tilespmem:s14], [sflag:$0x2] =	stream.indirect.gather [hbm4b:s1+s13], $0x80, s30, s13, $0xb8;
	[tilespmem:$0x12C40] =	vst v63  }
0x17f: {  	p1 =	sgt.u32 s17, $0x137;
	_ =	swait.ge [sflag:s15], $0x4000  }
0x180: {  	s20 =	simm.s32 @p1 $0x80;
	s18 =	simm.s32 @!p1 $0xAC40;
	[sflag:s15] =	ssyncset.done $0x0  }
0x181: {  	s24 =	simm.s32 @p1 $0xAC40;
	s19 =	simm.s32 @p1 $0x9F40;
	[sflag:s15] =	ssyncadd.s32 $0xFFFFC000  }
0x182: {  	[tilespmem:s24], [sflag:$0x1] =	stream.indirect.gather @p1 [hbm4b:s1+s20], $0x80, s19, s20, $0xb8;
	[tilespmem:$0x12C40] =	vst v63  }
0x183: {  	s21 =	simm.s32 @!p1 $0xA640;
	s22 =	simm.s32 @!p1 $0x4;
	s19 =	simm.s32 @!p1 $0x80  }
0x184: {  	[spmem:s3] =	stream.indirect.scatter.add.f32 @!p1 [tilespmem:s18], [sflag:$0x4], $0x80, s21, s19, $0xb8;
	[tilespmem:$0x12C40] =	vst v63  }
0x185: {  	_ =	swait.ge @!p1 [sflag:s22], $0x4000  }
0x186: {  	[sflag:s22] =	ssyncset.done @!p1 $0x0  }
0x187: {  	s23 =	simm.s32 @!p1 $0x2;
	s21 =	simm.s32 @!p1 $0x9F40;
	[sflag:s22] =	ssyncadd.s32 @!p1 $0xFFFFC000  }
0x188: {  	[tilespmem:s18], [sflag:$0x1] =	stream.indirect.gather @!p1 [hbm4b:s1+s19], $0x80, s21, s19, $0xb8;
	[tilespmem:$0x12C40] =	vst v63  }
0x189: {  	_ =	swait.ge @!p1 [sflag:s23], $0x4000  }
0x18a: {  	s26 =	simm.s32 @!p1 $0xA6C0;
	s21 =	simm.s32 @!p1 $0x3;
	[sflag:s23] =	ssyncset.done @!p1 $0x0  }
0x18b: {  	s25 =	simm.s32 @!p1 $0xEC40;
	s21 =	simm.s32 @p1 $0x2;
	[sflag:s23] =	ssyncadd.s32 @!p1 $0xFFFFC000  }
0x18c: {  	[spmem:s3] =	stream.indirect.scatter.add.f32 @!p1 [tilespmem:s25], [sflag:$0x3], $0x80, s26, s19, $0xb8;
	[tilespmem:$0x12C40] =	vst v63  }
0x18d: {  	_ =	swait.ge [sflag:s21], $0x4000  }
0x18e: {  	[sflag:s21] =	ssyncset.done $0x0  }
0x18f: {  	s31 =	rddreg [dreg:$0xb];
	[sflag:s21] =	ssyncadd.s32 $0xFFFFC000  }
0x190: {  	[tilespmem:s14], [sflag:$0x2] =	stream.indirect.gather [hbm4b:s1+s13], $0x80, s31, s13, $0xb8;
	[tilespmem:$0x12C40] =	vst v63  }
0x191: {  	_ =	swait.ge [sflag:s15], $0x4000  }
0x192: {  	[sflag:s15] =	ssyncset.done $0x0  }
0x193: {  	s26 =	simm.s32 @p1 $0xA040;
	[sflag:s15] =	ssyncadd.s32 $0xFFFFC000  }
0x194: {  	[tilespmem:s24], [sflag:$0x1] =	stream.indirect.gather @p1 [hbm4b:s1+s20], $0x80, s26, s20, $0xb8;
	[tilespmem:$0x12C40] =	vst v63  }
0x195: {  	s26 =	simm.s32 @!p1 $0xA740  }
0x196: {  	[spmem:s3] =	stream.indirect.scatter.add.f32 @!p1 [tilespmem:s18], [sflag:$0x4], $0x80, s26, s19, $0xb8;
	[tilespmem:$0x12C40] =	vst v63  }
0x197: {  	_ =	swait.ge @!p1 [sflag:s22], $0x4000  }
0x198: {  	[sflag:s22] =	ssyncset.done @!p1 $0x0  }
0x199: {  	s26 =	simm.s32 @!p1 $0xA040;
	[sflag:s22] =	ssyncadd.s32 @!p1 $0xFFFFC000  }
0x19a: {  	[tilespmem:s18], [sflag:$0x1] =	stream.indirect.gather @!p1 [hbm4b:s1+s19], $0x80, s26, s19, $0xb8;
	[tilespmem:$0x12C40] =	vst v63  }
0x19b: {  	_ =	swait.ge @!p1 [sflag:s23], $0x4000  }
0x19c: {  	[sflag:s23] =	ssyncset.done @!p1 $0x0  }
0x19d: {  	s26 =	simm.s32 @!p1 $0xA7C0;
	[sflag:s23] =	ssyncadd.s32 @!p1 $0xFFFFC000  }
0x19e: {  	[spmem:s3] =	stream.indirect.scatter.add.f32 @!p1 [tilespmem:s25], [sflag:$0x3], $0x80, s26, s19, $0xb8;
	[tilespmem:$0x12C40] =	vst v63  }
0x19f: {  	_ =	swait.ge [sflag:s21], $0x4000  }
0x1a0: {  	[sflag:s21] =	ssyncset.done $0x0  }
0x1a1: {  	s28 =	rddreg [dreg:$0xc];
	[sflag:s21] =	ssyncadd.s32 $0xFFFFC000  }
0x1a2: {  	[tilespmem:s14], [sflag:$0x2] =	stream.indirect.gather [hbm4b:s1+s13], $0x80, s28, s13, $0xb8;
	[tilespmem:$0x12C40] =	vst v63  }
0x1a3: {  	_ =	swait.ge [sflag:s15], $0x4000  }
0x1a4: {  	[sflag:s15] =	ssyncset.done $0x0  }
0x1a5: {  	s26 =	simm.s32 @p1 $0xA140;
	[sflag:s15] =	ssyncadd.s32 $0xFFFFC000  }
0x1a6: {  	[tilespmem:s24], [sflag:$0x1] =	stream.indirect.gather @p1 [hbm4b:s1+s20], $0x80, s26, s20, $0xb8;
	[tilespmem:$0x12C40] =	vst v63  }
0x1a7: {  	s26 =	simm.s32 @!p1 $0xA840  }
0x1a8: {  	[spmem:s3] =	stream.indirect.scatter.add.f32 @!p1 [tilespmem:s18], [sflag:$0x4], $0x80, s26, s19, $0xb8;
	[tilespmem:$0x12C40] =	vst v63  }
0x1a9: {  	_ =	swait.ge @!p1 [sflag:s22], $0x4000  }
0x1aa: {  	[sflag:s22] =	ssyncset.done @!p1 $0x0  }
0x1ab: {  	s26 =	simm.s32 @!p1 $0xA140;
	[sflag:s22] =	ssyncadd.s32 @!p1 $0xFFFFC000  }
0x1ac: {  	[tilespmem:s18], [sflag:$0x1] =	stream.indirect.gather @!p1 [hbm4b:s1+s19], $0x80, s26, s19, $0xb8;
	[tilespmem:$0x12C40] =	vst v63  }
0x1ad: {  	_ =	swait.ge @!p1 [sflag:s23], $0x4000  }
0x1ae: {  	[sflag:s23] =	ssyncset.done @!p1 $0x0  }
0x1af: {  	s26 =	simm.s32 @!p1 $0xA8C0;
	[sflag:s23] =	ssyncadd.s32 @!p1 $0xFFFFC000  }
0x1b0: {  	[spmem:s3] =	stream.indirect.scatter.add.f32 @!p1 [tilespmem:s25], [sflag:$0x3], $0x80, s26, s19, $0xb8;
	[tilespmem:$0x12C40] =	vst v63  }
0x1b1: {  	_ =	swait.ge [sflag:s21], $0x4000  }
0x1b2: {  	[sflag:s21] =	ssyncset.done $0x0  }
0x1b3: {  	s29 =	rddreg [dreg:$0xd];
	[sflag:s21] =	ssyncadd.s32 $0xFFFFC000  }
0x1b4: {  	[tilespmem:s14], [sflag:$0x2] =	stream.indirect.gather [hbm4b:s1+s13], $0x80, s29, s13, $0xb8;
	[tilespmem:$0x12C40] =	vst v63  }
0x1b5: {  	_ =	swait.ge [sflag:s15], $0x4000  }
0x1b6: {  	[sflag:s15] =	ssyncset.done $0x0  }
0x1b7: {  	s26 =	simm.s32 @p1 $0xA240;
	[sflag:s15] =	ssyncadd.s32 $0xFFFFC000  }
0x1b8: {  	[tilespmem:s24], [sflag:$0x1] =	stream.indirect.gather @p1 [hbm4b:s1+s20], $0x80, s26, s20, $0xb8;
	[tilespmem:$0x12C40] =	vst v63  }
0x1b9: {  	s20 =	simm.s32 @!p1 $0xA940  }
0x1ba: {  	[spmem:s3] =	stream.indirect.scatter.add.f32 @!p1 [tilespmem:s18], [sflag:$0x4], $0x80, s20, s19, $0xb8;
	[tilespmem:$0x12C40] =	vst v63  }
0x1bb: {  	_ =	swait.ge @!p1 [sflag:s22], $0x4000  }
0x1bc: {  	[sflag:s22] =	ssyncset.done @!p1 $0x0  }
0x1bd: {  	s20 =	simm.s32 @!p1 $0xA240;
	[sflag:s22] =	ssyncadd.s32 @!p1 $0xFFFFC000  }
0x1be: {  	[tilespmem:s18], [sflag:$0x1] =	stream.indirect.gather @!p1 [hbm4b:s1+s19], $0x80, s20, s19, $0xb8;
	[tilespmem:$0x12C40] =	vst v63  }
0x1bf: {  	_ =	swait.ge @!p1 [sflag:s23], $0x4000  }
0x1c0: {  	[sflag:s23] =	ssyncset.done @!p1 $0x0  }
0x1c1: {  	s18 =	simm.s32 @!p1 $0xA9C0;
	[sflag:s23] =	ssyncadd.s32 @!p1 $0xFFFFC000  }
0x1c2: {  	[spmem:s3] =	stream.indirect.scatter.add.f32 @!p1 [tilespmem:s25], [sflag:$0x3], $0x80, s18, s19, $0xb8;
	[tilespmem:$0x12C40] =	vst v63  }
0x1c3: {  	_ =	swait.ge [sflag:s21], $0x4000  }
0x1c4: {  	[sflag:s21] =	ssyncset.done $0x0  }
0x1c5: {  	s30 =	rddreg [dreg:$0xe];
	[sflag:s21] =	ssyncadd.s32 $0xFFFFC000  }
0x1c6: {  	[tilespmem:s14], [sflag:$0x2] =	stream.indirect.gather [hbm4b:s1+s13], $0x80, s30, s13, $0xb8;
	[tilespmem:$0x12C40] =	vst v63  }
0x1c7: {  	p1 =	sgt.u32 s17, $0x136;
	_ =	swait.ge [sflag:s15], $0x4000  }
0x1c8: {  	s17 =	simm.s32 @p1 $0x80;
	s18 =	simm.s32 @!p1 $0xAC40;
	[sflag:s15] =	ssyncset.done $0x0  }
0x1c9: {  	s19 =	simm.s32 @p1 $0xA340;
	s20 =	simm.s32 @p1 $0xAC40;
	[sflag:s15] =	ssyncadd.s32 $0xFFFFC000  }
0x1ca: {  	[tilespmem:s20], [sflag:$0x1] =	stream.indirect.gather @p1 [hbm4b:s1+s17], $0x80, s19, s17, $0xb8;
	[tilespmem:$0x12C40] =	vst v63  }
0x1cb: {  	s17 =	simm.s32 @!p1 $0x80;
	s19 =	simm.s32 @!p1 $0xAA40;
	s20 =	simm.s32 @!p1 $0x4  }
0x1cc: {  	[spmem:s3] =	stream.indirect.scatter.add.f32 @!p1 [tilespmem:s18], [sflag:$0x4], $0x80, s19, s17, $0xb8;
	[tilespmem:$0x12C40] =	vst v63  }
0x1cd: {  	_ =	swait.ge @!p1 [sflag:s20], $0x4000  }
0x1ce: {  	[sflag:s20] =	ssyncset.done @!p1 $0x0  }
0x1cf: {  	s21 =	simm.s32 @!p1 $0x2;
	s19 =	simm.s32 @!p1 $0xA340;
	[sflag:s20] =	ssyncadd.s32 @!p1 $0xFFFFC000  }
0x1d0: {  	[tilespmem:s18], [sflag:$0x1] =	stream.indirect.gather @!p1 [hbm4b:s1+s17], $0x80, s19, s17, $0xb8;
	[tilespmem:$0x12C40] =	vst v63  }
0x1d1: {  	_ =	swait.ge @!p1 [sflag:s21], $0x4000  }
0x1d2: {  	s22 =	simm.s32 @!p1 $0xAAC0;
	s19 =	simm.s32 @!p1 $0x3;
	[sflag:s21] =	ssyncset.done @!p1 $0x0  }
0x1d3: {  	s23 =	simm.s32 @!p1 $0xEC40;
	s19 =	simm.s32 @p1 $0x2;
	[sflag:s21] =	ssyncadd.s32 @!p1 $0xFFFFC000  }
0x1d4: {  	[spmem:s3] =	stream.indirect.scatter.add.f32 @!p1 [tilespmem:s23], [sflag:$0x3], $0x80, s22, s17, $0xb8;
	[tilespmem:$0x12C40] =	vst v63  }
0x1d5: {  	_ =	swait.ge [sflag:s19], $0x4000  }
0x1d6: {  	[sflag:s19] =	ssyncset.done $0x0  }
0x1d7: {  	s31 =	rddreg [dreg:$0xf];
	[sflag:s19] =	ssyncadd.s32 $0xFFFFC000  }
0x1d8: {  	[tilespmem:s14], [sflag:$0x2] =	stream.indirect.gather [hbm4b:s1+s13], $0x80, s31, s13, $0xb8;
	[tilespmem:$0x12C40] =	vst v63  }
0x1d9: {  	_ =	swait.ge [sflag:s15], $0x4000  }
0x1da: {  	[sflag:s15] =	ssyncset.done $0x0  }
0x1db: {  	s22 =	simm.s32 @!p1 $0xAB40;
	[sflag:s15] =	ssyncadd.s32 $0xFFFFC000  }
0x1dc: {  	[spmem:s3] =	stream.indirect.scatter.add.f32 @!p1 [tilespmem:s18], [sflag:$0x4], $0x80, s22, s17, $0xb8;
	[tilespmem:$0x12C40] =	vst v63  }
0x1dd: {  	_ =	swait.ge @!p1 [sflag:s20], $0x4000  }
0x1de: {  	[sflag:s20] =	ssyncset.done @!p1 $0x0  }
0x1df: {  	[sflag:s20] =	ssyncadd.s32 @!p1 $0xFFFFC000  }
0x1e0: {  	_ =	swait.ge @!p1 [sflag:s21], $0x4000  }
0x1e1: {  	[sflag:s21] =	ssyncset.done @!p1 $0x0  }
0x1e2: {  	s18 =	simm.s32 @!p1 $0xABC0;
	[sflag:s21] =	ssyncadd.s32 @!p1 $0xFFFFC000  }
0x1e3: {  	[spmem:s3] =	stream.indirect.scatter.add.f32 @!p1 [tilespmem:s23], [sflag:$0x3], $0x80, s18, s17, $0xb8;
	[tilespmem:$0x12C40] =	vst v63  }
0x1e4: {  	_ =	swait.ge [sflag:s19], $0x4000  }
0x1e5: {  	s16 =	sadd.s32 $0x1, s16;
	[sflag:s19] =	ssyncset.done $0x0  }
0x1e6: {  	p1 =	sne.s32 s16, s7;
	[sflag:s19] =	ssyncadd.s32 $0xFFFFC000  }
.Ltmp1:
0x1e7: {  	s17 =	simm.s32 @!p0 $0x3;
	[bflag:$0x0] =	sbarrier.arrive $0xFFFF;
	(pc) =	sbr.rel @p1 .LBB2_1-.Ltmp1, $4  }
0x1e8: {  	[hbm:s6], [sflag:s9] =	dma.local @!p0 [spmem:s10], $0x3E80  }
0x1e9: {  	_ =	swait.ge @!p0 [sflag:s17], $0x3E80  }
0x1ea: {  	[sflag:s17] =	ssyncset.done @!p0 $0x0  }
0x1eb: {  	[sflag:s17] =	ssyncadd.s32 @!p0 $0xFFFFC180  }
0x1ec: {  	_ =	sfence.sel $0x180000  }
0x1ed: {  	[bflag:$0x0] =	sbarrier.arrive $0xFFFF  }
0x1ee: {  	p0 =	sne.s32 s0, $0x0;
	_ =	strace $0x9000004A  }
0x1ef: {  	s0 =	sadd.s32 @!p0 $0x100000, s2;
	[bflag:$0x2] =	sbarrier.arrive $0xFFFF  }
0x1f0: {  	[sflag:s0] =	ssyncadd.tile.s32 @!p0 $0x1;
	_ =	shalt  }
.Lfunc_end2:
_tile_overlayer_lowered:
.L_overlay_start_2:
0x1f1: {  	(tag) =	ssettag $0x2  }
0x1f2: {  	s0 =	rddreg [dreg:$0x0];
	s2 =	stileid.u32  }
0x1f3: {  	s1 =	rddreg [dreg:$0x1];
	p0 =	sne.s32 s2, $0x0  }
0x1f4: {  	s3 =	rddreg [dreg:$0x2];
	[bflag:$0x3] =	sbarrier.arrive $0xFFFF;
	s2 =	simm.s32 @!p0 $0x1C03  }
0x1f5: {  	[timem:s3], [sflag:s2] =	dma.local @!p0 [hbm:s0], s1  }
0x1f6: {  	s0 =	simm.s32 @!p0 $0x3  }
0x1f7: {  	_ =	swait.ge @!p0 [sflag:s0], s1  }
0x1f8: {  	s1 =	ssub.s32 @!p0 $0x0, s1;
	[sflag:s0] =	ssyncset.done @!p0 $0x0  }
0x1f9: {  	[sflag:s0] =	ssyncadd.s32 @!p0 s1  }
0x1fa: {  	[bflag:$0x3] =	sbarrier.arrive $0xFFFF  }
0x1fb: {  	_ =	shalt  }

// kernel: kernel.14.cloned.1.call-start
scs
__scs_entry_jumppad:
0x0: {  	(pc) =	sbr.rel $0x88, $3  }
0x1: {  	(tag) =	ssettag $0x0;
	lr =	simm.s32 $0x1  }
0x2: {  	[smem:$0x3F9C] =	sst lr;
	_ =	strace $0xD0000000  }
0x3: {  	_ = 	snop  }
0x4: {  	_ = 	snop  }
0x5: {  	_ = 	snop  }
0x6: {  	_ = 	snop  }
0x7: {  	_ = 	snop  }
__scs_overlays_trampoline_lowered:
0x8: {  	[smem:$0x3FAB] =	sst s0  }
0x9: {  	[smem:$0x3FAC] =	sst s1  }
0xa: {  	[smem:$0x3FAD] =	sst s2  }
0xb: {  	[smem:$0x3FAE] =	sst s3  }
0xc: {  	[smem:$0x3FAF] =	sst s4  }
0xd: {  	[smem:$0x3FB0] =	sst s5  }
0xe: {  	[smem:$0x3FB1] =	sst s6  }
0xf: {  	[smem:$0x3FB2] =	sst s7  }
0x10: {  	[smem:$0x3FB3] =	sst s8  }
0x11: {  	[smem:$0x3FB4] =	sst s9;
	s0 =	simm.s32 @!p0 $0x0  }
0x12: {  	s1 =	sld [smem:$0x3F9A];
	s0 =	simm.s32 @p0 $0x1  }
0x13: {  	[smem:$0x3FB5] =	sst s0;
	s0 =	simm.s32 @!p1 $0x0  }
0x14: {  	s2 =	sld [smem:$0x3F99];
	s0 =	simm.s32 @p1 $0x1  }
0x15: {  	[smem:$0x3FB6] =	sst s0;
	s0 =	simm.s32 @!p2 $0x0  }
0x16: {  	s3 =	sld [smem:$0x3FDB];
	s0 =	simm.s32 @p2 $0x1  }
0x17: {  	s4 =	simm.s32 $0x1BF5;
	[smem:$0x3FB8] =	sst s0  }
0x18: {  	s0 =	sld [smem:$0x3F9B];
	_ =	swait.ge [sflag:s4], $0x0  }
0x19: {  	s7 =	sld [smem:$0x3F9C]  }
0x1a: {  	s8 =	sadd.s32 $0xFFFFE003, lr  }
0x1b: {  	s9 =	sadd.s32 $0xFFFFFEF7, lr;
	s5 =	simm.s32 $0xFFFFFFFF;
	p2 =	slt.u32 s8, $0xFFFFF086  }
0x1c: {  	p1 =	slt.u32 s9, $0xF7A;
	s5 =	simm.s32 @!p2 $0x0  }
0x1d: {  	s5 =	simm.s32 @p1 $0x1;
	p0 =	seq.s32 s7, s2  }
0x1e: {  	s7 =	smul.u32 @!p0 $0xF7A, s2;
	p2 =	seq.s32 @!p0 s5, $0x0  }
0x1f: {  	s9 =	smul.u32 $0xF7A, s1;
	s8 =	simm.s32 @!p0 $0x1BF5;
	p2 =	por !p2, p0  }
0x20: {  	[sflag:s8] =	ssyncset.s32 @!p0 $0xFFFFF086;
	s6 =	sadd.s32 @!p0 s3, s7;
	s7 =	simm.s32 @!p0 $0x108  }
0x21: {  	s3 =	sadd.s32 s3, s9;
	s6 =	sadd.s32 @!p0 $0x88, s6;
	s7 =	simm.s32 @p2 $0x1082  }
0x22: {  	[simem:s7], [sflag:s8] =	dma.local @!p0 [hbm:s6], $0xF7A  }
0x23: {  	s9 =	sor.u32 $0xD0000000, s2;
	s6 =	simm.s32 $0x108;
	_ =	swait.ge @!p0 [sflag:s8], $0x0  }
0x24: {  	s3 =	sadd.s32 $0x88, s3;
	s6 =	simm.s32 @!p1 $0x1082;
	[sflag:s4] =	ssyncset.s32 $0xFFFFF086  }
0x25: {  	[simem:s6], [sflag:s4] =	dma.local [hbm:s3], $0xF7A  }
0x26: {  	[smem:$0x3F9C] =	sst s1;
	(tag) =	ssettag s2;
	_ =	strace s9  }
0x27: {  	s1 =	sld [smem:$0x3FAC]  }
0x28: {  	s2 =	sld [smem:$0x3FAD]  }
0x29: {  	s4 =	sld [smem:$0x3FAF]  }
0x2a: {  	p0 =	seq.s32 s5, $0x0;
	s5 =	sld [smem:$0x3FB0]  }
0x2b: {  	s6 =	sld [smem:$0x3FB1]  }
0x2c: {  	s7 =	sld [smem:$0x3FB2]  }
0x2d: {  	s3 =	simm.s32 $0x108;
	s8 =	sld [smem:$0x3FB3]  }
0x2e: {  	s3 =	simm.s32 @!p0 $0x1082;
	s9 =	sld [smem:$0x3FB4]  }
0x2f: {  	lr =	sadd.s32 s0, s3;
	s0 =	sld [smem:$0x3FAB]  }
0x30: {  	s3 =	sld [smem:$0x3FAE]  }
0x31: {  	[smem:$0x3FB7] =	sst s10  }
0x32: {  	s10 =	sld [smem:$0x3FB5];
	_ =	sdelay $0x3  }
0x33: {  	p0 =	seq.s32 s10, $0x1;
	s10 =	sld [smem:$0x3FB7];
	_ =	sdelay $0x3  }
0x34: {  	[smem:$0x3FB7] =	sst s10  }
0x35: {  	s10 =	sld [smem:$0x3FB6];
	_ =	sdelay $0x3  }
0x36: {  	p1 =	seq.s32 s10, $0x1;
	s10 =	sld [smem:$0x3FB7];
	_ =	sdelay $0x3  }
0x37: {  	[smem:$0x3FB7] =	sst s10  }
0x38: {  	s10 =	sld [smem:$0x3FB8]  }
0x39: {  	_ = 	snop;
	(pc) =	sbr.ind lr, $3  }
0x3a: {  	_ = 	snop  }
0x3b: {  	_ = 	snop  }
0x3c: {  	p2 =	seq.s32 s10, $0x1;
	s10 =	sld [smem:$0x3FB7]  }
0x3d: {  	_ =	shalt  }
0x3e: {  	_ =	shalt  }
0x3f: {  	_ =	shalt  }
0x40: {  	_ =	shalt  }
0x41: {  	_ =	shalt  }
0x42: {  	_ =	shalt  }
0x43: {  	_ =	shalt  }
0x44: {  	_ =	shalt  }
0x45: {  	_ =	shalt  }
0x46: {  	_ =	shalt  }
0x47: {  	_ =	shalt  }
0x48: {  	_ =	shalt  }
0x49: {  	_ =	shalt  }
0x4a: {  	_ =	shalt  }
0x4b: {  	_ =	shalt  }
0x4c: {  	_ =	shalt  }
0x4d: {  	_ =	shalt  }
0x4e: {  	_ =	shalt  }
0x4f: {  	_ =	shalt  }
0x50: {  	_ =	shalt  }
0x51: {  	_ =	shalt  }
0x52: {  	_ =	shalt  }
0x53: {  	_ =	shalt  }
0x54: {  	_ =	shalt  }
0x55: {  	_ =	shalt  }
0x56: {  	_ =	shalt  }
0x57: {  	_ =	shalt  }
0x58: {  	_ =	shalt  }
0x59: {  	_ =	shalt  }
0x5a: {  	_ =	shalt  }
0x5b: {  	_ =	shalt  }
0x5c: {  	_ =	shalt  }
0x5d: {  	_ =	shalt  }
0x5e: {  	_ =	shalt  }
0x5f: {  	_ =	shalt  }
0x60: {  	_ =	shalt  }
0x61: {  	_ =	shalt  }
0x62: {  	_ =	shalt  }
0x63: {  	_ =	shalt  }
0x64: {  	_ =	shalt  }
0x65: {  	_ =	shalt  }
0x66: {  	_ =	shalt  }
0x67: {  	_ =	shalt  }
0x68: {  	_ =	shalt  }
0x69: {  	_ =	shalt  }
0x6a: {  	_ =	shalt  }
0x6b: {  	_ =	shalt  }
0x6c: {  	_ =	shalt  }
0x6d: {  	_ =	shalt  }
0x6e: {  	_ =	shalt  }
0x6f: {  	_ =	shalt  }
0x70: {  	_ =	shalt  }
0x71: {  	_ =	shalt  }
0x72: {  	_ =	shalt  }
0x73: {  	_ =	shalt  }
0x74: {  	_ =	shalt  }
0x75: {  	_ =	shalt  }
0x76: {  	_ =	shalt  }
0x77: {  	_ =	shalt  }
0x78: {  	_ =	shalt  }
0x79: {  	_ =	shalt  }
0x7a: {  	_ =	shalt  }
0x7b: {  	_ =	shalt  }
0x7c: {  	_ =	shalt  }
0x7d: {  	_ =	shalt  }
0x7e: {  	_ =	shalt  }
0x7f: {  	_ =	shalt  }
0x80: {  	_ =	shalt  }
0x81: {  	_ =	shalt  }
0x82: {  	_ =	shalt  }
0x83: {  	_ =	shalt  }
0x84: {  	_ =	shalt  }
0x85: {  	_ =	shalt  }
0x86: {  	_ =	shalt  }
0x87: {  	_ =	shalt  }
.Lfunc_end0:
.L_simem_size_0:
called_computation.2_lowered:
.L_overlay_start_0:
0x88: {  	s2 =	sld [smem:$0x3FD9]  }
0x89: {  	s3 =	sld [smem:$0x3FFE];
	_ =	sdelay $0x1  }
0x8a: {  	s1 =	srdreg.scid  }
0x8b: {  	s0 =	sand.u32 $0x1, s1  }
0x8c: {  	s17 =	sshll.u32 s0, $0xA;
	s2 =	sadd.s32 s3, s2  }
0x8d: {  	s2 =	sadd.s32 s2, s17  }
0x8e: {  	[smem:$0x3FC3] =	sst s2  }
0x8f: {  	_ = 	snop  }
0x90: {  	s2 =	sld [smem:$0x3FD0];
	(tm) =	ssettm $0x1  }
0x91: {  	s18 =	sld [smem:$0x3FFB];
	_ =	sdelay $0x3  }
0x92: {  	_ =	strace s18  }
0x93: {  	s3 =	sld [smem:$0x3FFC];
	_ =	sdelay $0x3  }
0x94: {  	_ =	strace s3  }
0x95: {  	s3 =	sld [smem:$0x3FFD];
	_ =	sdelay $0x3  }
0x96: {  	_ =	strace s3  }
0x97: {  	_ =	strace $0x8FFFFFFF  }
0x98: {  	s19 =	sld [smem:$0x3FDB];
	_ =	sdelay $0x1  }
0x99: {  	s4 =	simm.s32 $_scs_section_size  }
0x9a: {  	s5 =	simm.s32 $_size__tile_overlayer_lowered;
	s6 =	simm.s32 $_tile_overlayer_lowered  }
0x9b: {  	s22 =	simm.s32 $0x1BFF;
	s21 =	sshll.u32 s6, $0x1;
	s3 =	sadd.s32 s4, s19  }
0x9c: {  	s7 =	simm.s32 $0x0;
	s20 =	sshll.u32 s5, $0x1;
	s5 =	sadd.s32 s21, s3  }
0x9d: {  	[timem:s7], [sflag:s22] =	dma.local [hbm:s5], s20  }
0x9e: {  	_ =	swait.ge [sflag:s22], s20  }
0x9f: {  	s4 =	ssub.s32 $0x0, s20;
	[sflag:s22] =	ssyncset.done $0x0  }
0xa0: {  	[sflag:s22] =	ssyncadd.s32 s4;
	_ =	sdelay $0x1  }
0xa1: {  	s23 =	simm.s32 $0x1B8B  }
0xa2: {  	_ =	swait.ge [sflag:s23], $0x1  }
0xa3: {  	[sflag:s23] =	ssyncset.done $0x0  }
0xa4: {  	s25 =	simm.s32 $0x1B8E;
	s24 =	sld [smem:$0x3FFE];
	[sflag:s23] =	ssyncadd.s32 $0xFFFFFFFF  }
0xa5: {  	s26 =	simm.s32 $execute0_lowered;
	[smem:$0x3FD2] =	sst s25  }
0xa6: {  	s5 =	sshll.u32 s26, $0x1;
	_ =	strace $0x8000004C;
	[dreg:$0x1] =	wrdreg $0xFFFFFFFF  }
0xa7: {  	s28 =	simm.s32 $_size_execute0_lowered;
	s3 =	sadd.s32 s3, s5;
	[dreg:$0x0] =	wrdreg $0x0  }
0xa8: {  	s5 =	sshll.u32 s28, $0x1;
	[dreg:$0x2] =	wrdreg s3  }
0xa9: {  	[dreg:$0x3] =	wrdreg s5  }
0xaa: {  	[dreg:$0x4] =	wrdreg $0xC0  }
0xab: {  	_ =	task [dreg:s7], $0x5FFFF  }
0xac: {  	[dreg:$0x1] =	wrdreg $0xFFFFFFFF  }
0xad: {  	[dreg:$0x0] =	wrdreg $0x60  }
0xae: {  	[dreg:$0x2] =	wrdreg s2  }
0xaf: {  	[dreg:$0x3] =	wrdreg s24  }
0xb0: {  	[dreg:$0x4] =	wrdreg $0x0  }
0xb1: {  	[dreg:$0x5] =	wrdreg $0x9  }
0xb2: {  	_ =	task.clear_ibuf [dreg:s7], $0x6FFFF;
	_ =	strace $0x9000004C  }
0xb3: {  	s29 =	simm.s32 $0x9;
	_ =	strace $0x8000004E  }
0xb4: {  	_ =	swait.ge [sflag:s29], $0x1  }
0xb5: {  	[sflag:s29] =	ssyncadd.s32 $0xFFFFFFFF  }
0xb6: {  	_ =	strace $0x9000004E  }
0xb7: {  	_ =	sfence  }
0xb8: {  	s30 =	sld [smem:$0x0];
	_ =	sdelay $0x2  }
0xb9: {  	s31 =	sshll.u32 s1, $0xD;
	s1 =	sshrl.u32 s1, $0x2  }
0xba: {  	s3 =	sand.u32 $0x4000, s31;
	s1 =	sadd.s32 s1, s30  }
0xbb: {  	s0 =	sor.u32 s3, s0;
	s1 =	sshll.u32 s1, $0x11  }
0xbc: {  	s0 =	sor.u32 s1, s0  }
0xbd: {  	s0 =	sadd.s32 $0x8F2B, s0  }
0xbe: {  	[sflag:s0] =	ssyncadd.remote.s32 $0x1  }
0xbf: {  	_ =	sfence.sel $0xFFFF  }
0xc0: {  	[dreg:$0x0] =	wrdreg $0xFFFFFFFF;
	(pc) =	sbr.abs _section_cstart, $3  }
0xc1: {  	[dreg:$0x1] =	wrdreg $0xFFFFFFFF  }
0xc2: {  	_ =	task.clear_ibuf [dreg:s7], $0x2FFFF;
	_ =	strace $0x9FFFFFFF  }
0xc3: {  	(tm) =	ssettm $0x7FFFFFFF  }
tec
execute0_lowered:
.L_overlay_start_1:
0x0: {  	(tag) =	ssettag $0x1  }
0x1: {  	s1 =	rddreg [dreg:$0x0]  }
0x2: {  	s5 =	rddreg [dreg:$0x1]  }
0x3: {  	s0 =	stileid.u32;
	s2 =	srdreg.scid  }
0x4: {  	s3 =	rddreg [dreg:$0x2];
	s4 =	simm.s32 $0x0;
	s24 =	simm.s32 $0x14080  }
0x5: {  	s25 =	simm.s32 $0x14880;
	s8 =	sand.u32 $0x1, s2;
	s2 =	rddreg [dreg:$0x3]  }
0x6: {  	s26 =	simm.s32 $0x13900;
	s28 =	simm.s32 $0x13A00;
	[smem:$0x7FF] =	sst s4  }
0x7: {  	s29 =	simm.s32 $0x13B00;
	_ =	strace $0x8000004D;
	[dreg:$0x6] =	wrdreg s24  }
0x8: {  	s30 =	simm.s32 $0x13C00;
	s6 =	smul.u32 $0xA00, s0;
	[dreg:$0x7] =	wrdreg s25  }
0x9: {  	s31 =	simm.s32 $0x13D00;
	s7 =	smul.u32 $0x3E80, s0;
	[dreg:$0x8] =	wrdreg s26  }
0xa: {  	s14 =	simm.s32 $0x13E00;
	s10 =	smul.u32 $0x1F400, s0;
	[dreg:$0x9] =	wrdreg s28  }
0xb: {  	s15 =	simm.s32 $0x13F00;
	s11 =	smul.u32 $0x7D000, s0;
	[dreg:$0xa] =	wrdreg s29  }
0xc: {  	s16 =	simm.s32 $0x14000;
	s21 =	smul.u32 $0x14, s0;
	[dreg:$0xb] =	wrdreg s30  }
0xd: {  	p0 =	sgt.u32 s0, $0x9;
	s9 =	smul.u32 $0x138800, s8;
	[dreg:$0xc] =	wrdreg s31  }
0xe: {  	s18 =	ssub.s32 $0x2, s8;
	s13 =	smul.u32 $0x500, s8;
	[dreg:$0xd] =	wrdreg s14  }
0xf: {  	s8 =	smul.u32 $0xA, s8;
	s14 =	simm.s32 $0x18880;
	[dreg:$0xe] =	wrdreg s15  }
0x10: {  	s15 =	simm.s32 $0x1;
	[dreg:$0xf] =	wrdreg s16;
	s16 =	simm.s32 $0x0  }
0x11: {  	s6 =	sadd.s32 s6, s5;
	s7 =	sadd.s32 s7, s5;
	s12 =	sshrl.u32 s18, $0x1  }
0x12: {  	s19 =	sshrl.u32 s11, $0x2;
	s9 =	sadd.s32 s10, s9;
	s10 =	ssub.s32 s18, s12  }
0x13: {  	s11 =	sadd.s32 s19, s3;
	s20 =	sadd.s32 s13, s6;
	s8 =	sadd.s32 s8, s21  }
0x14: {  	s12 =	simm.s32 $0x3;
	s13 =	simm.s32 $0x80;
	s9 =	sshrl.u32 s9, $0x3  }
0x15: {  	s22 =	sadd.s32 $0x2800, s20;
	s23 =	sadd.s32 $0xC800, s20;
	s9 =	sadd.s32 s9, s5  }
0x16: {  	s5 =	sadd.s32 $0x17200, s7;
	[dreg:$0x4] =	wrdreg s22;
	s7 =	smax.u32 s10, $0x1  }
0x17: {  	[dreg:$0x5] =	wrdreg s23;
	s10 =	sshll.u32 @!p0 s0, $0x6;
	s6 =	sadd.s32 $0x3E400, s9  }
0x18: {  	s9 =	sor.u32 @!p0 $0x1C03, s10;
	s10 =	sshrl.u32 @!p0 s11, $0x3;
	s11 =	simm.s32 $0x13880  }
.LBB2_1:
0x19: {  	[spmem:s10], [sflag:s9] =	dma.local @!p0 [hbm:s5], $0x3E80  }
0x1a: {  	s17 =	simm.s32 @!p0 $0x3  }
0x1b: {  	_ =	swait.ge @!p0 [sflag:s17], $0x3E80  }
0x1c: {  	[sflag:s17] =	ssyncset.done @!p0 $0x0  }
0x1d: {  	[sflag:s17] =	ssyncadd.s32 @!p0 $0xFFFFC180  }
0x1e: {  	[bflag:$0x0] =	sbarrier.arrive $0xFFFF  }
0x1f: {  	s26 =	rddreg [dreg:$0x5]  }
0x20: {  	s17 =	sadd.s32 $0x0, s26  }
0x21: {  	[tilespmem:s11], [sflag:$0x3] =	stream.linear.gather [hbm4b:s17+s4], $0x800, $0x38;
	[tilespmem:$0x1C880] =	vst v63  }
0x22: {  	_ =	swait.ge [sflag:s12], $0x800  }
0x23: {  	s28 =	rddreg [dreg:$0x4];
	[sflag:s12] =	ssyncset.done $0x0  }
0x24: {  	s18 =	rddreg [dreg:$0x6];
	[sflag:s12] =	ssyncadd.s32 $0xFFFFF800;
	s17 =	sadd.s32 $0x0, s28  }
0x25: {  	[tilespmem:s18], [sflag:$0x3] =	stream.linear.gather [hbm4b:s17+s4], $0x800, $0x38;
	[tilespmem:$0x1C880] =	vst v63  }
0x26: {  	_ =	swait.ge [sflag:s12], $0x800  }
0x27: {  	[sflag:s12] =	ssyncset.done $0x0  }
0x28: {  	s29 =	rddreg [dreg:$0x7];
	[sflag:s12] =	ssyncadd.s32 $0xFFFFF800  }
0x29: {  	[tilespmem:s29], [sflag:$0x1] =	stream.indirect.gather [hbm4b:s1+s13], $0x80, s11, s13, $0xb8;
	[tilespmem:$0x1C880] =	vst v63  }
0x2a: {  	s30 =	rddreg [dreg:$0x8]  }
0x2b: {  	[tilespmem:s14], [sflag:$0x2] =	stream.indirect.gather [hbm4b:s1+s13], $0x80, s30, s13, $0xb8;
	[tilespmem:$0x1C880] =	vst v63  }
0x2c: {  	p1 =	sgt.u32 s8, $0x138;
	_ =	swait.ge [sflag:s15], $0x4000  }
0x2d: {  	s19 =	simm.s32 @p1 $0x14880;
	s20 =	simm.s32 @!p1 $0x80;
	[sflag:s15] =	ssyncset.done $0x0  }
0x2e: {  	s17 =	simm.s32 @p1 $0x80;
	s18 =	simm.s32 @p1 $0x13980;
	[sflag:s15] =	ssyncadd.s32 $0xFFFFC000  }
0x2f: {  	[tilespmem:s19], [sflag:$0x1] =	stream.indirect.gather @p1 [hbm4b:s1+s17], $0x80, s18, s17, $0xb8;
	[tilespmem:$0x1C880] =	vst v63  }
0x30: {  	s21 =	simm.s32 @!p1 $0x14880;
	s22 =	simm.s32 @!p1 $0x4;
	s18 =	simm.s32 @!p1 $0x14080  }
0x31: {  	[spmem:s3] =	stream.indirect.scatter.add.f32 @!p1 [tilespmem:s21], [sflag:$0x4], $0x80, s18, s20, $0xb8;
	[tilespmem:$0x1C880] =	vst v63  }
0x32: {  	_ =	swait.ge @!p1 [sflag:s22], $0x4000  }
0x33: {  	[sflag:s22] =	ssyncset.done @!p1 $0x0  }
0x34: {  	s23 =	simm.s32 @!p1 $0x2;
	s18 =	simm.s32 @!p1 $0x13980;
	[sflag:s22] =	ssyncadd.s32 @!p1 $0xFFFFC000  }
0x35: {  	[tilespmem:s21], [sflag:$0x1] =	stream.indirect.gather @!p1 [hbm4b:s1+s20], $0x80, s18, s20, $0xb8;
	[tilespmem:$0x1C880] =	vst v63  }
0x36: {  	_ =	swait.ge @!p1 [sflag:s23], $0x4000  }
0x37: {  	s24 =	simm.s32 @!p1 $0x14100;
	s18 =	simm.s32 @!p1 $0x3;
	[sflag:s23] =	ssyncset.done @!p1 $0x0  }
0x38: {  	s25 =	simm.s32 @!p1 $0x18880;
	s18 =	simm.s32 @p1 $0x2;
	[sflag:s23] =	ssyncadd.s32 @!p1 $0xFFFFC000  }
0x39: {  	[spmem:s3] =	stream.indirect.scatter.add.f32 @!p1 [tilespmem:s25], [sflag:$0x3], $0x80, s24, s20, $0xb8;
	[tilespmem:$0x1C880] =	vst v63  }
0x3a: {  	_ =	swait.ge [sflag:s18], $0x4000  }
0x3b: {  	[sflag:s18] =	ssyncset.done $0x0  }
0x3c: {  	s31 =	rddreg [dreg:$0x9];
	[sflag:s18] =	ssyncadd.s32 $0xFFFFC000  }
0x3d: {  	[tilespmem:s14], [sflag:$0x2] =	stream.indirect.gather [hbm4b:s1+s13], $0x80, s31, s13, $0xb8;
	[tilespmem:$0x1C880] =	vst v63  }
0x3e: {  	_ =	swait.ge [sflag:s15], $0x4000  }
0x3f: {  	[sflag:s15] =	ssyncset.done $0x0  }
0x40: {  	s24 =	simm.s32 @p1 $0x13A80;
	[sflag:s15] =	ssyncadd.s32 $0xFFFFC000  }
0x41: {  	[tilespmem:s19], [sflag:$0x1] =	stream.indirect.gather @p1 [hbm4b:s1+s17], $0x80, s24, s17, $0xb8;
	[tilespmem:$0x1C880] =	vst v63  }
0x42: {  	s17 =	simm.s32 @!p1 $0x14180  }
0x43: {  	[spmem:s3] =	stream.indirect.scatter.add.f32 @!p1 [tilespmem:s21], [sflag:$0x4], $0x80, s17, s20, $0xb8;
	[tilespmem:$0x1C880] =	vst v63  }
0x44: {  	_ =	swait.ge @!p1 [sflag:s22], $0x4000  }
0x45: {  	[sflag:s22] =	ssyncset.done @!p1 $0x0  }
0x46: {  	s17 =	simm.s32 @!p1 $0x13A80;
	[sflag:s22] =	ssyncadd.s32 @!p1 $0xFFFFC000  }
0x47: {  	[tilespmem:s21], [sflag:$0x1] =	stream.indirect.gather @!p1 [hbm4b:s1+s20], $0x80, s17, s20, $0xb8;
	[tilespmem:$0x1C880] =	vst v63  }
0x48: {  	_ =	swait.ge @!p1 [sflag:s23], $0x4000  }
0x49: {  	[sflag:s23] =	ssyncset.done @!p1 $0x0  }
0x4a: {  	s17 =	simm.s32 @!p1 $0x14200;
	[sflag:s23] =	ssyncadd.s32 @!p1 $0xFFFFC000  }
0x4b: {  	[spmem:s3] =	stream.indirect.scatter.add.f32 @!p1 [tilespmem:s25], [sflag:$0x3], $0x80, s17, s20, $0xb8;
	[tilespmem:$0x1C880] =	vst v63  }
0x4c: {  	_ =	swait.ge [sflag:s18], $0x4000  }
0x4d: {  	[sflag:s18] =	ssyncset.done $0x0  }
0x4e: {  	s25 =	rddreg [dreg:$0xa];
	[sflag:s18] =	ssyncadd.s32 $0xFFFFC000  }
0x4f: {  	[tilespmem:s14], [sflag:$0x2] =	stream.indirect.gather [hbm4b:s1+s13], $0x80, s25, s13, $0xb8;
	[tilespmem:$0x1C880] =	vst v63  }
0x50: {  	p1 =	sgt.u32 s8, $0x137;
	_ =	swait.ge [sflag:s15], $0x4000  }
0x51: {  	s19 =	simm.s32 @p1 $0x80;
	s17 =	simm.s32 @!p1 $0x14880;
	[sflag:s15] =	ssyncset.done $0x0  }
0x52: {  	s23 =	simm.s32 @p1 $0x14880;
	s18 =	simm.s32 @p1 $0x13B80;
	[sflag:s15] =	ssyncadd.s32 $0xFFFFC000  }
0x53: {  	[tilespmem:s23], [sflag:$0x1] =	stream.indirect.gather @p1 [hbm4b:s1+s19], $0x80, s18, s19, $0xb8;
	[tilespmem:$0x1C880] =	vst v63  }
0x54: {  	s20 =	simm.s32 @!p1 $0x14280;
	s21 =	simm.s32 @!p1 $0x4;
	s18 =	simm.s32 @!p1 $0x80  }
0x55: {  	[spmem:s3] =	stream.indirect.scatter.add.f32 @!p1 [tilespmem:s17], [sflag:$0x4], $0x80, s20, s18, $0xb8;
	[tilespmem:$0x1C880] =	vst v63  }
0x56: {  	_ =	swait.ge @!p1 [sflag:s21], $0x4000  }
0x57: {  	[sflag:s21] =	ssyncset.done @!p1 $0x0  }
0x58: {  	s22 =	simm.s32 @!p1 $0x2;
	s20 =	simm.s32 @!p1 $0x13B80;
	[sflag:s21] =	ssyncadd.s32 @!p1 $0xFFFFC000  }
0x59: {  	[tilespmem:s17], [sflag:$0x1] =	stream.indirect.gather @!p1 [hbm4b:s1+s18], $0x80, s20, s18, $0xb8;
	[tilespmem:$0x1C880] =	vst v63  }
0x5a: {  	_ =	swait.ge @!p1 [sflag:s22], $0x4000  }
0x5b: {  	s24 =	simm.s32 @!p1 $0x18880;
	s20 =	simm.s32 @!p1 $0x3;
	[sflag:s22] =	ssyncset.done @!p1 $0x0  }
0x5c: {  	s25 =	simm.s32 @!p1 $0x14300;
	s20 =	simm.s32 @p1 $0x2;
	[sflag:s22] =	ssyncadd.s32 @!p1 $0xFFFFC000  }
0x5d: {  	[spmem:s3] =	stream.indirect.scatter.add.f32 @!p1 [tilespmem:s24], [sflag:$0x3], $0x80, s25, s18, $0xb8;
	[tilespmem:$0x1C880] =	vst v63  }
0x5e: {  	_ =	swait.ge [sflag:s20], $0x4000  }
0x5f: {  	[sflag:s20] =	ssyncset.done $0x0  }
0x60: {  	s26 =	rddreg [dreg:$0xb];
	[sflag:s20] =	ssyncadd.s32 $0xFFFFC000  }
0x61: {  	[tilespmem:s14], [sflag:$0x2] =	stream.indirect.gather [hbm4b:s1+s13], $0x80, s26, s13, $0xb8;
	[tilespmem:$0x1C880] =	vst v63  }
0x62: {  	_ =	swait.ge [sflag:s15], $0x4000  }
0x63: {  	[sflag:s15] =	ssyncset.done $0x0  }
0x64: {  	s25 =	simm.s32 @p1 $0x13C80;
	[sflag:s15] =	ssyncadd.s32 $0xFFFFC000  }
0x65: {  	[tilespmem:s23], [sflag:$0x1] =	stream.indirect.gather @p1 [hbm4b:s1+s19], $0x80, s25, s19, $0xb8;
	[tilespmem:$0x1C880] =	vst v63  }
0x66: {  	s25 =	simm.s32 @!p1 $0x14380  }
0x67: {  	[spmem:s3] =	stream.indirect.scatter.add.f32 @!p1 [tilespmem:s17], [sflag:$0x4], $0x80, s25, s18, $0xb8;
	[tilespmem:$0x1C880] =	vst v63  }
0x68: {  	_ =	swait.ge @!p1 [sflag:s21], $0x4000  }
0x69: {  	[sflag:s21] =	ssyncset.done @!p1 $0x0  }
0x6a: {  	s25 =	simm.s32 @!p1 $0x13C80;
	[sflag:s21] =	ssyncadd.s32 @!p1 $0xFFFFC000  }
0x6b: {  	[tilespmem:s17], [sflag:$0x1] =	stream.indirect.gather @!p1 [hbm4b:s1+s18], $0x80, s25, s18, $0xb8;
	[tilespmem:$0x1C880] =	vst v63  }
0x6c: {  	_ =	swait.ge @!p1 [sflag:s22], $0x4000  }
0x6d: {  	[sflag:s22] =	ssyncset.done @!p1 $0x0  }
0x6e: {  	s25 =	simm.s32 @!p1 $0x14400;
	[sflag:s22] =	ssyncadd.s32 @!p1 $0xFFFFC000  }
0x6f: {  	[spmem:s3] =	stream.indirect.scatter.add.f32 @!p1 [tilespmem:s24], [sflag:$0x3], $0x80, s25, s18, $0xb8;
	[tilespmem:$0x1C880] =	vst v63  }
0x70: {  	_ =	swait.ge [sflag:s20], $0x4000  }
0x71: {  	[sflag:s20] =	ssyncset.done $0x0  }
0x72: {  	s28 =	rddreg [dreg:$0xc];
	[sflag:s20] =	ssyncadd.s32 $0xFFFFC000  }
0x73: {  	[tilespmem:s14], [sflag:$0x2] =	stream.indirect.gather [hbm4b:s1+s13], $0x80, s28, s13, $0xb8;
	[tilespmem:$0x1C880] =	vst v63  }
0x74: {  	_ =	swait.ge [sflag:s15], $0x4000  }
0x75: {  	[sflag:s15] =	ssyncset.done $0x0  }
0x76: {  	s25 =	simm.s32 @p1 $0x13D80;
	[sflag:s15] =	ssyncadd.s32 $0xFFFFC000  }
0x77: {  	[tilespmem:s23], [sflag:$0x1] =	stream.indirect.gather @p1 [hbm4b:s1+s19], $0x80, s25, s19, $0xb8;
	[tilespmem:$0x1C880] =	vst v63  }
0x78: {  	s25 =	simm.s32 @!p1 $0x14480  }
0x79: {  	[spmem:s3] =	stream.indirect.scatter.add.f32 @!p1 [tilespmem:s17], [sflag:$0x4], $0x80, s25, s18, $0xb8;
	[tilespmem:$0x1C880] =	vst v63  }
0x7a: {  	_ =	swait.ge @!p1 [sflag:s21], $0x4000  }
0x7b: {  	[sflag:s21] =	ssyncset.done @!p1 $0x0  }
0x7c: {  	s25 =	simm.s32 @!p1 $0x13D80;
	[sflag:s21] =	ssyncadd.s32 @!p1 $0xFFFFC000  }
0x7d: {  	[tilespmem:s17], [sflag:$0x1] =	stream.indirect.gather @!p1 [hbm4b:s1+s18], $0x80, s25, s18, $0xb8;
	[tilespmem:$0x1C880] =	vst v63  }
0x7e: {  	_ =	swait.ge @!p1 [sflag:s22], $0x4000  }
0x7f: {  	[sflag:s22] =	ssyncset.done @!p1 $0x0  }
0x80: {  	s25 =	simm.s32 @!p1 $0x14500;
	[sflag:s22] =	ssyncadd.s32 @!p1 $0xFFFFC000  }
0x81: {  	[spmem:s3] =	stream.indirect.scatter.add.f32 @!p1 [tilespmem:s24], [sflag:$0x3], $0x80, s25, s18, $0xb8;
	[tilespmem:$0x1C880] =	vst v63  }
0x82: {  	_ =	swait.ge [sflag:s20], $0x4000  }
0x83: {  	[sflag:s20] =	ssyncset.done $0x0  }
0x84: {  	s29 =	rddreg [dreg:$0xd];
	[sflag:s20] =	ssyncadd.s32 $0xFFFFC000  }
0x85: {  	[tilespmem:s14], [sflag:$0x2] =	stream.indirect.gather [hbm4b:s1+s13], $0x80, s29, s13, $0xb8;
	[tilespmem:$0x1C880] =	vst v63  }
0x86: {  	_ =	swait.ge [sflag:s15], $0x4000  }
0x87: {  	[sflag:s15] =	ssyncset.done $0x0  }
0x88: {  	s25 =	simm.s32 @p1 $0x13E80;
	[sflag:s15] =	ssyncadd.s32 $0xFFFFC000  }
0x89: {  	[tilespmem:s23], [sflag:$0x1] =	stream.indirect.gather @p1 [hbm4b:s1+s19], $0x80, s25, s19, $0xb8;
	[tilespmem:$0x1C880] =	vst v63  }
0x8a: {  	s19 =	simm.s32 @!p1 $0x14580  }
0x8b: {  	[spmem:s3] =	stream.indirect.scatter.add.f32 @!p1 [tilespmem:s17], [sflag:$0x4], $0x80, s19, s18, $0xb8;
	[tilespmem:$0x1C880] =	vst v63  }
0x8c: {  	_ =	swait.ge @!p1 [sflag:s21], $0x4000  }
0x8d: {  	[sflag:s21] =	ssyncset.done @!p1 $0x0  }
0x8e: {  	s19 =	simm.s32 @!p1 $0x13E80;
	[sflag:s21] =	ssyncadd.s32 @!p1 $0xFFFFC000  }
0x8f: {  	[tilespmem:s17], [sflag:$0x1] =	stream.indirect.gather @!p1 [hbm4b:s1+s18], $0x80, s19, s18, $0xb8;
	[tilespmem:$0x1C880] =	vst v63  }
0x90: {  	_ =	swait.ge @!p1 [sflag:s22], $0x4000  }
0x91: {  	[sflag:s22] =	ssyncset.done @!p1 $0x0  }
0x92: {  	s17 =	simm.s32 @!p1 $0x14600;
	[sflag:s22] =	ssyncadd.s32 @!p1 $0xFFFFC000  }
0x93: {  	[spmem:s3] =	stream.indirect.scatter.add.f32 @!p1 [tilespmem:s24], [sflag:$0x3], $0x80, s17, s18, $0xb8;
	[tilespmem:$0x1C880] =	vst v63  }
0x94: {  	_ =	swait.ge [sflag:s20], $0x4000  }
0x95: {  	[sflag:s20] =	ssyncset.done $0x0  }
0x96: {  	s30 =	rddreg [dreg:$0xe];
	[sflag:s20] =	ssyncadd.s32 $0xFFFFC000  }
0x97: {  	[tilespmem:s14], [sflag:$0x2] =	stream.indirect.gather [hbm4b:s1+s13], $0x80, s30, s13, $0xb8;
	[tilespmem:$0x1C880] =	vst v63  }
0x98: {  	p1 =	sgt.u32 s8, $0x136;
	_ =	swait.ge [sflag:s15], $0x4000  }
0x99: {  	s17 =	simm.s32 @p1 $0x80;
	s18 =	simm.s32 @!p1 $0x14880;
	[sflag:s15] =	ssyncset.done $0x0  }
0x9a: {  	s19 =	simm.s32 @p1 $0x13F80;
	s20 =	simm.s32 @p1 $0x14880;
	[sflag:s15] =	ssyncadd.s32 $0xFFFFC000  }
0x9b: {  	[tilespmem:s20], [sflag:$0x1] =	stream.indirect.gather @p1 [hbm4b:s1+s17], $0x80, s19, s17, $0xb8;
	[tilespmem:$0x1C880] =	vst v63  }
0x9c: {  	s21 =	simm.s32 @!p1 $0x4;
	s17 =	simm.s32 @!p1 $0x80;
	s19 =	simm.s32 @!p1 $0x14680  }
0x9d: {  	[spmem:s3] =	stream.indirect.scatter.add.f32 @!p1 [tilespmem:s18], [sflag:$0x4], $0x80, s19, s17, $0xb8;
	[tilespmem:$0x1C880] =	vst v63  }
0x9e: {  	_ =	swait.ge @!p1 [sflag:s21], $0x4000  }
0x9f: {  	[sflag:s21] =	ssyncset.done @!p1 $0x0  }
0xa0: {  	s22 =	simm.s32 @!p1 $0x2;
	s19 =	simm.s32 @!p1 $0x13F80;
	[sflag:s21] =	ssyncadd.s32 @!p1 $0xFFFFC000  }
0xa1: {  	[tilespmem:s18], [sflag:$0x1] =	stream.indirect.gather @!p1 [hbm4b:s1+s17], $0x80, s19, s17, $0xb8;
	[tilespmem:$0x1C880] =	vst v63  }
0xa2: {  	_ =	swait.ge @!p1 [sflag:s22], $0x4000  }
0xa3: {  	s23 =	simm.s32 @!p1 $0x18880;
	s20 =	simm.s32 @!p1 $0x3;
	[sflag:s22] =	ssyncset.done @!p1 $0x0  }
0xa4: {  	s20 =	simm.s32 @p1 $0x2;
	s19 =	simm.s32 @!p1 $0x14700;
	[sflag:s22] =	ssyncadd.s32 @!p1 $0xFFFFC000  }
0xa5: {  	[spmem:s3] =	stream.indirect.scatter.add.f32 @!p1 [tilespmem:s23], [sflag:$0x3], $0x80, s19, s17, $0xb8;
	[tilespmem:$0x1C880] =	vst v63  }
0xa6: {  	_ =	swait.ge [sflag:s20], $0x4000  }
0xa7: {  	[sflag:s20] =	ssyncset.done $0x0  }
0xa8: {  	s31 =	rddreg [dreg:$0xf];
	[sflag:s20] =	ssyncadd.s32 $0xFFFFC000  }
0xa9: {  	[tilespmem:s14], [sflag:$0x2] =	stream.indirect.gather [hbm4b:s1+s13], $0x80, s31, s13, $0xb8;
	[tilespmem:$0x1C880] =	vst v63  }
0xaa: {  	_ =	swait.ge [sflag:s15], $0x4000  }
0xab: {  	[sflag:s15] =	ssyncset.done $0x0  }
0xac: {  	s19 =	simm.s32 @!p1 $0x14780;
	[sflag:s15] =	ssyncadd.s32 $0xFFFFC000  }
0xad: {  	[spmem:s3] =	stream.indirect.scatter.add.f32 @!p1 [tilespmem:s18], [sflag:$0x4], $0x80, s19, s17, $0xb8;
	[tilespmem:$0x1C880] =	vst v63  }
0xae: {  	_ =	swait.ge @!p1 [sflag:s21], $0x4000  }
0xaf: {  	[sflag:s21] =	ssyncset.done @!p1 $0x0  }
0xb0: {  	[sflag:s21] =	ssyncadd.s32 @!p1 $0xFFFFC000  }
0xb1: {  	_ =	swait.ge @!p1 [sflag:s22], $0x4000  }
0xb2: {  	[sflag:s22] =	ssyncset.done @!p1 $0x0  }
0xb3: {  	s18 =	simm.s32 @!p1 $0x14800;
	[sflag:s22] =	ssyncadd.s32 @!p1 $0xFFFFC000  }
0xb4: {  	[spmem:s3] =	stream.indirect.scatter.add.f32 @!p1 [tilespmem:s23], [sflag:$0x3], $0x80, s18, s17, $0xb8;
	[tilespmem:$0x1C880] =	vst v63  }
0xb5: {  	s19 =	simm.s32 $0x200;
	s18 =	simm.s32 $0x100;
	s17 =	smov.u32 s8  }
.LBB2_2:
0xb6: {  	_ =	swait.ge [sflag:s20], $0x4000  }
0xb7: {  	s22 =	rddreg [dreg:$0x5];
	[sflag:s20] =	ssyncset.done $0x0  }
0xb8: {  	[sflag:s20] =	ssyncadd.s32 $0xFFFFC000;
	s25 =	sadd.s32 s18, s22  }
0xb9: {  	[tilespmem:s11], [sflag:$0x3] =	stream.linear.gather [hbm4b:s25+s4], $0x800, $0x38;
	[tilespmem:$0x1C880] =	vst v63  }
0xba: {  	_ =	swait.ge [sflag:s12], $0x800  }
0xbb: {  	[sflag:s12] =	ssyncset.done $0x0;
	s26 =	rddreg [dreg:$0x4]  }
0xbc: {  	s28 =	rddreg [dreg:$0x6];
	[sflag:s12] =	ssyncadd.s32 $0xFFFFF800;
	s20 =	sadd.s32 s18, s26  }
0xbd: {  	[tilespmem:s28], [sflag:$0x3] =	stream.linear.gather [hbm4b:s20+s4], $0x800, $0x38;
	[tilespmem:$0x1C880] =	vst v63  }
0xbe: {  	_ =	swait.ge [sflag:s12], $0x800  }
0xbf: {  	[sflag:s12] =	ssyncset.done $0x0  }
0xc0: {  	s17 =	sadd.s32 $0x2, s17;
	s29 =	rddreg [dreg:$0x7];
	[sflag:s12] =	ssyncadd.s32 $0xFFFFF800  }
0xc1: {  	[tilespmem:s29], [sflag:$0x1] =	stream.indirect.gather [hbm4b:s1+s13], $0x80, s11, s13, $0xb8;
	[tilespmem:$0x1C880] =	vst v63  }
0xc2: {  	p2 =	sgt.u32 s17, $0x138;
	s30 =	rddreg [dreg:$0x8]  }
0xc3: {  	[tilespmem:s14], [sflag:$0x2] =	stream.indirect.gather [hbm4b:s1+s13], $0x80, s30, s13, $0xb8;
	[tilespmem:$0x1C880] =	vst v63  }
0xc4: {  	s21 =	smov.u32 s19;
	s22 =	simm.s32 @p2 $0x80;
	_ =	swait.ge [sflag:s15], $0x4000  }
0xc5: {  	s23 =	simm.s32 @p2 $0x13980;
	s24 =	simm.s32 @p2 $0x14880;
	[sflag:s15] =	ssyncset.done $0x0  }
0xc6: {  	s25 =	simm.s32 @!p2 $0x14080;
	s18 =	smov.u32 s21;
	[sflag:s15] =	ssyncadd.s32 $0xFFFFC000  }
0xc7: {  	[tilespmem:s24], [sflag:$0x1] =	stream.indirect.gather @p2 [hbm4b:s1+s22], $0x80, s23, s22, $0xb8;
	[tilespmem:$0x1C880] =	vst v63  }
0xc8: {  	s21 =	simm.s32 @!p2 $0x80;
	s26 =	simm.s32 @!p2 $0x4;
	s23 =	simm.s32 @!p2 $0x14880  }
0xc9: {  	[spmem:s3] =	stream.indirect.scatter.add.f32 @!p2 [tilespmem:s23], [sflag:$0x4], $0x80, s25, s21, $0xb8;
	[tilespmem:$0x1C880] =	vst v63  }
0xca: {  	_ =	swait.ge @!p2 [sflag:s26], $0x4000  }
0xcb: {  	[sflag:s26] =	ssyncset.done @!p2 $0x0  }
0xcc: {  	s28 =	simm.s32 @!p2 $0x2;
	s25 =	simm.s32 @!p2 $0x13980;
	[sflag:s26] =	ssyncadd.s32 @!p2 $0xFFFFC000  }
0xcd: {  	[tilespmem:s23], [sflag:$0x1] =	stream.indirect.gather @!p2 [hbm4b:s1+s21], $0x80, s25, s21, $0xb8;
	[tilespmem:$0x1C880] =	vst v63  }
0xce: {  	s20 =	simm.s32 @!p2 $0x3;
	_ =	swait.ge @!p2 [sflag:s28], $0x4000  }
0xcf: {  	s20 =	simm.s32 @p2 $0x2;
	[sflag:s28] =	ssyncset.done @!p2 $0x0  }
0xd0: {  	s29 =	simm.s32 @!p2 $0x18880;
	s25 =	simm.s32 @!p2 $0x14100;
	[sflag:s28] =	ssyncadd.s32 @!p2 $0xFFFFC000  }
0xd1: {  	[spmem:s3] =	stream.indirect.scatter.add.f32 @!p2 [tilespmem:s29], [sflag:$0x3], $0x80, s25, s21, $0xb8;
	[tilespmem:$0x1C880] =	vst v63  }
0xd2: {  	_ =	swait.ge [sflag:s20], $0x4000  }
0xd3: {  	[sflag:s20] =	ssyncset.done $0x0  }
0xd4: {  	s31 =	rddreg [dreg:$0x9];
	[sflag:s20] =	ssyncadd.s32 $0xFFFFC000  }
0xd5: {  	[tilespmem:s14], [sflag:$0x2] =	stream.indirect.gather [hbm4b:s1+s13], $0x80, s31, s13, $0xb8;
	[tilespmem:$0x1C880] =	vst v63  }
0xd6: {  	_ =	swait.ge [sflag:s15], $0x4000  }
0xd7: {  	[sflag:s15] =	ssyncset.done $0x0  }
0xd8: {  	s25 =	simm.s32 @p2 $0x13A80;
	[sflag:s15] =	ssyncadd.s32 $0xFFFFC000  }
0xd9: {  	[tilespmem:s24], [sflag:$0x1] =	stream.indirect.gather @p2 [hbm4b:s1+s22], $0x80, s25, s22, $0xb8;
	[tilespmem:$0x1C880] =	vst v63  }
0xda: {  	s30 =	simm.s32 @!p2 $0x14180  }
0xdb: {  	[spmem:s3] =	stream.indirect.scatter.add.f32 @!p2 [tilespmem:s23], [sflag:$0x4], $0x80, s30, s21, $0xb8;
	[tilespmem:$0x1C880] =	vst v63  }
0xdc: {  	_ =	swait.ge @!p2 [sflag:s26], $0x4000  }
0xdd: {  	[sflag:s26] =	ssyncset.done @!p2 $0x0  }
0xde: {  	s22 =	simm.s32 @!p2 $0x13A80;
	[sflag:s26] =	ssyncadd.s32 @!p2 $0xFFFFC000  }
0xdf: {  	[tilespmem:s23], [sflag:$0x1] =	stream.indirect.gather @!p2 [hbm4b:s1+s21], $0x80, s22, s21, $0xb8;
	[tilespmem:$0x1C880] =	vst v63  }
0xe0: {  	_ =	swait.ge @!p2 [sflag:s28], $0x4000  }
0xe1: {  	[sflag:s28] =	ssyncset.done @!p2 $0x0  }
0xe2: {  	s22 =	simm.s32 @!p2 $0x14200;
	[sflag:s28] =	ssyncadd.s32 @!p2 $0xFFFFC000  }
0xe3: {  	[spmem:s3] =	stream.indirect.scatter.add.f32 @!p2 [tilespmem:s29], [sflag:$0x3], $0x80, s22, s21, $0xb8;
	[tilespmem:$0x1C880] =	vst v63  }
0xe4: {  	_ =	swait.ge [sflag:s20], $0x4000  }
0xe5: {  	[sflag:s20] =	ssyncset.done $0x0  }
0xe6: {  	s30 =	rddreg [dreg:$0xa];
	[sflag:s20] =	ssyncadd.s32 $0xFFFFC000  }
0xe7: {  	[tilespmem:s14], [sflag:$0x2] =	stream.indirect.gather [hbm4b:s1+s13], $0x80, s30, s13, $0xb8;
	[tilespmem:$0x1C880] =	vst v63  }
0xe8: {  	p2 =	sgt.u32 s17, $0x137;
	_ =	swait.ge [sflag:s15], $0x4000  }
0xe9: {  	s23 =	simm.s32 @p2 $0x80;
	s22 =	simm.s32 @!p2 $0x14880;
	[sflag:s15] =	ssyncset.done $0x0  }
0xea: {  	s26 =	simm.s32 @p2 $0x14880;
	s20 =	simm.s32 @p2 $0x13B80;
	[sflag:s15] =	ssyncadd.s32 $0xFFFFC000  }
0xeb: {  	[tilespmem:s26], [sflag:$0x1] =	stream.indirect.gather @p2 [hbm4b:s1+s23], $0x80, s20, s23, $0xb8;
	[tilespmem:$0x1C880] =	vst v63  }
0xec: {  	s21 =	simm.s32 @!p2 $0x80;
	s24 =	simm.s32 @!p2 $0x4;
	s20 =	simm.s32 @!p2 $0x14280  }
0xed: {  	[spmem:s3] =	stream.indirect.scatter.add.f32 @!p2 [tilespmem:s22], [sflag:$0x4], $0x80, s20, s21, $0xb8;
	[tilespmem:$0x1C880] =	vst v63  }
0xee: {  	_ =	swait.ge @!p2 [sflag:s24], $0x4000  }
0xef: {  	[sflag:s24] =	ssyncset.done @!p2 $0x0  }
0xf0: {  	s28 =	simm.s32 @!p2 $0x13B80;
	s25 =	simm.s32 @!p2 $0x2;
	[sflag:s24] =	ssyncadd.s32 @!p2 $0xFFFFC000  }
0xf1: {  	[tilespmem:s22], [sflag:$0x1] =	stream.indirect.gather @!p2 [hbm4b:s1+s21], $0x80, s28, s21, $0xb8;
	[tilespmem:$0x1C880] =	vst v63  }
0xf2: {  	_ =	swait.ge @!p2 [sflag:s25], $0x4000  }
0xf3: {  	s29 =	simm.s32 @!p2 $0x14300;
	s20 =	simm.s32 @!p2 $0x3;
	[sflag:s25] =	ssyncset.done @!p2 $0x0  }
0xf4: {  	s20 =	simm.s32 @p2 $0x2;
	s28 =	simm.s32 @!p2 $0x18880;
	[sflag:s25] =	ssyncadd.s32 @!p2 $0xFFFFC000  }
0xf5: {  	[spmem:s3] =	stream.indirect.scatter.add.f32 @!p2 [tilespmem:s28], [sflag:$0x3], $0x80, s29, s21, $0xb8;
	[tilespmem:$0x1C880] =	vst v63  }
0xf6: {  	_ =	swait.ge [sflag:s20], $0x4000  }
0xf7: {  	[sflag:s20] =	ssyncset.done $0x0  }
0xf8: {  	s31 =	rddreg [dreg:$0xb];
	[sflag:s20] =	ssyncadd.s32 $0xFFFFC000  }
0xf9: {  	[tilespmem:s14], [sflag:$0x2] =	stream.indirect.gather [hbm4b:s1+s13], $0x80, s31, s13, $0xb8;
	[tilespmem:$0x1C880] =	vst v63  }
0xfa: {  	_ =	swait.ge [sflag:s15], $0x4000  }
0xfb: {  	[sflag:s15] =	ssyncset.done $0x0  }
0xfc: {  	s29 =	simm.s32 @p2 $0x13C80;
	[sflag:s15] =	ssyncadd.s32 $0xFFFFC000  }
0xfd: {  	[tilespmem:s26], [sflag:$0x1] =	stream.indirect.gather @p2 [hbm4b:s1+s23], $0x80, s29, s23, $0xb8;
	[tilespmem:$0x1C880] =	vst v63  }
0xfe: {  	s30 =	simm.s32 @!p2 $0x14380  }
0xff: {  	[spmem:s3] =	stream.indirect.scatter.add.f32 @!p2 [tilespmem:s22], [sflag:$0x4], $0x80, s30, s21, $0xb8;
	[tilespmem:$0x1C880] =	vst v63  }
0x100: {  	_ =	swait.ge @!p2 [sflag:s24], $0x4000  }
0x101: {  	[sflag:s24] =	ssyncset.done @!p2 $0x0  }
0x102: {  	s29 =	simm.s32 @!p2 $0x13C80;
	[sflag:s24] =	ssyncadd.s32 @!p2 $0xFFFFC000  }
0x103: {  	[tilespmem:s22], [sflag:$0x1] =	stream.indirect.gather @!p2 [hbm4b:s1+s21], $0x80, s29, s21, $0xb8;
	[tilespmem:$0x1C880] =	vst v63  }
0x104: {  	_ =	swait.ge @!p2 [sflag:s25], $0x4000  }
0x105: {  	[sflag:s25] =	ssyncset.done @!p2 $0x0  }
0x106: {  	s29 =	simm.s32 @!p2 $0x14400;
	[sflag:s25] =	ssyncadd.s32 @!p2 $0xFFFFC000  }
0x107: {  	[spmem:s3] =	stream.indirect.scatter.add.f32 @!p2 [tilespmem:s28], [sflag:$0x3], $0x80, s29, s21, $0xb8;
	[tilespmem:$0x1C880] =	vst v63  }
0x108: {  	_ =	swait.ge [sflag:s20], $0x4000  }
0x109: {  	[sflag:s20] =	ssyncset.done $0x0  }
0x10a: {  	s30 =	rddreg [dreg:$0xc];
	[sflag:s20] =	ssyncadd.s32 $0xFFFFC000  }
0x10b: {  	[tilespmem:s14], [sflag:$0x2] =	stream.indirect.gather [hbm4b:s1+s13], $0x80, s30, s13, $0xb8;
	[tilespmem:$0x1C880] =	vst v63  }
0x10c: {  	_ =	swait.ge [sflag:s15], $0x4000  }
0x10d: {  	[sflag:s15] =	ssyncset.done $0x0  }
0x10e: {  	s29 =	simm.s32 @p2 $0x13D80;
	[sflag:s15] =	ssyncadd.s32 $0xFFFFC000  }
0x10f: {  	[tilespmem:s26], [sflag:$0x1] =	stream.indirect.gather @p2 [hbm4b:s1+s23], $0x80, s29, s23, $0xb8;
	[tilespmem:$0x1C880] =	vst v63  }
0x110: {  	s30 =	simm.s32 @!p2 $0x14480  }
0x111: {  	[spmem:s3] =	stream.indirect.scatter.add.f32 @!p2 [tilespmem:s22], [sflag:$0x4], $0x80, s30, s21, $0xb8;
	[tilespmem:$0x1C880] =	vst v63  }
0x112: {  	_ =	swait.ge @!p2 [sflag:s24], $0x4000  }
0x113: {  	[sflag:s24] =	ssyncset.done @!p2 $0x0  }
0x114: {  	s29 =	simm.s32 @!p2 $0x13D80;
	[sflag:s24] =	ssyncadd.s32 @!p2 $0xFFFFC000  }
0x115: {  	[tilespmem:s22], [sflag:$0x1] =	stream.indirect.gather @!p2 [hbm4b:s1+s21], $0x80, s29, s21, $0xb8;
	[tilespmem:$0x1C880] =	vst v63  }
0x116: {  	_ =	swait.ge @!p2 [sflag:s25], $0x4000  }
0x117: {  	[sflag:s25] =	ssyncset.done @!p2 $0x0  }
0x118: {  	s29 =	simm.s32 @!p2 $0x14500;
	[sflag:s25] =	ssyncadd.s32 @!p2 $0xFFFFC000  }
0x119: {  	[spmem:s3] =	stream.indirect.scatter.add.f32 @!p2 [tilespmem:s28], [sflag:$0x3], $0x80, s29, s21, $0xb8;
	[tilespmem:$0x1C880] =	vst v63  }
0x11a: {  	_ =	swait.ge [sflag:s20], $0x4000  }
0x11b: {  	[sflag:s20] =	ssyncset.done $0x0  }
0x11c: {  	s31 =	rddreg [dreg:$0xd];
	[sflag:s20] =	ssyncadd.s32 $0xFFFFC000  }
0x11d: {  	[tilespmem:s14], [sflag:$0x2] =	stream.indirect.gather [hbm4b:s1+s13], $0x80, s31, s13, $0xb8;
	[tilespmem:$0x1C880] =	vst v63  }
0x11e: {  	_ =	swait.ge [sflag:s15], $0x4000  }
0x11f: {  	[sflag:s15] =	ssyncset.done $0x0  }
0x120: {  	s29 =	simm.s32 @p2 $0x13E80;
	[sflag:s15] =	ssyncadd.s32 $0xFFFFC000  }
0x121: {  	[tilespmem:s26], [sflag:$0x1] =	stream.indirect.gather @p2 [hbm4b:s1+s23], $0x80, s29, s23, $0xb8;
	[tilespmem:$0x1C880] =	vst v63  }
0x122: {  	s30 =	simm.s32 @!p2 $0x14580  }
0x123: {  	[spmem:s3] =	stream.indirect.scatter.add.f32 @!p2 [tilespmem:s22], [sflag:$0x4], $0x80, s30, s21, $0xb8;
	[tilespmem:$0x1C880] =	vst v63  }
0x124: {  	_ =	swait.ge @!p2 [sflag:s24], $0x4000  }
0x125: {  	[sflag:s24] =	ssyncset.done @!p2 $0x0  }
0x126: {  	s23 =	simm.s32 @!p2 $0x13E80;
	[sflag:s24] =	ssyncadd.s32 @!p2 $0xFFFFC000  }
0x127: {  	[tilespmem:s22], [sflag:$0x1] =	stream.indirect.gather @!p2 [hbm4b:s1+s21], $0x80, s23, s21, $0xb8;
	[tilespmem:$0x1C880] =	vst v63  }
0x128: {  	_ =	swait.ge @!p2 [sflag:s25], $0x4000  }
0x129: {  	[sflag:s25] =	ssyncset.done @!p2 $0x0  }
0x12a: {  	s22 =	simm.s32 @!p2 $0x14600;
	[sflag:s25] =	ssyncadd.s32 @!p2 $0xFFFFC000  }
0x12b: {  	[spmem:s3] =	stream.indirect.scatter.add.f32 @!p2 [tilespmem:s28], [sflag:$0x3], $0x80, s22, s21, $0xb8;
	[tilespmem:$0x1C880] =	vst v63  }
0x12c: {  	_ =	swait.ge [sflag:s20], $0x4000  }
0x12d: {  	[sflag:s20] =	ssyncset.done $0x0  }
0x12e: {  	s30 =	rddreg [dreg:$0xe];
	[sflag:s20] =	ssyncadd.s32 $0xFFFFC000  }
0x12f: {  	[tilespmem:s14], [sflag:$0x2] =	stream.indirect.gather [hbm4b:s1+s13], $0x80, s30, s13, $0xb8;
	[tilespmem:$0x1C880] =	vst v63  }
0x130: {  	p2 =	sgt.u32 s17, $0x136;
	_ =	swait.ge [sflag:s15], $0x4000  }
0x131: {  	s21 =	simm.s32 @!p2 $0x14880;
	s22 =	simm.s32 @p2 $0x13F80;
	[sflag:s15] =	ssyncset.done $0x0  }
0x132: {  	s23 =	simm.s32 @p2 $0x14880;
	s20 =	simm.s32 @p2 $0x80;
	[sflag:s15] =	ssyncadd.s32 $0xFFFFC000  }
0x133: {  	[tilespmem:s23], [sflag:$0x1] =	stream.indirect.gather @p2 [hbm4b:s1+s20], $0x80, s22, s20, $0xb8;
	[tilespmem:$0x1C880] =	vst v63  }
0x134: {  	s22 =	simm.s32 @!p2 $0x80;
	s20 =	simm.s32 @!p2 $0x14680;
	s23 =	simm.s32 @!p2 $0x4  }
0x135: {  	[spmem:s3] =	stream.indirect.scatter.add.f32 @!p2 [tilespmem:s21], [sflag:$0x4], $0x80, s20, s22, $0xb8;
	[tilespmem:$0x1C880] =	vst v63  }
0x136: {  	_ =	swait.ge @!p2 [sflag:s23], $0x4000  }
0x137: {  	[sflag:s23] =	ssyncset.done @!p2 $0x0  }
0x138: {  	s24 =	simm.s32 @!p2 $0x13F80;
	s25 =	simm.s32 @!p2 $0x2;
	[sflag:s23] =	ssyncadd.s32 @!p2 $0xFFFFC000  }
0x139: {  	[tilespmem:s21], [sflag:$0x1] =	stream.indirect.gather @!p2 [hbm4b:s1+s22], $0x80, s24, s22, $0xb8;
	[tilespmem:$0x1C880] =	vst v63  }
0x13a: {  	_ =	swait.ge @!p2 [sflag:s25], $0x4000  }
0x13b: {  	s26 =	simm.s32 @!p2 $0x18880;
	s20 =	simm.s32 @!p2 $0x3;
	[sflag:s25] =	ssyncset.done @!p2 $0x0  }
0x13c: {  	s20 =	simm.s32 @p2 $0x2;
	s24 =	simm.s32 @!p2 $0x14700;
	[sflag:s25] =	ssyncadd.s32 @!p2 $0xFFFFC000  }
0x13d: {  	[spmem:s3] =	stream.indirect.scatter.add.f32 @!p2 [tilespmem:s26], [sflag:$0x3], $0x80, s24, s22, $0xb8;
	[tilespmem:$0x1C880] =	vst v63  }
0x13e: {  	_ =	swait.ge [sflag:s20], $0x4000  }
0x13f: {  	[sflag:s20] =	ssyncset.done $0x0  }
0x140: {  	s31 =	rddreg [dreg:$0xf];
	[sflag:s20] =	ssyncadd.s32 $0xFFFFC000  }
0x141: {  	[tilespmem:s14], [sflag:$0x2] =	stream.indirect.gather [hbm4b:s1+s13], $0x80, s31, s13, $0xb8;
	[tilespmem:$0x1C880] =	vst v63  }
0x142: {  	_ =	swait.ge [sflag:s15], $0x4000  }
0x143: {  	[sflag:s15] =	ssyncset.done $0x0  }
0x144: {  	s24 =	simm.s32 @!p2 $0x14780;
	[sflag:s15] =	ssyncadd.s32 $0xFFFFC000  }
0x145: {  	[spmem:s3] =	stream.indirect.scatter.add.f32 @!p2 [tilespmem:s21], [sflag:$0x4], $0x80, s24, s22, $0xb8;
	[tilespmem:$0x1C880] =	vst v63  }
0x146: {  	s19 =	sadd.s32 $0x100, s19;
	_ =	swait.ge @!p2 [sflag:s23], $0x4000  }
0x147: {  	p1 =	sne.s32 s19, $0x500;
	[sflag:s23] =	ssyncset.done @!p2 $0x0  }
.Ltmp0:
0x148: {  	[sflag:s23] =	ssyncadd.s32 @!p2 $0xFFFFC000;
	(pc) =	sbr.rel @p1 .LBB2_2-.Ltmp0, $4  }
0x149: {  	_ =	swait.ge @!p2 [sflag:s25], $0x4000  }
0x14a: {  	[sflag:s25] =	ssyncset.done @!p2 $0x0  }
0x14b: {  	s21 =	simm.s32 @!p2 $0x14800;
	[sflag:s25] =	ssyncadd.s32 @!p2 $0xFFFFC000  }
0x14c: {  	[spmem:s3] =	stream.indirect.scatter.add.f32 @!p2 [tilespmem:s26], [sflag:$0x3], $0x80, s21, s22, $0xb8;
	[tilespmem:$0x1C880] =	vst v63  }
0x14d: {  	_ =	swait.ge [sflag:s20], $0x4000  }
0x14e: {  	s19 =	rddreg [dreg:$0x5];
	[sflag:s20] =	ssyncset.done $0x0  }
0x14f: {  	[sflag:s20] =	ssyncadd.s32 $0xFFFFC000;
	s19 =	sadd.s32 s18, s19  }
0x150: {  	[tilespmem:s11], [sflag:$0x3] =	stream.linear.gather [hbm4b:s19+s4], $0x800, $0x38;
	[tilespmem:$0x1C880] =	vst v63  }
0x151: {  	_ =	swait.ge [sflag:s12], $0x800  }
0x152: {  	s23 =	rddreg [dreg:$0x4];
	[sflag:s12] =	ssyncset.done $0x0  }
0x153: {  	s24 =	rddreg [dreg:$0x6];
	[sflag:s12] =	ssyncadd.s32 $0xFFFFF800;
	s25 =	sadd.s32 s18, s23  }
0x154: {  	[tilespmem:s24], [sflag:$0x3] =	stream.linear.gather [hbm4b:s25+s4], $0x800, $0x38;
	[tilespmem:$0x1C880] =	vst v63  }
0x155: {  	_ =	swait.ge [sflag:s12], $0x800  }
0x156: {  	[sflag:s12] =	ssyncset.done $0x0  }
0x157: {  	s26 =	rddreg [dreg:$0x7];
	[sflag:s12] =	ssyncadd.s32 $0xFFFFF800  }
0x158: {  	[tilespmem:s26], [sflag:$0x1] =	stream.indirect.gather [hbm4b:s1+s13], $0x80, s11, s13, $0xb8;
	[tilespmem:$0x1C880] =	vst v63  }
0x159: {  	s17 =	sadd.s32 $0x2, s17;
	s28 =	rddreg [dreg:$0x8]  }
0x15a: {  	[tilespmem:s14], [sflag:$0x2] =	stream.indirect.gather [hbm4b:s1+s13], $0x80, s28, s13, $0xb8;
	[tilespmem:$0x1C880] =	vst v63  }
0x15b: {  	p1 =	sgt.u32 s17, $0x138;
	_ =	swait.ge [sflag:s15], $0x4000  }
0x15c: {  	s20 =	simm.s32 @p1 $0x14880;
	s21 =	simm.s32 @!p1 $0x80;
	[sflag:s15] =	ssyncset.done $0x0  }
0x15d: {  	s19 =	simm.s32 @p1 $0x13980;
	s18 =	simm.s32 @p1 $0x80;
	[sflag:s15] =	ssyncadd.s32 $0xFFFFC000  }
0x15e: {  	[tilespmem:s20], [sflag:$0x1] =	stream.indirect.gather @p1 [hbm4b:s1+s18], $0x80, s19, s18, $0xb8;
	[tilespmem:$0x1C880] =	vst v63  }
0x15f: {  	s22 =	simm.s32 @!p1 $0x14880;
	s23 =	simm.s32 @!p1 $0x4;
	s19 =	simm.s32 @!p1 $0x14080  }
0x160: {  	[spmem:s3] =	stream.indirect.scatter.add.f32 @!p1 [tilespmem:s22], [sflag:$0x4], $0x80, s19, s21, $0xb8;
	[tilespmem:$0x1C880] =	vst v63  }
0x161: {  	_ =	swait.ge @!p1 [sflag:s23], $0x4000  }
0x162: {  	[sflag:s23] =	ssyncset.done @!p1 $0x0  }
0x163: {  	s24 =	simm.s32 @!p1 $0x2;
	s19 =	simm.s32 @!p1 $0x13980;
	[sflag:s23] =	ssyncadd.s32 @!p1 $0xFFFFC000  }
0x164: {  	[tilespmem:s22], [sflag:$0x1] =	stream.indirect.gather @!p1 [hbm4b:s1+s21], $0x80, s19, s21, $0xb8;
	[tilespmem:$0x1C880] =	vst v63  }
0x165: {  	_ =	swait.ge @!p1 [sflag:s24], $0x4000  }
0x166: {  	s25 =	simm.s32 @!p1 $0x14100;
	s19 =	simm.s32 @!p1 $0x3;
	[sflag:s24] =	ssyncset.done @!p1 $0x0  }
0x167: {  	s26 =	simm.s32 @!p1 $0x18880;
	s19 =	simm.s32 @p1 $0x2;
	[sflag:s24] =	ssyncadd.s32 @!p1 $0xFFFFC000  }
0x168: {  	[spmem:s3] =	stream.indirect.scatter.add.f32 @!p1 [tilespmem:s26], [sflag:$0x3], $0x80, s25, s21, $0xb8;
	[tilespmem:$0x1C880] =	vst v63  }
0x169: {  	_ =	swait.ge [sflag:s19], $0x4000  }
0x16a: {  	[sflag:s19] =	ssyncset.done $0x0  }
0x16b: {  	s29 =	rddreg [dreg:$0x9];
	[sflag:s19] =	ssyncadd.s32 $0xFFFFC000  }
0x16c: {  	[tilespmem:s14], [sflag:$0x2] =	stream.indirect.gather [hbm4b:s1+s13], $0x80, s29, s13, $0xb8;
	[tilespmem:$0x1C880] =	vst v63  }
0x16d: {  	_ =	swait.ge [sflag:s15], $0x4000  }
0x16e: {  	[sflag:s15] =	ssyncset.done $0x0  }
0x16f: {  	s25 =	simm.s32 @p1 $0x13A80;
	[sflag:s15] =	ssyncadd.s32 $0xFFFFC000  }
0x170: {  	[tilespmem:s20], [sflag:$0x1] =	stream.indirect.gather @p1 [hbm4b:s1+s18], $0x80, s25, s18, $0xb8;
	[tilespmem:$0x1C880] =	vst v63  }
0x171: {  	s18 =	simm.s32 @!p1 $0x14180  }
0x172: {  	[spmem:s3] =	stream.indirect.scatter.add.f32 @!p1 [tilespmem:s22], [sflag:$0x4], $0x80, s18, s21, $0xb8;
	[tilespmem:$0x1C880] =	vst v63  }
0x173: {  	_ =	swait.ge @!p1 [sflag:s23], $0x4000  }
0x174: {  	[sflag:s23] =	ssyncset.done @!p1 $0x0  }
0x175: {  	s18 =	simm.s32 @!p1 $0x13A80;
	[sflag:s23] =	ssyncadd.s32 @!p1 $0xFFFFC000  }
0x176: {  	[tilespmem:s22], [sflag:$0x1] =	stream.indirect.gather @!p1 [hbm4b:s1+s21], $0x80, s18, s21, $0xb8;
	[tilespmem:$0x1C880] =	vst v63  }
0x177: {  	_ =	swait.ge @!p1 [sflag:s24], $0x4000  }
0x178: {  	[sflag:s24] =	ssyncset.done @!p1 $0x0  }
0x179: {  	s18 =	simm.s32 @!p1 $0x14200;
	[sflag:s24] =	ssyncadd.s32 @!p1 $0xFFFFC000  }
0x17a: {  	[spmem:s3] =	stream.indirect.scatter.add.f32 @!p1 [tilespmem:s26], [sflag:$0x3], $0x80, s18, s21, $0xb8;
	[tilespmem:$0x1C880] =	vst v63  }
0x17b: {  	_ =	swait.ge [sflag:s19], $0x4000  }
0x17c: {  	[sflag:s19] =	ssyncset.done $0x0  }
0x17d: {  	s30 =	rddreg [dreg:$0xa];
	[sflag:s19] =	ssyncadd.s32 $0xFFFFC000  }
0x17e: {  	[tilespmem:s14], [sflag:$0x2] =	stream.indirect.gather [hbm4b:s1+s13], $0x80, s30, s13, $0xb8;
	[tilespmem:$0x1C880] =	vst v63  }
0x17f: {  	p1 =	sgt.u32 s17, $0x137;
	_ =	swait.ge [sflag:s15], $0x4000  }
0x180: {  	s20 =	simm.s32 @p1 $0x80;
	s18 =	simm.s32 @!p1 $0x14880;
	[sflag:s15] =	ssyncset.done $0x0  }
0x181: {  	s24 =	simm.s32 @p1 $0x14880;
	s19 =	simm.s32 @p1 $0x13B80;
	[sflag:s15] =	ssyncadd.s32 $0xFFFFC000  }
0x182: {  	[tilespmem:s24], [sflag:$0x1] =	stream.indirect.gather @p1 [hbm4b:s1+s20], $0x80, s19, s20, $0xb8;
	[tilespmem:$0x1C880] =	vst v63  }
0x183: {  	s21 =	simm.s32 @!p1 $0x14280;
	s22 =	simm.s32 @!p1 $0x4;
	s19 =	simm.s32 @!p1 $0x80  }
0x184: {  	[spmem:s3] =	stream.indirect.scatter.add.f32 @!p1 [tilespmem:s18], [sflag:$0x4], $0x80, s21, s19, $0xb8;
	[tilespmem:$0x1C880] =	vst v63  }
0x185: {  	_ =	swait.ge @!p1 [sflag:s22], $0x4000  }
0x186: {  	[sflag:s22] =	ssyncset.done @!p1 $0x0  }
0x187: {  	s23 =	simm.s32 @!p1 $0x2;
	s21 =	simm.s32 @!p1 $0x13B80;
	[sflag:s22] =	ssyncadd.s32 @!p1 $0xFFFFC000  }
0x188: {  	[tilespmem:s18], [sflag:$0x1] =	stream.indirect.gather @!p1 [hbm4b:s1+s19], $0x80, s21, s19, $0xb8;
	[tilespmem:$0x1C880] =	vst v63  }
0x189: {  	_ =	swait.ge @!p1 [sflag:s23], $0x4000  }
0x18a: {  	s26 =	simm.s32 @!p1 $0x14300;
	s21 =	simm.s32 @!p1 $0x3;
	[sflag:s23] =	ssyncset.done @!p1 $0x0  }
0x18b: {  	s25 =	simm.s32 @!p1 $0x18880;
	s21 =	simm.s32 @p1 $0x2;
	[sflag:s23] =	ssyncadd.s32 @!p1 $0xFFFFC000  }
0x18c: {  	[spmem:s3] =	stream.indirect.scatter.add.f32 @!p1 [tilespmem:s25], [sflag:$0x3], $0x80, s26, s19, $0xb8;
	[tilespmem:$0x1C880] =	vst v63  }
0x18d: {  	_ =	swait.ge [sflag:s21], $0x4000  }
0x18e: {  	[sflag:s21] =	ssyncset.done $0x0  }
0x18f: {  	s31 =	rddreg [dreg:$0xb];
	[sflag:s21] =	ssyncadd.s32 $0xFFFFC000  }
0x190: {  	[tilespmem:s14], [sflag:$0x2] =	stream.indirect.gather [hbm4b:s1+s13], $0x80, s31, s13, $0xb8;
	[tilespmem:$0x1C880] =	vst v63  }
0x191: {  	_ =	swait.ge [sflag:s15], $0x4000  }
0x192: {  	[sflag:s15] =	ssyncset.done $0x0  }
0x193: {  	s26 =	simm.s32 @p1 $0x13C80;
	[sflag:s15] =	ssyncadd.s32 $0xFFFFC000  }
0x194: {  	[tilespmem:s24], [sflag:$0x1] =	stream.indirect.gather @p1 [hbm4b:s1+s20], $0x80, s26, s20, $0xb8;
	[tilespmem:$0x1C880] =	vst v63  }
0x195: {  	s26 =	simm.s32 @!p1 $0x14380  }
0x196: {  	[spmem:s3] =	stream.indirect.scatter.add.f32 @!p1 [tilespmem:s18], [sflag:$0x4], $0x80, s26, s19, $0xb8;
	[tilespmem:$0x1C880] =	vst v63  }
0x197: {  	_ =	swait.ge @!p1 [sflag:s22], $0x4000  }
0x198: {  	[sflag:s22] =	ssyncset.done @!p1 $0x0  }
0x199: {  	s26 =	simm.s32 @!p1 $0x13C80;
	[sflag:s22] =	ssyncadd.s32 @!p1 $0xFFFFC000  }
0x19a: {  	[tilespmem:s18], [sflag:$0x1] =	stream.indirect.gather @!p1 [hbm4b:s1+s19], $0x80, s26, s19, $0xb8;
	[tilespmem:$0x1C880] =	vst v63  }
0x19b: {  	_ =	swait.ge @!p1 [sflag:s23], $0x4000  }
0x19c: {  	[sflag:s23] =	ssyncset.done @!p1 $0x0  }
0x19d: {  	s26 =	simm.s32 @!p1 $0x14400;
	[sflag:s23] =	ssyncadd.s32 @!p1 $0xFFFFC000  }
0x19e: {  	[spmem:s3] =	stream.indirect.scatter.add.f32 @!p1 [tilespmem:s25], [sflag:$0x3], $0x80, s26, s19, $0xb8;
	[tilespmem:$0x1C880] =	vst v63  }
0x19f: {  	_ =	swait.ge [sflag:s21], $0x4000  }
0x1a0: {  	[sflag:s21] =	ssyncset.done $0x0  }
0x1a1: {  	s28 =	rddreg [dreg:$0xc];
	[sflag:s21] =	ssyncadd.s32 $0xFFFFC000  }
0x1a2: {  	[tilespmem:s14], [sflag:$0x2] =	stream.indirect.gather [hbm4b:s1+s13], $0x80, s28, s13, $0xb8;
	[tilespmem:$0x1C880] =	vst v63  }
0x1a3: {  	_ =	swait.ge [sflag:s15], $0x4000  }
0x1a4: {  	[sflag:s15] =	ssyncset.done $0x0  }
0x1a5: {  	s26 =	simm.s32 @p1 $0x13D80;
	[sflag:s15] =	ssyncadd.s32 $0xFFFFC000  }
0x1a6: {  	[tilespmem:s24], [sflag:$0x1] =	stream.indirect.gather @p1 [hbm4b:s1+s20], $0x80, s26, s20, $0xb8;
	[tilespmem:$0x1C880] =	vst v63  }
0x1a7: {  	s26 =	simm.s32 @!p1 $0x14480  }
0x1a8: {  	[spmem:s3] =	stream.indirect.scatter.add.f32 @!p1 [tilespmem:s18], [sflag:$0x4], $0x80, s26, s19, $0xb8;
	[tilespmem:$0x1C880] =	vst v63  }
0x1a9: {  	_ =	swait.ge @!p1 [sflag:s22], $0x4000  }
0x1aa: {  	[sflag:s22] =	ssyncset.done @!p1 $0x0  }
0x1ab: {  	s26 =	simm.s32 @!p1 $0x13D80;
	[sflag:s22] =	ssyncadd.s32 @!p1 $0xFFFFC000  }
0x1ac: {  	[tilespmem:s18], [sflag:$0x1] =	stream.indirect.gather @!p1 [hbm4b:s1+s19], $0x80, s26, s19, $0xb8;
	[tilespmem:$0x1C880] =	vst v63  }
0x1ad: {  	_ =	swait.ge @!p1 [sflag:s23], $0x4000  }
0x1ae: {  	[sflag:s23] =	ssyncset.done @!p1 $0x0  }
0x1af: {  	s26 =	simm.s32 @!p1 $0x14500;
	[sflag:s23] =	ssyncadd.s32 @!p1 $0xFFFFC000  }
0x1b0: {  	[spmem:s3] =	stream.indirect.scatter.add.f32 @!p1 [tilespmem:s25], [sflag:$0x3], $0x80, s26, s19, $0xb8;
	[tilespmem:$0x1C880] =	vst v63  }
0x1b1: {  	_ =	swait.ge [sflag:s21], $0x4000  }
0x1b2: {  	[sflag:s21] =	ssyncset.done $0x0  }
0x1b3: {  	s29 =	rddreg [dreg:$0xd];
	[sflag:s21] =	ssyncadd.s32 $0xFFFFC000  }
0x1b4: {  	[tilespmem:s14], [sflag:$0x2] =	stream.indirect.gather [hbm4b:s1+s13], $0x80, s29, s13, $0xb8;
	[tilespmem:$0x1C880] =	vst v63  }
0x1b5: {  	_ =	swait.ge [sflag:s15], $0x4000  }
0x1b6: {  	[sflag:s15] =	ssyncset.done $0x0  }
0x1b7: {  	s26 =	simm.s32 @p1 $0x13E80;
	[sflag:s15] =	ssyncadd.s32 $0xFFFFC000  }
0x1b8: {  	[tilespmem:s24], [sflag:$0x1] =	stream.indirect.gather @p1 [hbm4b:s1+s20], $0x80, s26, s20, $0xb8;
	[tilespmem:$0x1C880] =	vst v63  }
0x1b9: {  	s20 =	simm.s32 @!p1 $0x14580  }
0x1ba: {  	[spmem:s3] =	stream.indirect.scatter.add.f32 @!p1 [tilespmem:s18], [sflag:$0x4], $0x80, s20, s19, $0xb8;
	[tilespmem:$0x1C880] =	vst v63  }
0x1bb: {  	_ =	swait.ge @!p1 [sflag:s22], $0x4000  }
0x1bc: {  	[sflag:s22] =	ssyncset.done @!p1 $0x0  }
0x1bd: {  	s20 =	simm.s32 @!p1 $0x13E80;
	[sflag:s22] =	ssyncadd.s32 @!p1 $0xFFFFC000  }
0x1be: {  	[tilespmem:s18], [sflag:$0x1] =	stream.indirect.gather @!p1 [hbm4b:s1+s19], $0x80, s20, s19, $0xb8;
	[tilespmem:$0x1C880] =	vst v63  }
0x1bf: {  	_ =	swait.ge @!p1 [sflag:s23], $0x4000  }
0x1c0: {  	[sflag:s23] =	ssyncset.done @!p1 $0x0  }
0x1c1: {  	s18 =	simm.s32 @!p1 $0x14600;
	[sflag:s23] =	ssyncadd.s32 @!p1 $0xFFFFC000  }
0x1c2: {  	[spmem:s3] =	stream.indirect.scatter.add.f32 @!p1 [tilespmem:s25], [sflag:$0x3], $0x80, s18, s19, $0xb8;
	[tilespmem:$0x1C880] =	vst v63  }
0x1c3: {  	_ =	swait.ge [sflag:s21], $0x4000  }
0x1c4: {  	[sflag:s21] =	ssyncset.done $0x0  }
0x1c5: {  	s30 =	rddreg [dreg:$0xe];
	[sflag:s21] =	ssyncadd.s32 $0xFFFFC000  }
0x1c6: {  	[tilespmem:s14], [sflag:$0x2] =	stream.indirect.gather [hbm4b:s1+s13], $0x80, s30, s13, $0xb8;
	[tilespmem:$0x1C880] =	vst v63  }
0x1c7: {  	p1 =	sgt.u32 s17, $0x136;
	_ =	swait.ge [sflag:s15], $0x4000  }
0x1c8: {  	s17 =	simm.s32 @p1 $0x80;
	s18 =	simm.s32 @!p1 $0x14880;
	[sflag:s15] =	ssyncset.done $0x0  }
0x1c9: {  	s19 =	simm.s32 @p1 $0x13F80;
	s20 =	simm.s32 @p1 $0x14880;
	[sflag:s15] =	ssyncadd.s32 $0xFFFFC000  }
0x1ca: {  	[tilespmem:s20], [sflag:$0x1] =	stream.indirect.gather @p1 [hbm4b:s1+s17], $0x80, s19, s17, $0xb8;
	[tilespmem:$0x1C880] =	vst v63  }
0x1cb: {  	s17 =	simm.s32 @!p1 $0x80;
	s19 =	simm.s32 @!p1 $0x14680;
	s20 =	simm.s32 @!p1 $0x4  }
0x1cc: {  	[spmem:s3] =	stream.indirect.scatter.add.f32 @!p1 [tilespmem:s18], [sflag:$0x4], $0x80, s19, s17, $0xb8;
	[tilespmem:$0x1C880] =	vst v63  }
0x1cd: {  	_ =	swait.ge @!p1 [sflag:s20], $0x4000  }
0x1ce: {  	[sflag:s20] =	ssyncset.done @!p1 $0x0  }
0x1cf: {  	s21 =	simm.s32 @!p1 $0x2;
	s19 =	simm.s32 @!p1 $0x13F80;
	[sflag:s20] =	ssyncadd.s32 @!p1 $0xFFFFC000  }
0x1d0: {  	[tilespmem:s18], [sflag:$0x1] =	stream.indirect.gather @!p1 [hbm4b:s1+s17], $0x80, s19, s17, $0xb8;
	[tilespmem:$0x1C880] =	vst v63  }
0x1d1: {  	_ =	swait.ge @!p1 [sflag:s21], $0x4000  }
0x1d2: {  	s22 =	simm.s32 @!p1 $0x14700;
	s19 =	simm.s32 @!p1 $0x3;
	[sflag:s21] =	ssyncset.done @!p1 $0x0  }
0x1d3: {  	s23 =	simm.s32 @!p1 $0x18880;
	s19 =	simm.s32 @p1 $0x2;
	[sflag:s21] =	ssyncadd.s32 @!p1 $0xFFFFC000  }
0x1d4: {  	[spmem:s3] =	stream.indirect.scatter.add.f32 @!p1 [tilespmem:s23], [sflag:$0x3], $0x80, s22, s17, $0xb8;
	[tilespmem:$0x1C880] =	vst v63  }
0x1d5: {  	_ =	swait.ge [sflag:s19], $0x4000  }
0x1d6: {  	[sflag:s19] =	ssyncset.done $0x0  }
0x1d7: {  	s31 =	rddreg [dreg:$0xf];
	[sflag:s19] =	ssyncadd.s32 $0xFFFFC000  }
0x1d8: {  	[tilespmem:s14], [sflag:$0x2] =	stream.indirect.gather [hbm4b:s1+s13], $0x80, s31, s13, $0xb8;
	[tilespmem:$0x1C880] =	vst v63  }
0x1d9: {  	_ =	swait.ge [sflag:s15], $0x4000  }
0x1da: {  	[sflag:s15] =	ssyncset.done $0x0  }
0x1db: {  	s22 =	simm.s32 @!p1 $0x14780;
	[sflag:s15] =	ssyncadd.s32 $0xFFFFC000  }
0x1dc: {  	[spmem:s3] =	stream.indirect.scatter.add.f32 @!p1 [tilespmem:s18], [sflag:$0x4], $0x80, s22, s17, $0xb8;
	[tilespmem:$0x1C880] =	vst v63  }
0x1dd: {  	_ =	swait.ge @!p1 [sflag:s20], $0x4000  }
0x1de: {  	[sflag:s20] =	ssyncset.done @!p1 $0x0  }
0x1df: {  	[sflag:s20] =	ssyncadd.s32 @!p1 $0xFFFFC000  }
0x1e0: {  	_ =	swait.ge @!p1 [sflag:s21], $0x4000  }
0x1e1: {  	[sflag:s21] =	ssyncset.done @!p1 $0x0  }
0x1e2: {  	s18 =	simm.s32 @!p1 $0x14800;
	[sflag:s21] =	ssyncadd.s32 @!p1 $0xFFFFC000  }
0x1e3: {  	[spmem:s3] =	stream.indirect.scatter.add.f32 @!p1 [tilespmem:s23], [sflag:$0x3], $0x80, s18, s17, $0xb8;
	[tilespmem:$0x1C880] =	vst v63  }
0x1e4: {  	_ =	swait.ge [sflag:s19], $0x4000  }
0x1e5: {  	s16 =	sadd.s32 $0x1, s16;
	[sflag:s19] =	ssyncset.done $0x0  }
0x1e6: {  	p1 =	sne.s32 s16, s7;
	[sflag:s19] =	ssyncadd.s32 $0xFFFFC000  }
.Ltmp1:
0x1e7: {  	s17 =	simm.s32 @!p0 $0x3;
	[bflag:$0x0] =	sbarrier.arrive $0xFFFF;
	(pc) =	sbr.rel @p1 .LBB2_1-.Ltmp1, $4  }
0x1e8: {  	[hbm:s6], [sflag:s9] =	dma.local @!p0 [spmem:s10], $0x3E80  }
0x1e9: {  	_ =	swait.ge @!p0 [sflag:s17], $0x3E80  }
0x1ea: {  	[sflag:s17] =	ssyncset.done @!p0 $0x0  }
0x1eb: {  	[sflag:s17] =	ssyncadd.s32 @!p0 $0xFFFFC180  }
0x1ec: {  	_ =	sfence.sel $0x180000  }
0x1ed: {  	[bflag:$0x0] =	sbarrier.arrive $0xFFFF  }
0x1ee: {  	p0 =	sne.s32 s0, $0x0;
	_ =	strace $0x9000004D  }
0x1ef: {  	s0 =	sadd.s32 @!p0 $0x100000, s2;
	[bflag:$0x2] =	sbarrier.arrive $0xFFFF  }
0x1f0: {  	[sflag:s0] =	ssyncadd.tile.s32 @!p0 $0x1;
	_ =	shalt  }
.Lfunc_end2:
_tile_overlayer_lowered:
.L_overlay_start_2:
0x1f1: {  	(tag) =	ssettag $0x2  }
0x1f2: {  	s0 =	rddreg [dreg:$0x0];
	s2 =	stileid.u32  }
0x1f3: {  	s1 =	rddreg [dreg:$0x1];
	p0 =	sne.s32 s2, $0x0  }
0x1f4: {  	s3 =	rddreg [dreg:$0x2];
	[bflag:$0x3] =	sbarrier.arrive $0xFFFF;
	s2 =	simm.s32 @!p0 $0x1C03  }
0x1f5: {  	[timem:s3], [sflag:s2] =	dma.local @!p0 [hbm:s0], s1  }
0x1f6: {  	s0 =	simm.s32 @!p0 $0x3  }
0x1f7: {  	_ =	swait.ge @!p0 [sflag:s0], s1  }
0x1f8: {  	s1 =	ssub.s32 @!p0 $0x0, s1;
	[sflag:s0] =	ssyncset.done @!p0 $0x0  }
0x1f9: {  	[sflag:s0] =	ssyncadd.s32 @!p0 s1  }
0x1fa: {  	[bflag:$0x3] =	sbarrier.arrive $0xFFFF  }
0x1fb: {  	_ =	shalt  }

// kernel: kernel.8.cloned.1.call-start
scs
__scs_entry_jumppad:
0x0: {  	(pc) =	sbr.rel $0x88, $3  }
0x1: {  	(tag) =	ssettag $0x0;
	lr =	simm.s32 $0x1  }
0x2: {  	[smem:$0x3F9C] =	sst lr;
	_ =	strace $0xD0000000  }
0x3: {  	_ = 	snop  }
0x4: {  	_ = 	snop  }
0x5: {  	_ = 	snop  }
0x6: {  	_ = 	snop  }
0x7: {  	_ = 	snop  }
__scs_overlays_trampoline_lowered:
0x8: {  	[smem:$0x3FAB] =	sst s0  }
0x9: {  	[smem:$0x3FAC] =	sst s1  }
0xa: {  	[smem:$0x3FAD] =	sst s2  }
0xb: {  	[smem:$0x3FAE] =	sst s3  }
0xc: {  	[smem:$0x3FAF] =	sst s4  }
0xd: {  	[smem:$0x3FB0] =	sst s5  }
0xe: {  	[smem:$0x3FB1] =	sst s6  }
0xf: {  	[smem:$0x3FB2] =	sst s7  }
0x10: {  	[smem:$0x3FB3] =	sst s8  }
0x11: {  	[smem:$0x3FB4] =	sst s9;
	s0 =	simm.s32 @!p0 $0x0  }
0x12: {  	s1 =	sld [smem:$0x3F9A];
	s0 =	simm.s32 @p0 $0x1  }
0x13: {  	[smem:$0x3FB5] =	sst s0;
	s0 =	simm.s32 @!p1 $0x0  }
0x14: {  	s2 =	sld [smem:$0x3F99];
	s0 =	simm.s32 @p1 $0x1  }
0x15: {  	[smem:$0x3FB6] =	sst s0;
	s0 =	simm.s32 @!p2 $0x0  }
0x16: {  	s3 =	sld [smem:$0x3FDB];
	s0 =	simm.s32 @p2 $0x1  }
0x17: {  	s4 =	simm.s32 $0x1BF5;
	[smem:$0x3FB8] =	sst s0  }
0x18: {  	s0 =	sld [smem:$0x3F9B];
	_ =	swait.ge [sflag:s4], $0x0  }
0x19: {  	s7 =	sld [smem:$0x3F9C]  }
0x1a: {  	s8 =	sadd.s32 $0xFFFFE003, lr  }
0x1b: {  	s9 =	sadd.s32 $0xFFFFFEF7, lr;
	s5 =	simm.s32 $0xFFFFFFFF;
	p2 =	slt.u32 s8, $0xFFFFF086  }
0x1c: {  	p1 =	slt.u32 s9, $0xF7A;
	s5 =	simm.s32 @!p2 $0x0  }
0x1d: {  	s5 =	simm.s32 @p1 $0x1;
	p0 =	seq.s32 s7, s2  }
0x1e: {  	s7 =	smul.u32 @!p0 $0xF7A, s2;
	p2 =	seq.s32 @!p0 s5, $0x0  }
0x1f: {  	s9 =	smul.u32 $0xF7A, s1;
	s8 =	simm.s32 @!p0 $0x1BF5;
	p2 =	por !p2, p0  }
0x20: {  	[sflag:s8] =	ssyncset.s32 @!p0 $0xFFFFF086;
	s6 =	sadd.s32 @!p0 s3, s7;
	s7 =	simm.s32 @!p0 $0x108  }
0x21: {  	s3 =	sadd.s32 s3, s9;
	s6 =	sadd.s32 @!p0 $0x88, s6;
	s7 =	simm.s32 @p2 $0x1082  }
0x22: {  	[simem:s7], [sflag:s8] =	dma.local @!p0 [hbm:s6], $0xF7A  }
0x23: {  	s9 =	sor.u32 $0xD0000000, s2;
	s6 =	simm.s32 $0x108;
	_ =	swait.ge @!p0 [sflag:s8], $0x0  }
0x24: {  	s3 =	sadd.s32 $0x88, s3;
	s6 =	simm.s32 @!p1 $0x1082;
	[sflag:s4] =	ssyncset.s32 $0xFFFFF086  }
0x25: {  	[simem:s6], [sflag:s4] =	dma.local [hbm:s3], $0xF7A  }
0x26: {  	[smem:$0x3F9C] =	sst s1;
	(tag) =	ssettag s2;
	_ =	strace s9  }
0x27: {  	s1 =	sld [smem:$0x3FAC]  }
0x28: {  	s2 =	sld [smem:$0x3FAD]  }
0x29: {  	s4 =	sld [smem:$0x3FAF]  }
0x2a: {  	p0 =	seq.s32 s5, $0x0;
	s5 =	sld [smem:$0x3FB0]  }
0x2b: {  	s6 =	sld [smem:$0x3FB1]  }
0x2c: {  	s7 =	sld [smem:$0x3FB2]  }
0x2d: {  	s3 =	simm.s32 $0x108;
	s8 =	sld [smem:$0x3FB3]  }
0x2e: {  	s3 =	simm.s32 @!p0 $0x1082;
	s9 =	sld [smem:$0x3FB4]  }
0x2f: {  	lr =	sadd.s32 s0, s3;
	s0 =	sld [smem:$0x3FAB]  }
0x30: {  	s3 =	sld [smem:$0x3FAE]  }
0x31: {  	[smem:$0x3FB7] =	sst s10  }
0x32: {  	s10 =	sld [smem:$0x3FB5];
	_ =	sdelay $0x3  }
0x33: {  	p0 =	seq.s32 s10, $0x1;
	s10 =	sld [smem:$0x3FB7];
	_ =	sdelay $0x3  }
0x34: {  	[smem:$0x3FB7] =	sst s10  }
0x35: {  	s10 =	sld [smem:$0x3FB6];
	_ =	sdelay $0x3  }
0x36: {  	p1 =	seq.s32 s10, $0x1;
	s10 =	sld [smem:$0x3FB7];
	_ =	sdelay $0x3  }
0x37: {  	[smem:$0x3FB7] =	sst s10  }
0x38: {  	s10 =	sld [smem:$0x3FB8]  }
0x39: {  	_ = 	snop;
	(pc) =	sbr.ind lr, $3  }
0x3a: {  	_ = 	snop  }
0x3b: {  	_ = 	snop  }
0x3c: {  	p2 =	seq.s32 s10, $0x1;
	s10 =	sld [smem:$0x3FB7]  }
0x3d: {  	_ =	shalt  }
0x3e: {  	_ =	shalt  }
0x3f: {  	_ =	shalt  }
0x40: {  	_ =	shalt  }
0x41: {  	_ =	shalt  }
0x42: {  	_ =	shalt  }
0x43: {  	_ =	shalt  }
0x44: {  	_ =	shalt  }
0x45: {  	_ =	shalt  }
0x46: {  	_ =	shalt  }
0x47: {  	_ =	shalt  }
0x48: {  	_ =	shalt  }
0x49: {  	_ =	shalt  }
0x4a: {  	_ =	shalt  }
0x4b: {  	_ =	shalt  }
0x4c: {  	_ =	shalt  }
0x4d: {  	_ =	shalt  }
0x4e: {  	_ =	shalt  }
0x4f: {  	_ =	shalt  }
0x50: {  	_ =	shalt  }
0x51: {  	_ =	shalt  }
0x52: {  	_ =	shalt  }
0x53: {  	_ =	shalt  }
0x54: {  	_ =	shalt  }
0x55: {  	_ =	shalt  }
0x56: {  	_ =	shalt  }
0x57: {  	_ =	shalt  }
0x58: {  	_ =	shalt  }
0x59: {  	_ =	shalt  }
0x5a: {  	_ =	shalt  }
0x5b: {  	_ =	shalt  }
0x5c: {  	_ =	shalt  }
0x5d: {  	_ =	shalt  }
0x5e: {  	_ =	shalt  }
0x5f: {  	_ =	shalt  }
0x60: {  	_ =	shalt  }
0x61: {  	_ =	shalt  }
0x62: {  	_ =	shalt  }
0x63: {  	_ =	shalt  }
0x64: {  	_ =	shalt  }
0x65: {  	_ =	shalt  }
0x66: {  	_ =	shalt  }
0x67: {  	_ =	shalt  }
0x68: {  	_ =	shalt  }
0x69: {  	_ =	shalt  }
0x6a: {  	_ =	shalt  }
0x6b: {  	_ =	shalt  }
0x6c: {  	_ =	shalt  }
0x6d: {  	_ =	shalt  }
0x6e: {  	_ =	shalt  }
0x6f: {  	_ =	shalt  }
0x70: {  	_ =	shalt  }
0x71: {  	_ =	shalt  }
0x72: {  	_ =	shalt  }
0x73: {  	_ =	shalt  }
0x74: {  	_ =	shalt  }
0x75: {  	_ =	shalt  }
0x76: {  	_ =	shalt  }
0x77: {  	_ =	shalt  }
0x78: {  	_ =	shalt  }
0x79: {  	_ =	shalt  }
0x7a: {  	_ =	shalt  }
0x7b: {  	_ =	shalt  }
0x7c: {  	_ =	shalt  }
0x7d: {  	_ =	shalt  }
0x7e: {  	_ =	shalt  }
0x7f: {  	_ =	shalt  }
0x80: {  	_ =	shalt  }
0x81: {  	_ =	shalt  }
0x82: {  	_ =	shalt  }
0x83: {  	_ =	shalt  }
0x84: {  	_ =	shalt  }
0x85: {  	_ =	shalt  }
0x86: {  	_ =	shalt  }
0x87: {  	_ =	shalt  }
.Lfunc_end0:
.L_simem_size_0:
called_computation_lowered:
.L_overlay_start_0:
0x88: {  	s2 =	sld [smem:$0x3FD9]  }
0x89: {  	s3 =	sld [smem:$0x3FFE];
	_ =	sdelay $0x1  }
0x8a: {  	s1 =	srdreg.scid  }
0x8b: {  	s0 =	sand.u32 $0x1, s1  }
0x8c: {  	s17 =	sshll.u32 s0, $0xA;
	s2 =	sadd.s32 s3, s2  }
0x8d: {  	s2 =	sadd.s32 s2, s17  }
0x8e: {  	[smem:$0x3FC3] =	sst s2  }
0x8f: {  	_ = 	snop  }
0x90: {  	s2 =	sld [smem:$0x3FD0];
	(tm) =	ssettm $0x1  }
0x91: {  	s18 =	sld [smem:$0x3FFB];
	_ =	sdelay $0x3  }
0x92: {  	_ =	strace s18  }
0x93: {  	s3 =	sld [smem:$0x3FFC];
	_ =	sdelay $0x3  }
0x94: {  	_ =	strace s3  }
0x95: {  	s3 =	sld [smem:$0x3FFD];
	_ =	sdelay $0x3  }
0x96: {  	_ =	strace s3  }
0x97: {  	_ =	strace $0x8FFFFFFF  }
0x98: {  	s19 =	sld [smem:$0x3FDB];
	_ =	sdelay $0x1  }
0x99: {  	s4 =	simm.s32 $_scs_section_size  }
0x9a: {  	s5 =	simm.s32 $_size__tile_overlayer_lowered;
	s6 =	simm.s32 $_tile_overlayer_lowered  }
0x9b: {  	s22 =	simm.s32 $0x1BFF;
	s21 =	sshll.u32 s6, $0x1;
	s3 =	sadd.s32 s4, s19  }
0x9c: {  	s7 =	simm.s32 $0x0;
	s20 =	sshll.u32 s5, $0x1;
	s5 =	sadd.s32 s21, s3  }
0x9d: {  	[timem:s7], [sflag:s22] =	dma.local [hbm:s5], s20  }
0x9e: {  	_ =	swait.ge [sflag:s22], s20  }
0x9f: {  	s4 =	ssub.s32 $0x0, s20;
	[sflag:s22] =	ssyncset.done $0x0  }
0xa0: {  	[sflag:s22] =	ssyncadd.s32 s4;
	_ =	sdelay $0x1  }
0xa1: {  	s23 =	simm.s32 $0x1B8B  }
0xa2: {  	_ =	swait.ge [sflag:s23], $0x1  }
0xa3: {  	[sflag:s23] =	ssyncset.done $0x0  }
0xa4: {  	s25 =	simm.s32 $0x1B8E;
	s24 =	sld [smem:$0x3FFE];
	[sflag:s23] =	ssyncadd.s32 $0xFFFFFFFF  }
0xa5: {  	s26 =	simm.s32 $execute0_lowered;
	[smem:$0x3FD2] =	sst s25  }
0xa6: {  	s5 =	sshll.u32 s26, $0x1;
	_ =	strace $0x80000046;
	[dreg:$0x1] =	wrdreg $0xFFFFFFFF  }
0xa7: {  	s28 =	simm.s32 $_size_execute0_lowered;
	s3 =	sadd.s32 s3, s5;
	[dreg:$0x0] =	wrdreg $0x0  }
0xa8: {  	s5 =	sshll.u32 s28, $0x1;
	[dreg:$0x2] =	wrdreg s3  }
0xa9: {  	[dreg:$0x3] =	wrdreg s5  }
0xaa: {  	[dreg:$0x4] =	wrdreg $0xC0  }
0xab: {  	_ =	task [dreg:s7], $0x5FFFF  }
0xac: {  	[dreg:$0x1] =	wrdreg $0xFFFFFFFF  }
0xad: {  	[dreg:$0x0] =	wrdreg $0x60  }
0xae: {  	[dreg:$0x2] =	wrdreg s24  }
0xaf: {  	[dreg:$0x3] =	wrdreg s2  }
0xb0: {  	[dreg:$0x4] =	wrdreg $0x0  }
0xb1: {  	[dreg:$0x5] =	wrdreg $0x9  }
0xb2: {  	_ =	task.clear_ibuf [dreg:s7], $0x6FFFF;
	_ =	strace $0x90000046  }
0xb3: {  	s29 =	simm.s32 $0x9;
	_ =	strace $0x80000048  }
0xb4: {  	_ =	swait.ge [sflag:s29], $0x1  }
0xb5: {  	[sflag:s29] =	ssyncadd.s32 $0xFFFFFFFF  }
0xb6: {  	_ =	strace $0x90000048  }
0xb7: {  	_ =	sfence  }
0xb8: {  	s30 =	sld [smem:$0x0];
	_ =	sdelay $0x2  }
0xb9: {  	s31 =	sshll.u32 s1, $0xD;
	s1 =	sshrl.u32 s1, $0x2  }
0xba: {  	s3 =	sand.u32 $0x4000, s31;
	s1 =	sadd.s32 s1, s30  }
0xbb: {  	s0 =	sor.u32 s3, s0;
	s1 =	sshll.u32 s1, $0x11  }
0xbc: {  	s0 =	sor.u32 s1, s0  }
0xbd: {  	s0 =	sadd.s32 $0x8F2B, s0  }
0xbe: {  	[sflag:s0] =	ssyncadd.remote.s32 $0x1  }
0xbf: {  	_ =	sfence.sel $0xFFFF  }
0xc0: {  	[dreg:$0x0] =	wrdreg $0xFFFFFFFF;
	(pc) =	sbr.abs _section_cstart, $3  }
0xc1: {  	[dreg:$0x1] =	wrdreg $0xFFFFFFFF  }
0xc2: {  	_ =	task.clear_ibuf [dreg:s7], $0x2FFFF;
	_ =	strace $0x9FFFFFFF  }
0xc3: {  	(tm) =	ssettm $0x7FFFFFFF  }
tec
execute0_lowered:
.L_overlay_start_1:
0x0: {  	(tag) =	ssettag $0x1  }
0x1: {  	s6 =	rddreg [dreg:$0x0]  }
0x2: {  	s2 =	rddreg [dreg:$0x2];
	s3 =	simm.s32 $0x0  }
0x3: {  	s4 =	stileid.u32;
	s5 =	srdreg.scid;
	s16 =	simm.s32 $0x5280  }
0x4: {  	s17 =	simm.s32 $0x300;
	s18 =	simm.s32 $0x380;
	s19 =	simm.s32 $0x400  }
0x5: {  	s20 =	simm.s32 $0x480;
	s21 =	simm.s32 $0x500;
	s22 =	simm.s32 $0x580  }
0x6: {  	s23 =	simm.s32 $0x600;
	[smem:$0x7FF] =	sst s3;
	s7 =	smul.u32 $0xA00, s4  }
0x7: {  	s14 =	sand.u32 $0x1, s5;
	s5 =	sadd.s32 $0x16800, s6;
	s11 =	smul.u32 $0x14, s4  }
0x8: {  	p0 =	seq.s32 s4, $0x0;
	s12 =	smul.u32 $0x14000, s4;
	p1 =	seq.s32 s14, $0x1  }
0x9: {  	_ =	strace $0x80000047;
	s0 =	simm.s32 @!p1 $0x0;
	p0 =	por !p0, !p1  }
0xa: {  	s8 =	ssub.s32 $0x2, s14;
	s0 =	simm.s32 @p1 $0x1;
	p0 =	por !p0, !p0  }
0xb: {  	s24 =	sor.u32 s4, s14;
	[smem:$0x7F8] =	sst s0;
	s0 =	simm.s32 @!p0 $0x0  }
0xc: {  	s9 =	sadd.s32 s7, s6;
	s0 =	simm.s32 @p0 $0x1;
	p0 =	sne.s32 s4, $0x0  }
0xd: {  	s31 =	sshrl.u32 s8, $0x1;
	[smem:$0x7F9] =	sst s0;
	s0 =	simm.s32 @!p0 $0x0  }
0xe: {  	s13 =	sshrl.u32 @!p0 s2, $0x3;
	s0 =	simm.s32 @p0 $0x1;
	p0 =	sne.s32 s14, $0x0  }
0xf: {  	s6 =	sadd.s32 $0x16E00, s6;
	[smem:$0x7FA] =	sst s0;
	s0 =	simm.s32 @!p0 $0x0  }
0x10: {  	s11 =	sor.u32 $0x1, s11;
	s0 =	simm.s32 @p0 $0x1;
	p0 =	seq.s32 s4, $0xF  }
0x11: {  	s10 =	ssub.s32 s8, s31;
	[smem:$0x7FB] =	sst s0;
	s0 =	simm.s32 @!p0 $0x0  }
0x12: {  	s7 =	sadd.s32 $0x2800, s9;
	s0 =	simm.s32 @p0 $0x1;
	p0 =	sne.s32 s24, $0x0  }
0x13: {  	s8 =	sadd.s32 $0xC800, s9;
	[smem:$0x7FC] =	sst s0;
	s0 =	simm.s32 @!p0 $0x0  }
0x14: {  	s9 =	smax.u32 s10, $0x1;
	s10 =	sadd.s32 $0xFFEC9000, s12;
	s0 =	simm.s32 @p0 $0x1  }
0x15: {  	v0 =	vimm.f32 $1.000000000e+00;
	s12 =	smul.u32 $0xA0, s4;
	s14 =	simm.s32 $0x80;
	[smem:$0x7FD] =	sst s0  }
.LBB2_1:
0x16: {  	s0 =	sld [smem:$0x7FA];
	_ =	sdelay $0x2  }
0x17: {  	p0 =	seq.s32 s0, $0x1  }
0x18: {  	s0 =	rddreg [dreg:$0x1];
	s24 =	simm.s32 @!p0 $0x1C02  }
0x19: {  	[spmem:s13], [sflag:s24] =	dma.local @!p0 [hbm:s0], $0x500  }
0x1a: {  	s24 =	simm.s32 @!p0 $0x2  }
0x1b: {  	_ =	swait.ge @!p0 [sflag:s24], $0x500  }
0x1c: {  	[sflag:s24] =	ssyncset.done @!p0 $0x0  }
0x1d: {  	[sflag:s24] =	ssyncadd.s32 @!p0 $0xFFFFFB00  }
0x1e: {  	[tilespmem:$0x5280] =	vst v0  }
0x1f: {  	[tilespmem:$0x5290] =	vst v0  }
0x20: {  	[tilespmem:$0x52A0] =	vst v0  }
0x21: {  	s25 =	sld [smem:$0x7FB];
	[tilespmem:$0x52B0] =	vst v0  }
0x22: {  	[tilespmem:$0x52C0] =	vst v0  }
0x23: {  	[tilespmem:$0x52D0] =	vst v0  }
0x24: {  	[tilespmem:$0x52E0] =	vst v0;
	p0 =	seq.s32 s25, $0x1  }
0x25: {  	[tilespmem:$0x52F0] =	vst v0;
	s24 =	simm.s32 @!p0 $0x0;
	s25 =	simm.s32 @!p0 $0x280  }
0x26: {  	[tilespmem:s25], [sflag:$0x2] =	stream.linear.gather @!p0 [hbm4b:s7+s24], $0x5000, $0x38;
	[tilespmem:$0x5300] =	vst v63  }
0x27: {  	s24 =	simm.s32 @!p0 $0x2  }
0x28: {  	_ =	swait.ge @!p0 [sflag:s24], $0x5000  }
0x29: {  	s26 =	sld [smem:$0x7F8];
	_ =	sdelay $0x1  }
0x2a: {  	[sflag:s24] =	ssyncset.done @!p0 $0x0  }
0x2b: {  	[sflag:s24] =	ssyncadd.s32 @!p0 $0xFFFFB000;
	p0 =	seq.s32 s26, $0x1  }
0x2c: {  	s24 =	simm.s32 @p0 $0x0;
	s25 =	simm.s32 @p0 $0x280  }
0x2d: {  	[tilespmem:s25], [sflag:$0x2] =	stream.linear.gather @p0 [hbm4b:s8+s24], $0x5000, $0x38;
	[tilespmem:$0x5300] =	vst v63  }
0x2e: {  	s24 =	simm.s32 @p0 $0x2  }
0x2f: {  	_ =	swait.ge @p0 [sflag:s24], $0x5000  }
0x30: {  	[sflag:s24] =	ssyncset.done @p0 $0x0  }
0x31: {  	[sflag:s24] =	ssyncadd.s32 @p0 $0xFFFFB000  }
0x32: {  	s31 =	simm.s32 $0x280;
	[bflag:$0x0] =	sbarrier.arrive $0xFFFF  }
0x33: {  	[spmem:s2] =	stream.indirect.scatter.add.f32 [tilespmem:s16], [sflag:$0x1], $0x1, s31, s14, $0xb8;
	[tilespmem:$0x5300] =	vst v63  }
0x34: {  	_ = 	snop  }
0x35: {  	[spmem:s2] =	stream.indirect.scatter.add.f32 [tilespmem:s16], [sflag:$0x1], $0x1, s17, s14, $0xb8;
	[tilespmem:$0x5300] =	vst v63  }
0x36: {  	_ = 	snop  }
0x37: {  	[spmem:s2] =	stream.indirect.scatter.add.f32 [tilespmem:s16], [sflag:$0x1], $0x1, s18, s14, $0xb8;
	[tilespmem:$0x5300] =	vst v63  }
0x38: {  	_ = 	snop  }
0x39: {  	[spmem:s2] =	stream.indirect.scatter.add.f32 [tilespmem:s16], [sflag:$0x1], $0x1, s19, s14, $0xb8;
	[tilespmem:$0x5300] =	vst v63  }
0x3a: {  	_ = 	snop  }
0x3b: {  	[spmem:s2] =	stream.indirect.scatter.add.f32 [tilespmem:s16], [sflag:$0x1], $0x1, s20, s14, $0xb8;
	[tilespmem:$0x5300] =	vst v63  }
0x3c: {  	_ = 	snop  }
0x3d: {  	[spmem:s2] =	stream.indirect.scatter.add.f32 [tilespmem:s16], [sflag:$0x1], $0x1, s21, s14, $0xb8;
	[tilespmem:$0x5300] =	vst v63  }
0x3e: {  	_ = 	snop  }
0x3f: {  	[spmem:s2] =	stream.indirect.scatter.add.f32 [tilespmem:s16], [sflag:$0x1], $0x1, s22, s14, $0xb8;
	[tilespmem:$0x5300] =	vst v63  }
0x40: {  	p0 =	sgt.u32 s11, $0x138  }
0x41: {  	[spmem:s2] =	stream.indirect.scatter.add.f32 [tilespmem:s16], [sflag:$0x1], $0x1, s23, s14, $0xb8;
	[tilespmem:$0x5300] =	vst v63  }
0x42: {  	s24 =	simm.s32 @!p0 $0x5280;
	s25 =	simm.s32 @!p0 $0x680;
	s26 =	simm.s32 @!p0 $0x80  }
0x43: {  	[spmem:s2] =	stream.indirect.scatter.add.f32 @!p0 [tilespmem:s24], [sflag:$0x1], $0x1, s25, s26, $0xb8;
	[tilespmem:$0x5300] =	vst v63  }
0x44: {  	s28 =	simm.s32 @!p0 $0x700;
	s25 =	sadd.s32 $0x0, s10  }
0x45: {  	[spmem:s2] =	stream.indirect.scatter.add.f32 @!p0 [tilespmem:s24], [sflag:$0x1], $0x1, s28, s26, $0xb8;
	[tilespmem:$0x5300] =	vst v63  }
0x46: {  	p1 =	seq.s32 @!p0 s25, $0x0;
	s28 =	simm.s32 @!p0 $0x780  }
0x47: {  	[spmem:s2] =	stream.indirect.scatter.add.f32 @!p0 [tilespmem:s24], [sflag:$0x1], $0x1, s28, s26, $0xb8;
	[tilespmem:$0x5300] =	vst v63  }
0x48: {  	s25 =	simm.s32 @!p0 $0x800;
	p1 =	por p1, p0  }
0x49: {  	[spmem:s2] =	stream.indirect.scatter.add.f32 @!p0 [tilespmem:s24], [sflag:$0x1], $0x1, s25, s26, $0xb8;
	[tilespmem:$0x5300] =	vst v63  }
0x4a: {  	s24 =	simm.s32 @!p1 $0x80;
	s25 =	simm.s32 @!p1 $0x5280;
	s26 =	simm.s32 @!p1 $0x880  }
0x4b: {  	[spmem:s2] =	stream.indirect.scatter.add.f32 @!p1 [tilespmem:s25], [sflag:$0x1], $0x1, s26, s24, $0xb8;
	[tilespmem:$0x5300] =	vst v63  }
0x4c: {  	s26 =	simm.s32 @!p1 $0x900  }
0x4d: {  	[spmem:s2] =	stream.indirect.scatter.add.f32 @!p1 [tilespmem:s25], [sflag:$0x1], $0x1, s26, s24, $0xb8;
	[tilespmem:$0x5300] =	vst v63  }
0x4e: {  	p0 =	sgt.u32 s12, $0x9C3;
	s26 =	simm.s32 @!p1 $0x980  }
0x4f: {  	[spmem:s2] =	stream.indirect.scatter.add.f32 @!p1 [tilespmem:s25], [sflag:$0x1], $0x1, s26, s24, $0xb8;
	[tilespmem:$0x5300] =	vst v63  }
0x50: {  	s28 =	simm.s32 @!p0 $0x1;
	s26 =	simm.s32 @!p1 $0xA00  }
0x51: {  	[spmem:s2] =	stream.indirect.scatter.add.f32 @!p1 [tilespmem:s25], [sflag:$0x1], $0x1, s26, s24, $0xb8;
	[tilespmem:$0x5300] =	vst v63  }
0x52: {  	_ =	swait.ge @!p0 [sflag:s28], $0x80  }
0x53: {  	[sflag:s28] =	ssyncset.done @!p0 $0x0  }
0x54: {  	[sflag:s28] =	ssyncadd.s32 @!p0 $0xFFFFFF80  }
0x55: {  	p1 =	sgt.u32 @!p0 s12, $0x9C1;
	_ =	swait.ge @!p0 [sflag:s28], $0x80  }
0x56: {  	p2 =	por p1, p0;
	[sflag:s28] =	ssyncset.done @!p0 $0x0  }
0x57: {  	s24 =	simm.s32 @!p2 $0x1;
	[sflag:s28] =	ssyncadd.s32 @!p0 $0xFFFFFF80  }
0x58: {  	_ =	swait.ge @!p2 [sflag:s24], $0x80  }
0x59: {  	[sflag:s24] =	ssyncset.done @!p2 $0x0  }
0x5a: {  	p3 =	sgt.u32 @!p2 s12, $0x9BF;
	[sflag:s24] =	ssyncadd.s32 @!p2 $0xFFFFFF80  }
0x5b: {  	p5 =	por @!p0 p3, p1;
	_ =	swait.ge @!p2 [sflag:s24], $0x80  }
0x5c: {  	p5 =	por p5, p0;
	[sflag:s24] =	ssyncset.done @!p2 $0x0  }
0x5d: {  	s25 =	simm.s32 @!p5 $0x1;
	[sflag:s24] =	ssyncadd.s32 @!p2 $0xFFFFFF80  }
0x5e: {  	_ =	swait.ge @!p5 [sflag:s25], $0x80  }
0x5f: {  	p6 =	sgt.u32 @!p5 s12, $0x9BD;
	[sflag:s25] =	ssyncset.done @!p5 $0x0  }
0x60: {  	p2 =	por @!p2 p6, p3;
	[sflag:s25] =	ssyncadd.s32 @!p5 $0xFFFFFF80  }
0x61: {  	p1 =	por @!p0 p2, p1;
	_ =	swait.ge @!p5 [sflag:s25], $0x80  }
0x62: {  	p0 =	por p1, p0;
	[sflag:s25] =	ssyncset.done @!p5 $0x0  }
0x63: {  	s29 =	simm.s32 @!p0 $0x1;
	[sflag:s25] =	ssyncadd.s32 @!p5 $0xFFFFFF80  }
0x64: {  	_ =	swait.ge @!p0 [sflag:s29], $0x80  }
0x65: {  	s30 =	sadd.s32 $0x1000, s10;
	s26 =	simm.s32 $0x2000;
	[sflag:s29] =	ssyncset.done @!p0 $0x0  }
0x66: {  	s28 =	sadd.s32 $0x1, s11;
	s24 =	sadd.s32 $0x8, s12;
	[sflag:s29] =	ssyncadd.s32 @!p0 $0xFFFFFF80  }
0x67: {  	p1 =	sgt.u32 s28, $0x138;
	s25 =	simm.s32 $0x1000;
	_ =	swait.ge @!p0 [sflag:s29], $0x80  }
.LBB2_2:
0x68: {  	s31 =	sshra.s32 @!p1 s25, $0x2;
	s0 =	simm.s32 @!p1 $0x5280;
	[sflag:s29] =	ssyncset.done @!p0 $0x0  }
0x69: {  	s15 =	simm.s32 @!p1 $0x80;
	s1 =	sadd.s32 @!p1 $0x680, s31;
	[sflag:s29] =	ssyncadd.s32 @!p0 $0xFFFFFF80  }
0x6a: {  	[spmem:s2] =	stream.indirect.scatter.add.f32 @!p1 [tilespmem:s0], [sflag:$0x1], $0x1, s1, s15, $0xb8;
	[tilespmem:$0x5300] =	vst v63  }
0x6b: {  	s29 =	sadd.s32 @!p1 $0x780, s31;
	s1 =	sadd.s32 @!p1 $0x700, s31;
	s31 =	sadd.s32 @!p1 $0x800, s31  }
0x6c: {  	[spmem:s2] =	stream.indirect.scatter.add.f32 @!p1 [tilespmem:s0], [sflag:$0x1], $0x1, s1, s15, $0xb8;
	[tilespmem:$0x5300] =	vst v63  }
0x6d: {  	p0 =	seq.s32 @!p1 s30, $0x0;
	s1 =	smov.u32 s26;
	s26 =	sadd.s32 $0x1000, s26  }
0x6e: {  	[spmem:s2] =	stream.indirect.scatter.add.f32 @!p1 [tilespmem:s0], [sflag:$0x1], $0x1, s29, s15, $0xb8;
	[tilespmem:$0x5300] =	vst v63  }
0x6f: {  	p2 =	por p0, p1;
	p6 =	sne.s32 s26, $0x13000  }
0x70: {  	[spmem:s2] =	stream.indirect.scatter.add.f32 @!p1 [tilespmem:s0], [sflag:$0x1], $0x1, s31, s15, $0xb8;
	[tilespmem:$0x5300] =	vst v63  }
0x71: {  	s29 =	simm.s32 @!p2 $0x5280;
	s0 =	sshra.s32 @!p2 s25, $0x2;
	s15 =	simm.s32 @!p2 $0x80  }
0x72: {  	s25 =	sadd.s32 @!p2 $0x880, s0;
	s30 =	sadd.s32 @!p2 $0x900, s0;
	s31 =	sadd.s32 @!p2 $0x980, s0  }
0x73: {  	[spmem:s2] =	stream.indirect.scatter.add.f32 @!p2 [tilespmem:s29], [sflag:$0x1], $0x1, s25, s15, $0xb8;
	[tilespmem:$0x5300] =	vst v63  }
0x74: {  	s0 =	sadd.s32 @!p2 $0xA00, s0;
	s25 =	smov.u32 s1  }
0x75: {  	[spmem:s2] =	stream.indirect.scatter.add.f32 @!p2 [tilespmem:s29], [sflag:$0x1], $0x1, s30, s15, $0xb8;
	[tilespmem:$0x5300] =	vst v63  }
0x76: {  	p1 =	sgt.u32 s24, $0x9C3  }
0x77: {  	[spmem:s2] =	stream.indirect.scatter.add.f32 @!p2 [tilespmem:s29], [sflag:$0x1], $0x1, s31, s15, $0xb8;
	[tilespmem:$0x5300] =	vst v63  }
0x78: {  	p0 =	sgt.u32 @!p1 s24, $0x9C1;
	s1 =	simm.s32 @!p1 $0x1  }
0x79: {  	[spmem:s2] =	stream.indirect.scatter.add.f32 @!p2 [tilespmem:s29], [sflag:$0x1], $0x1, s0, s15, $0xb8;
	[tilespmem:$0x5300] =	vst v63  }
0x7a: {  	_ =	swait.ge @!p1 [sflag:s1], $0x80  }
0x7b: {  	[sflag:s1] =	ssyncset.done @!p1 $0x0  }
0x7c: {  	[sflag:s1] =	ssyncadd.s32 @!p1 $0xFFFFFF80  }
0x7d: {  	p2 =	por p0, p1;
	_ =	swait.ge @!p1 [sflag:s1], $0x80  }
0x7e: {  	s0 =	simm.s32 @!p2 $0x1;
	p5 =	sgt.u32 @!p2 s24, $0x9BF;
	[sflag:s1] =	ssyncset.done @!p1 $0x0  }
0x7f: {  	p3 =	por @!p1 p5, p0;
	[sflag:s1] =	ssyncadd.s32 @!p1 $0xFFFFFF80  }
0x80: {  	_ =	swait.ge @!p2 [sflag:s0], $0x80  }
0x81: {  	[sflag:s0] =	ssyncset.done @!p2 $0x0  }
0x82: {  	[sflag:s0] =	ssyncadd.s32 @!p2 $0xFFFFFF80  }
0x83: {  	p3 =	por p3, p1;
	_ =	swait.ge @!p2 [sflag:s0], $0x80  }
0x84: {  	p4 =	sgt.u32 @!p3 s24, $0x9BD;
	s1 =	simm.s32 @!p3 $0x1;
	[sflag:s0] =	ssyncset.done @!p2 $0x0  }
0x85: {  	[sflag:s0] =	ssyncadd.s32 @!p2 $0xFFFFFF80;
	p2 =	por @!p2 p4, p5  }
0x86: {  	_ =	swait.ge @!p3 [sflag:s1], $0x80;
	p0 =	por @!p1 p2, p0  }
0x87: {  	[sflag:s1] =	ssyncset.done @!p3 $0x0  }
0x88: {  	[sflag:s1] =	ssyncadd.s32 @!p3 $0xFFFFFF80  }
0x89: {  	p0 =	por p0, p1;
	_ =	swait.ge @!p3 [sflag:s1], $0x80  }
0x8a: {  	s29 =	simm.s32 @!p0 $0x1;
	[sflag:s1] =	ssyncset.done @!p3 $0x0  }
.Ltmp0:
0x8b: {  	[sflag:s1] =	ssyncadd.s32 @!p3 $0xFFFFFF80;
	(pc) =	sbr.rel @p6 .LBB2_2-.Ltmp0, $4  }
0x8c: {  	_ =	swait.ge @!p0 [sflag:s29], $0x80  }
0x8d: {  	[sflag:s29] =	ssyncset.done @!p0 $0x0  }
0x8e: {  	s28 =	sadd.s32 $0x1, s28;
	s24 =	sadd.s32 $0x8, s24;
	[sflag:s29] =	ssyncadd.s32 @!p0 $0xFFFFFF80  }
0x8f: {  	s30 =	sadd.s32 s25, s10;
	p1 =	sgt.u32 s28, $0x138;
	_ =	swait.ge @!p0 [sflag:s29], $0x80  }
0x90: {  	s0 =	sshra.s32 @!p1 s25, $0x2;
	s1 =	simm.s32 @!p1 $0x5280;
	[sflag:s29] =	ssyncset.done @!p0 $0x0  }
0x91: {  	s26 =	simm.s32 @!p1 $0x80;
	s15 =	sadd.s32 @!p1 $0x680, s0;
	[sflag:s29] =	ssyncadd.s32 @!p0 $0xFFFFFF80  }
0x92: {  	[spmem:s2] =	stream.indirect.scatter.add.f32 @!p1 [tilespmem:s1], [sflag:$0x1], $0x1, s15, s26, $0xb8;
	[tilespmem:$0x5300] =	vst v63  }
0x93: {  	s15 =	sadd.s32 @!p1 $0x700, s0  }
0x94: {  	[spmem:s2] =	stream.indirect.scatter.add.f32 @!p1 [tilespmem:s1], [sflag:$0x1], $0x1, s15, s26, $0xb8;
	[tilespmem:$0x5300] =	vst v63  }
0x95: {  	p0 =	seq.s32 @!p1 s30, $0x0;
	s15 =	sadd.s32 @!p1 $0x780, s0  }
0x96: {  	[spmem:s2] =	stream.indirect.scatter.add.f32 @!p1 [tilespmem:s1], [sflag:$0x1], $0x1, s15, s26, $0xb8;
	[tilespmem:$0x5300] =	vst v63  }
0x97: {  	p2 =	por p0, p1;
	s0 =	sadd.s32 @!p1 $0x800, s0  }
0x98: {  	[spmem:s2] =	stream.indirect.scatter.add.f32 @!p1 [tilespmem:s1], [sflag:$0x1], $0x1, s0, s26, $0xb8;
	[tilespmem:$0x5300] =	vst v63  }
0x99: {  	s0 =	sshra.s32 @!p2 s25, $0x2  }
0x9a: {  	s15 =	simm.s32 @!p2 $0x5280;
	s1 =	simm.s32 @!p2 $0x80;
	s25 =	sadd.s32 @!p2 $0x880, s0  }
0x9b: {  	[spmem:s2] =	stream.indirect.scatter.add.f32 @!p2 [tilespmem:s15], [sflag:$0x1], $0x1, s25, s1, $0xb8;
	[tilespmem:$0x5300] =	vst v63  }
0x9c: {  	s25 =	sadd.s32 @!p2 $0x900, s0  }
0x9d: {  	[spmem:s2] =	stream.indirect.scatter.add.f32 @!p2 [tilespmem:s15], [sflag:$0x1], $0x1, s25, s1, $0xb8;
	[tilespmem:$0x5300] =	vst v63  }
0x9e: {  	p0 =	sgt.u32 s24, $0x9C3;
	s25 =	sadd.s32 @!p2 $0x980, s0  }
0x9f: {  	[spmem:s2] =	stream.indirect.scatter.add.f32 @!p2 [tilespmem:s15], [sflag:$0x1], $0x1, s25, s1, $0xb8;
	[tilespmem:$0x5300] =	vst v63  }
0xa0: {  	s0 =	sadd.s32 @!p2 $0xA00, s0;
	s25 =	simm.s32 @!p0 $0x1  }
0xa1: {  	[spmem:s2] =	stream.indirect.scatter.add.f32 @!p2 [tilespmem:s15], [sflag:$0x1], $0x1, s0, s1, $0xb8;
	[tilespmem:$0x5300] =	vst v63  }
0xa2: {  	_ =	swait.ge @!p0 [sflag:s25], $0x80  }
0xa3: {  	[sflag:s25] =	ssyncset.done @!p0 $0x0  }
0xa4: {  	[sflag:s25] =	ssyncadd.s32 @!p0 $0xFFFFFF80  }
0xa5: {  	p1 =	sgt.u32 @!p0 s24, $0x9C1;
	_ =	swait.ge @!p0 [sflag:s25], $0x80  }
0xa6: {  	p2 =	por p1, p0;
	[sflag:s25] =	ssyncset.done @!p0 $0x0  }
0xa7: {  	s0 =	simm.s32 @!p2 $0x1;
	[sflag:s25] =	ssyncadd.s32 @!p0 $0xFFFFFF80  }
0xa8: {  	_ =	swait.ge @!p2 [sflag:s0], $0x80  }
0xa9: {  	[sflag:s0] =	ssyncset.done @!p2 $0x0  }
0xaa: {  	p3 =	sgt.u32 @!p2 s24, $0x9BF;
	[sflag:s0] =	ssyncadd.s32 @!p2 $0xFFFFFF80  }
0xab: {  	p4 =	por @!p0 p3, p1;
	_ =	swait.ge @!p2 [sflag:s0], $0x80  }
0xac: {  	p4 =	por p4, p0;
	[sflag:s0] =	ssyncset.done @!p2 $0x0  }
0xad: {  	s1 =	simm.s32 @!p4 $0x1;
	[sflag:s0] =	ssyncadd.s32 @!p2 $0xFFFFFF80  }
0xae: {  	_ =	swait.ge @!p4 [sflag:s1], $0x80  }
0xaf: {  	p5 =	sgt.u32 @!p4 s24, $0x9BD;
	[sflag:s1] =	ssyncset.done @!p4 $0x0  }
0xb0: {  	p2 =	por @!p2 p5, p3;
	[sflag:s1] =	ssyncadd.s32 @!p4 $0xFFFFFF80  }
0xb1: {  	p1 =	por @!p0 p2, p1;
	_ =	swait.ge @!p4 [sflag:s1], $0x80  }
0xb2: {  	p0 =	por p1, p0;
	[sflag:s1] =	ssyncset.done @!p4 $0x0  }
0xb3: {  	s0 =	simm.s32 @!p0 $0x1;
	[sflag:s1] =	ssyncadd.s32 @!p4 $0xFFFFFF80  }
0xb4: {  	_ =	swait.ge @!p0 [sflag:s0], $0x80  }
0xb5: {  	[sflag:s0] =	ssyncset.done @!p0 $0x0  }
0xb6: {  	[sflag:s0] =	ssyncadd.s32 @!p0 $0xFFFFFF80  }
0xb7: {  	_ =	swait.ge @!p0 [sflag:s0], $0x80  }
0xb8: {  	s29 =	sld [smem:$0x7FC];
	_ =	sdelay $0x1  }
0xb9: {  	[sflag:s0] =	ssyncset.done @!p0 $0x0  }
0xba: {  	[sflag:s0] =	ssyncadd.s32 @!p0 $0xFFFFFF80;
	p0 =	seq.s32 s29, $0x1  }
0xbb: {  	s0 =	simm.s32 @!p0 $0x1  }
0xbc: {  	_ =	swait.ge @!p0 [sflag:s0], $0x80  }
0xbd: {  	[sflag:s0] =	ssyncset.done @!p0 $0x0  }
0xbe: {  	[sflag:s0] =	ssyncadd.s32 @!p0 $0xFFFFFF80  }
0xbf: {  	_ =	swait.ge @!p0 [sflag:s0], $0x80  }
0xc0: {  	[sflag:s0] =	ssyncset.done @!p0 $0x0  }
0xc1: {  	[sflag:s0] =	ssyncadd.s32 @!p0 $0xFFFFFF80  }
0xc2: {  	_ =	swait.ge @!p0 [sflag:s0], $0x80  }
0xc3: {  	[sflag:s0] =	ssyncset.done @!p0 $0x0  }
0xc4: {  	[sflag:s0] =	ssyncadd.s32 @!p0 $0xFFFFFF80  }
0xc5: {  	_ =	swait.ge @!p0 [sflag:s0], $0x80  }
0xc6: {  	[sflag:s0] =	ssyncset.done @!p0 $0x0  }
0xc7: {  	[sflag:s0] =	ssyncadd.s32 @!p0 $0xFFFFFF80  }
0xc8: {  	_ =	swait.ge @!p0 [sflag:s0], $0x80  }
0xc9: {  	[sflag:s0] =	ssyncset.done @!p0 $0x0  }
0xca: {  	[sflag:s0] =	ssyncadd.s32 @!p0 $0xFFFFFF80  }
0xcb: {  	_ =	swait.ge @!p0 [sflag:s0], $0x80  }
0xcc: {  	[sflag:s0] =	ssyncset.done @!p0 $0x0  }
0xcd: {  	[sflag:s0] =	ssyncadd.s32 @!p0 $0xFFFFFF80  }
0xce: {  	_ =	swait.ge @!p0 [sflag:s0], $0x80  }
0xcf: {  	[sflag:s0] =	ssyncset.done @!p0 $0x0  }
0xd0: {  	[sflag:s0] =	ssyncadd.s32 @!p0 $0xFFFFFF80  }
0xd1: {  	_ =	swait.ge @!p0 [sflag:s0], $0x80  }
0xd2: {  	s30 =	sld [smem:$0x7FD];
	_ =	sdelay $0x1  }
0xd3: {  	[sflag:s0] =	ssyncset.done @!p0 $0x0  }
0xd4: {  	[sflag:s0] =	ssyncadd.s32 @!p0 $0xFFFFFF80;
	p0 =	seq.s32 s30, $0x1  }
0xd5: {  	s0 =	sshll.u32 @!p0 s4, $0x6  }
0xd6: {  	[bflag:$0x0] =	sbarrier.arrive $0xFFFF;
	s1 =	sshrl.u32 @!p0 s2, $0x3;
	s0 =	sor.u32 @!p0 $0x1C02, s0  }
0xd7: {  	[hbm:s5], [sflag:s0] =	dma.local @!p0 [spmem:s1], $0x500  }
0xd8: {  	s0 =	simm.s32 @!p0 $0x2  }
0xd9: {  	_ =	swait.ge @!p0 [sflag:s0], $0x500  }
0xda: {  	s31 =	sld [smem:$0x7F9];
	_ =	sdelay $0x1  }
0xdb: {  	[sflag:s0] =	ssyncset.done @!p0 $0x0  }
0xdc: {  	s3 =	sadd.s32 $0x1, s3;
	[sflag:s0] =	ssyncadd.s32 @!p0 $0xFFFFFB00;
	p1 =	seq.s32 s31, $0x1  }
0xdd: {  	p0 =	sne.s32 s3, s9;
	s0 =	sshrl.u32 @p1 s2, $0x3;
	s1 =	simm.s32 @p1 $0x1C02  }
0xde: {  	[hbm:s6], [sflag:s1] =	dma.local @p1 [spmem:s0], $0x280  }
.Ltmp1:
0xdf: {  	_ = 	snop;
	(pc) =	sbr.rel @p0 .LBB2_1-.Ltmp1, $4  }
0xe0: {  	s0 =	simm.s32 @p1 $0x2  }
0xe1: {  	_ =	swait.ge @p1 [sflag:s0], $0x280  }
0xe2: {  	[sflag:s0] =	ssyncset.done @p1 $0x0  }
0xe3: {  	[sflag:s0] =	ssyncadd.s32 @p1 $0xFFFFFD80  }
0xe4: {  	_ =	sfence.sel $0x180000  }
0xe5: {  	[bflag:$0x0] =	sbarrier.arrive $0xFFFF  }
0xe6: {  	_ =	strace $0x90000047  }
0xe7: {  	[bflag:$0x2] =	sbarrier.arrive $0xFFFF  }
0xe8: {  	s1 =	sld [smem:$0x7FA];
	_ =	sdelay $0x2  }
0xe9: {  	s0 =	rddreg [dreg:$0x3];
	p0 =	seq.s32 s1, $0x1  }
0xea: {  	s0 =	sadd.s32 @!p0 $0x100000, s0  }
0xeb: {  	[sflag:s0] =	ssyncadd.tile.s32 @!p0 $0x1;
	_ =	shalt  }
.Lfunc_end2:
_tile_overlayer_lowered:
.L_overlay_start_2:
0xec: {  	(tag) =	ssettag $0x2  }
0xed: {  	s0 =	rddreg [dreg:$0x0];
	s2 =	stileid.u32  }
0xee: {  	s1 =	rddreg [dreg:$0x1];
	p0 =	sne.s32 s2, $0x0  }
0xef: {  	s3 =	rddreg [dreg:$0x2];
	[bflag:$0x3] =	sbarrier.arrive $0xFFFF;
	s2 =	simm.s32 @!p0 $0x1C02  }
0xf0: {  	[timem:s3], [sflag:s2] =	dma.local @!p0 [hbm:s0], s1  }
0xf1: {  	s0 =	simm.s32 @!p0 $0x2  }
0xf2: {  	_ =	swait.ge @!p0 [sflag:s0], s1  }
0xf3: {  	s1 =	ssub.s32 @!p0 $0x0, s1;
	[sflag:s0] =	ssyncset.done @!p0 $0x0  }
0xf4: {  	[sflag:s0] =	ssyncadd.s32 @!p0 s1  }
0xf5: {  	[bflag:$0x3] =	sbarrier.arrive $0xFFFF  }
0xf6: {  	_ =	shalt  }

</sc_bundles>
